<compile_context>
chip_gen: v7x
topology: tpu7x:2x2x1
jax: 0.10.2.dev20260603
libtpu: 0.0.44.dev20260713+nightly
codegen_flags: <defaults>
</compile_context>

<pallas_src>
import jax
import jax.numpy as jnp
from jax import lax
from jax.experimental import pallas as pl
from jax.experimental.pallas import tpu as pltpu
from jax.experimental.pallas import tpu_sc as plsc

N_NODES = 10000
N_EDGES = 320000
D = 128

NUM_CORES = 2
NUM_SUBCORES = 16
NW = NUM_CORES * NUM_SUBCORES
EDGES_PER_WORKER = N_EDGES // NW
CHUNK = 40
NCHUNKS = EDGES_PER_WORKER // CHUNK
BLOCK = 10
NBLOCKS = NCHUNKS // BLOCK
DRAIN_ROWS = 40
DRAIN_CHUNKS = N_NODES // DRAIN_ROWS
NLANE = 16


def _node_proj_body(x_ref, w_ref, b_ref, h_ref, t_ref):
    p = jnp.dot(x_ref[...], w_ref[...], preferred_element_type=jnp.float32)
    p = p + b_ref[...]
    h_ref[...] = p[:, 0 * D:1 * D]
    t_ref[0] = p[:, 1 * D:2 * D]
    t_ref[1] = p[:, 2 * D:3 * D]
    t_ref[2] = p[:, 3 * D:4 * D]


def _node_proj(x, w, b):
    blk = 1000
    grid = N_NODES // blk
    return pl.pallas_call(
        _node_proj_body,
        grid=(grid,),
        in_specs=[
            pl.BlockSpec((blk, D), lambda i: (i, 0)),
            pl.BlockSpec((D, 4 * D), lambda i: (0, 0)),
            pl.BlockSpec((1, 4 * D), lambda i: (0, 0)),
        ],
        out_specs=[
            pl.BlockSpec((blk, D), lambda i: (i, 0)),
            pl.BlockSpec((3, blk, D), lambda i: (0, i, 0)),
        ],
        out_shape=[
            jax.ShapeDtypeStruct((N_NODES, D), jnp.float32),
            jax.ShapeDtypeStruct((3, N_NODES, D), jnp.float32),
        ],
    )(x, w, b.reshape(1, 4 * D))


def _edge_proj_body(ef_ref, we_ref, be_ref, o_ref):
    o_ref[...] = jnp.dot(ef_ref[...], we_ref[...],
                         preferred_element_type=jnp.float32) + be_ref[...]


def _edge_proj(ef, we, be):
    blk = 8000
    grid = N_EDGES // blk
    return pl.pallas_call(
        _edge_proj_body,
        grid=(grid,),
        in_specs=[
            pl.BlockSpec((blk, ef.shape[1]), lambda i: (i, 0)),
            pl.BlockSpec((ef.shape[1], D), lambda i: (0, 0)),
            pl.BlockSpec((1, D), lambda i: (0, 0)),
        ],
        out_specs=pl.BlockSpec((blk, D), lambda i: (i, 0)),
        out_shape=jax.ShapeDtypeStruct((N_EDGES, D), jnp.float32),
    )(ef, we, be.reshape(1, D))


def _sc_body(t_hbm, ep_hbm, c_hbm, r_hbm, out_hbm,
             cidxB, ridxB, gb0, gb1, eb0, eb1,
             acc, sem0, sem1, sem3):
    cid = lax.axis_index("c")
    sid = lax.axis_index("s")
    wid = cid * NUM_SUBCORES + sid

    @pl.loop(0, DRAIN_ROWS)
    def _(i):
        for j in range(D // NLANE):
            eb0[i, pl.ds(j * NLANE, NLANE)] = jnp.zeros((NLANE,), jnp.float32)

    for t in range(-(-DRAIN_CHUNKS // NUM_SUBCORES)):
        c = sid + t * NUM_SUBCORES

        @pl.when(c < DRAIN_CHUNKS)
        def _():
            off = pl.multiple_of(c * DRAIN_ROWS, 8)
            pltpu.sync_copy(eb0, acc.at[pl.ds(off, DRAIN_ROWS)])

    plsc.subcore_barrier()

    gbufs = ((gb0, eb0, sem0), (gb1, eb1, sem1))

    def fire(blk, row, b):
        gb, eb, sem = gbufs[b]
        base = pl.multiple_of(
            (wid * EDGES_PER_WORKER + (blk * BLOCK + row) * CHUNK), 8)
        pltpu.async_copy(t_hbm.at[cidxB.at[row]], gb, sem)
        pltpu.async_copy(ep_hbm.at[pl.ds(base, CHUNK)], eb, sem)

    @pl.loop(0, NBLOCKS)
    def _(blk):
        pltpu.sync_copy(c_hbm.at[wid * NBLOCKS + blk], cidxB)
        pltpu.sync_copy(r_hbm.at[wid * NBLOCKS + blk], ridxB)

        @pl.when(blk > 0)
        def _():
            pltpu.make_async_copy(gb0.at[pl.ds(0, CHUNK)],
                                  acc.at[ridxB.at[0]], sem3).wait()

        fire(blk, 0, 0)

        @pl.loop(0, BLOCK, step=2)
        def _(i):
            for b in range(2):
                r = i + b

                @pl.when(r + 1 < BLOCK)
                def _():
                    @pl.when((blk > 0) | (r > 0))
                    def _():
                        pltpu.make_async_copy(gb0.at[pl.ds(0, CHUNK)],
                                              acc.at[ridxB.at[0]],
                                              sem3).wait()

                    fire(blk, r + 1, 1 - b)

                gb, eb, sem = gbufs[b]
                base = pl.multiple_of(
                    (wid * EDGES_PER_WORKER + (blk * BLOCK + r) * CHUNK), 8)
                pltpu.make_async_copy(t_hbm.at[cidxB.at[r]], gb, sem).wait()
                pltpu.make_async_copy(
                    ep_hbm.at[pl.ds(base, CHUNK)], eb, sem).wait()

                @pl.loop(0, CHUNK)
                def _(e):
                    for j in range(D // NLANE):
                        sl = pl.ds(j * NLANE, NLANE)
                        x = gb[e, sl] + gb[CHUNK + e, sl] + eb[e, sl]
                        eta = 1.0 / (1.0 + jnp.exp(-x))
                        gb[e, sl] = eta * gb[2 * CHUNK + e, sl]

                pltpu.async_copy(gb.at[pl.ds(0, CHUNK)],
                                 acc.at[ridxB.at[r]], sem3, add=True)

    for _ in range(2):
        pltpu.make_async_copy(gb0.at[pl.ds(0, CHUNK)],
                              acc.at[ridxB.at[0]], sem3).wait()

    plsc.subcore_barrier()

    for t in range(-(-DRAIN_CHUNKS // NUM_SUBCORES)):
        c = sid + t * NUM_SUBCORES

        @pl.when(c < DRAIN_CHUNKS)
        def _():
            off = pl.multiple_of(c * DRAIN_ROWS, 8)
            rows = pl.ds(off, DRAIN_ROWS)
            pltpu.sync_copy(acc.at[rows], eb0)
            pltpu.sync_copy(eb0, out_hbm.at[cid, rows])


def _sc_gather_scatter(t3, ep, senders, receivers):
    t = t3.reshape(3 * N_NODES, D)
    s2 = senders.reshape(N_EDGES // CHUNK, CHUNK)
    r2 = receivers.reshape(N_EDGES // CHUNK, CHUNK)
    cidx = jnp.stack([r2, s2 + N_NODES, s2 + 2 * N_NODES], axis=1)
    cidx = cidx.reshape(NW * NBLOCKS, BLOCK, 3 * CHUNK)
    r3 = r2.reshape(NW * NBLOCKS, BLOCK, CHUNK)
    mesh = plsc.VectorSubcoreMesh(core_axis_name="c", subcore_axis_name="s")
    kern = pl.kernel(
        _sc_body,
        mesh=mesh,
        out_type=jax.ShapeDtypeStruct((NUM_CORES, N_NODES, D), jnp.float32),
        scratch_types=[
            pltpu.VMEM((BLOCK, 3 * CHUNK), jnp.int32),
            pltpu.VMEM((BLOCK, CHUNK), jnp.int32),
            pltpu.VMEM((3 * CHUNK, D), jnp.float32),
            pltpu.VMEM((3 * CHUNK, D), jnp.float32),
            pltpu.VMEM((CHUNK, D), jnp.float32),
            pltpu.VMEM((CHUNK, D), jnp.float32),
            pltpu.VMEM_SHARED((N_NODES, D), jnp.float32),
            pltpu.SemaphoreType.DMA,
            pltpu.SemaphoreType.DMA,
            pltpu.SemaphoreType.DMA,
        ],
    )
    return kern(t, ep, cidx, r3)


def _combine_body(h_ref, p_ref, o_ref):
    o_ref[...] = h_ref[...] + p_ref[0] + p_ref[1]


def _combine(h, partials):
    blk = 1000
    grid = N_NODES // blk
    return pl.pallas_call(
        _combine_body,
        grid=(grid,),
        in_specs=[
            pl.BlockSpec((blk, D), lambda i: (i, 0)),
            pl.BlockSpec((NUM_CORES, blk, D), lambda i: (0, i, 0)),
        ],
        out_specs=pl.BlockSpec((blk, D), lambda i: (i, 0)),
        out_shape=jax.ShapeDtypeStruct((N_NODES, D), jnp.float32),
    )(h, partials)


@jax.jit
def kernel(node_features, senders, receivers, edge_features,
           W_kernel, W_bias, We_kernel, We_bias):
    h, t3 = _node_proj(node_features, W_kernel, W_bias)
    ep = _edge_proj(edge_features, We_kernel, We_bias)
    partials = _sc_gather_scatter(t3, ep, senders, receivers)
    return _combine(h, partials)

# --- scband reference (transcript-rebuilt; emitter-appended) ---
"""Pipeline reference for scband-residual-gated-gcn-28441273434190 (READ-ONLY COPY).

The authoritative reference and input builder live on the scoring server;
editing this copy changes nothing except your own understanding.
"""

import jax, jax.numpy as jnp
import numpy as np

EMBED_DIM = 128
N_NODES = 10000
N_EDGES = 320000
D_EDGE = 16

def _xavier_normal(key, shape):
    fan_in, fan_out = shape[0], shape[1]
    std = np.sqrt(2.0 / (fan_in + fan_out))
    return jax.random.normal(key, shape, dtype=jnp.float32) * std

def setup_inputs(seed: int = 0) -> dict:
    key = jax.random.key(seed)
    k1, k2, k3, k4, k5, k6 = jax.random.split(key, 6)
    node_features = jax.random.normal(k1, (N_NODES, EMBED_DIM), dtype=jnp.float32)
    senders = jax.random.randint(k2, (N_EDGES,), 0, N_NODES, dtype=jnp.int64 if jax.config.jax_enable_x64 else jnp.int32).astype(jnp.int32)
    receivers = jax.random.randint(k3, (N_EDGES,), 0, N_NODES, dtype=jnp.int64 if jax.config.jax_enable_x64 else jnp.int32).astype(jnp.int32)
    edge_features = jax.random.normal(k4, (N_EDGES, D_EDGE), dtype=jnp.float32)
    W_kernel = _xavier_normal(k5, (EMBED_DIM, 4 * EMBED_DIM))
    W_bias = jnp.zeros((4 * EMBED_DIM,), dtype=jnp.float32)
    We_kernel = _xavier_normal(k6, (D_EDGE, EMBED_DIM))
    We_bias = jnp.zeros((EMBED_DIM,), dtype=jnp.float32)
    return {"node_features": node_features, "senders": senders, "receivers": receivers, "edge_features": edge_features, "W_kernel": W_kernel, "W_bias": W_bias, "We_kernel": We_kernel, "We_bias": We_bias}

def reference(node_features, senders, receivers, edge_features, W_kernel, W_bias, We_kernel, We_bias):
    num_nodes = node_features.shape[-2]
    proj = node_features @ W_kernel + W_bias
    h, Q, K, V = jnp.split(proj, 4, axis=-1)
    query_edges = jnp.take_along_axis(Q, receivers[..., None], axis=-2)
    key_edges = jnp.take_along_axis(K, senders[..., None], axis=-2)
    value_edges = jnp.take_along_axis(V, senders[..., None], axis=-2)
    key_edges = key_edges + (edge_features @ We_kernel + We_bias)
    eta = jax.nn.sigmoid(query_edges + key_edges)
    updated = h + jax.ops.segment_sum(eta * value_edges, receivers, num_segments=num_nodes)
    return updated

if __name__ == "__main__":
    import jax
    _d = setup_inputs()
    print(jax.jit(kernel)(*tuple(_d.values())))

</pallas_src>

<mosaic_0001>
#map = affine_map<(d0, d1) -> (0, 0)>
#map1 = affine_map<(d0, d1) -> (0, 0, 0)>
module attributes {stable_mosaic.version = 14 : i64} {
  func.func @_sc_body(%arg0: i32, %arg1: i32, %arg2: memref<30000x128xf32, #tpu.memory_space<hbm>>, %arg3: memref<320000x128xf32, #tpu.memory_space<hbm>>, %arg4: memref<800x10x120xi32, #tpu.memory_space<hbm>>, %arg5: memref<800x10x40xi32, #tpu.memory_space<hbm>>, %arg6: memref<2x10000x128xf32, #tpu.memory_space<hbm>>, %arg7: memref<10x120xi32, #tpu.memory_space<vmem>>, %arg8: memref<10x40xi32, #tpu.memory_space<vmem>>, %arg9: memref<120x128xf32, #tpu.memory_space<vmem>>, %arg10: memref<120x128xf32, #tpu.memory_space<vmem>>, %arg11: memref<40x128xf32, #tpu.memory_space<vmem>>, %arg12: memref<40x128xf32, #tpu.memory_space<vmem>>, %arg13: memref<10000x128xf32, #tpu.memory_space<vmem_shared>>, %arg14: memref<!tpu.dma_semaphore, #tpu.memory_space<semaphore_mem>>, %arg15: memref<!tpu.dma_semaphore, #tpu.memory_space<semaphore_mem>>, %arg16: memref<!tpu.dma_semaphore, #tpu.memory_space<semaphore_mem>>) attributes {dimension_semantics = [#tpu.dimension_semantics<core_parallel>, #tpu.dimension_semantics<subcore_parallel>], iteration_bounds = array<i64: 2, 16>, scalar_prefetch = 0 : i64, scratch_operands = 10 : i64, tpu.core_type = #tpu.core_type<sc_vector_subcore>, window_params = [{transform_indices = #map}, {transform_indices = #map}, {transform_indices = #map1}, {transform_indices = #map1}, {transform_indices = #map1}]} {
    %mul3A = arith.constant 16 : i32
    %mul3A_0 = arith.muli %arg0, %mul3A : i32
    %add3A = arith.addi %mul3A_0, %arg1 : i32
    %scan3A = arith.constant 0 : i32
    %scan3A_1 = arith.constant 40 : i32
    %scan3A_2 = arith.addi %scan3A, %scan3A_1 : i32
    %scan3A_3 = arith.constant 1 : i32
    scf.for %scan3A_251 = %scan3A to %scan3A_2 step %scan3A_3  : i32 {
      %mul3A_252 = arith.constant 1 : i32
      %mul3A_253 = arith.muli %scan3A_251, %mul3A_252 : i32
      %add3A_254 = arith.constant 0 : i32
      %add3A_255 = arith.addi %add3A_254, %mul3A_253 : i32
      %broadcast_in_dim3A = arith.constant 0.000000e+00 : f32
      %broadcast_in_dim3A_256 = vector.broadcast %broadcast_in_dim3A : f32 to vector<16xf32>
      %swap3A = arith.index_cast %add3A_255 : i32 to index
      %swap3A_257 = arith.constant 0 : index
      %swap3A_258 = tpu.vector_load %arg11[%swap3A, %swap3A_257] {strides = array<i32>} : memref<40x128xf32, #tpu.memory_space<vmem>>, vector<1x16xf32>,
      %swap3A_259 = vector.shape_cast %swap3A_258 : vector<1x16xf32> to vector<16xf32>
      %swap3A_260 = vector.shape_cast %broadcast_in_dim3A_256 : vector<16xf32> to vector<1x16xf32>
      tpu.vector_store %arg11[%swap3A, %swap3A_257], %swap3A_260 {strides = array<i32>} : memref<40x128xf32, #tpu.memory_space<vmem>>, vector<1x16xf32>,
      %broadcast_in_dim3A_261 = arith.constant 0.000000e+00 : f32
      %broadcast_in_dim3A_262 = vector.broadcast %broadcast_in_dim3A_261 : f32 to vector<16xf32>
      %swap3A_263 = arith.index_cast %add3A_255 : i32 to index
      %swap3A_264 = arith.constant 16 : index
      %swap3A_265 = tpu.vector_load %arg11[%swap3A_263, %swap3A_264] {strides = array<i32>} : memref<40x128xf32, #tpu.memory_space<vmem>>, vector<1x16xf32>,
      %swap3A_266 = vector.shape_cast %swap3A_265 : vector<1x16xf32> to vector<16xf32>
      %swap3A_267 = vector.shape_cast %broadcast_in_dim3A_262 : vector<16xf32> to vector<1x16xf32>
      tpu.vector_store %arg11[%swap3A_263, %swap3A_264], %swap3A_267 {strides = array<i32>} : memref<40x128xf32, #tpu.memory_space<vmem>>, vector<1x16xf32>,
      %broadcast_in_dim3A_268 = arith.constant 0.000000e+00 : f32
      %broadcast_in_dim3A_269 = vector.broadcast %broadcast_in_dim3A_268 : f32 to vector<16xf32>
      %swap3A_270 = arith.index_cast %add3A_255 : i32 to index
      %swap3A_271 = arith.constant 32 : index
      %swap3A_272 = tpu.vector_load %arg11[%swap3A_270, %swap3A_271] {strides = array<i32>} : memref<40x128xf32, #tpu.memory_space<vmem>>, vector<1x16xf32>,
      %swap3A_273 = vector.shape_cast %swap3A_272 : vector<1x16xf32> to vector<16xf32>
      %swap3A_274 = vector.shape_cast %broadcast_in_dim3A_269 : vector<16xf32> to vector<1x16xf32>
      tpu.vector_store %arg11[%swap3A_270, %swap3A_271], %swap3A_274 {strides = array<i32>} : memref<40x128xf32, #tpu.memory_space<vmem>>, vector<1x16xf32>,
      %broadcast_in_dim3A_275 = arith.constant 0.000000e+00 : f32
      %broadcast_in_dim3A_276 = vector.broadcast %broadcast_in_dim3A_275 : f32 to vector<16xf32>
      %swap3A_277 = arith.index_cast %add3A_255 : i32 to index
      %swap3A_278 = arith.constant 48 : index
      %swap3A_279 = tpu.vector_load %arg11[%swap3A_277, %swap3A_278] {strides = array<i32>} : memref<40x128xf32, #tpu.memory_space<vmem>>, vector<1x16xf32>,
      %swap3A_280 = vector.shape_cast %swap3A_279 : vector<1x16xf32> to vector<16xf32>
      %swap3A_281 = vector.shape_cast %broadcast_in_dim3A_276 : vector<16xf32> to vector<1x16xf32>
      tpu.vector_store %arg11[%swap3A_277, %swap3A_278], %swap3A_281 {strides = array<i32>} : memref<40x128xf32, #tpu.memory_space<vmem>>, vector<1x16xf32>,
      %broadcast_in_dim3A_282 = arith.constant 0.000000e+00 : f32
      %broadcast_in_dim3A_283 = vector.broadcast %broadcast_in_dim3A_282 : f32 to vector<16xf32>
      %swap3A_284 = arith.index_cast %add3A_255 : i32 to index
      %swap3A_285 = arith.constant 64 : index
      %swap3A_286 = tpu.vector_load %arg11[%swap3A_284, %swap3A_285] {strides = array<i32>} : memref<40x128xf32, #tpu.memory_space<vmem>>, vector<1x16xf32>,
      %swap3A_287 = vector.shape_cast %swap3A_286 : vector<1x16xf32> to vector<16xf32>
      %swap3A_288 = vector.shape_cast %broadcast_in_dim3A_283 : vector<16xf32> to vector<1x16xf32>
      tpu.vector_store %arg11[%swap3A_284, %swap3A_285], %swap3A_288 {strides = array<i32>} : memref<40x128xf32, #tpu.memory_space<vmem>>, vector<1x16xf32>,
      %broadcast_in_dim3A_289 = arith.constant 0.000000e+00 : f32
      %broadcast_in_dim3A_290 = vector.broadcast %broadcast_in_dim3A_289 : f32 to vector<16xf32>
      %swap3A_291 = arith.index_cast %add3A_255 : i32 to index
      %swap3A_292 = arith.constant 80 : index
      %swap3A_293 = tpu.vector_load %arg11[%swap3A_291, %swap3A_292] {strides = array<i32>} : memref<40x128xf32, #tpu.memory_space<vmem>>, vector<1x16xf32>,
      %swap3A_294 = vector.shape_cast %swap3A_293 : vector<1x16xf32> to vector<16xf32>
      %swap3A_295 = vector.shape_cast %broadcast_in_dim3A_290 : vector<16xf32> to vector<1x16xf32>
      tpu.vector_store %arg11[%swap3A_291, %swap3A_292], %swap3A_295 {strides = array<i32>} : memref<40x128xf32, #tpu.memory_space<vmem>>, vector<1x16xf32>,
      %broadcast_in_dim3A_296 = arith.constant 0.000000e+00 : f32
      %broadcast_in_dim3A_297 = vector.broadcast %broadcast_in_dim3A_296 : f32 to vector<16xf32>
      %swap3A_298 = arith.index_cast %add3A_255 : i32 to index
      %swap3A_299 = arith.constant 96 : index
      %swap3A_300 = tpu.vector_load %arg11[%swap3A_298, %swap3A_299] {strides = array<i32>} : memref<40x128xf32, #tpu.memory_space<vmem>>, vector<1x16xf32>,
      %swap3A_301 = vector.shape_cast %swap3A_300 : vector<1x16xf32> to vector<16xf32>
      %swap3A_302 = vector.shape_cast %broadcast_in_dim3A_297 : vector<16xf32> to vector<1x16xf32>
      tpu.vector_store %arg11[%swap3A_298, %swap3A_299], %swap3A_302 {strides = array<i32>} : memref<40x128xf32, #tpu.memory_space<vmem>>, vector<1x16xf32>,
      %broadcast_in_dim3A_303 = arith.constant 0.000000e+00 : f32
      %broadcast_in_dim3A_304 = vector.broadcast %broadcast_in_dim3A_303 : f32 to vector<16xf32>
      %swap3A_305 = arith.index_cast %add3A_255 : i32 to index
      %swap3A_306 = arith.constant 112 : index
      %swap3A_307 = tpu.vector_load %arg11[%swap3A_305, %swap3A_306] {strides = array<i32>} : memref<40x128xf32, #tpu.memory_space<vmem>>, vector<1x16xf32>,
      %swap3A_308 = vector.shape_cast %swap3A_307 : vector<1x16xf32> to vector<16xf32>
      %swap3A_309 = vector.shape_cast %broadcast_in_dim3A_304 : vector<16xf32> to vector<1x16xf32>
      tpu.vector_store %arg11[%swap3A_305, %swap3A_306], %swap3A_309 {strides = array<i32>} : memref<40x128xf32, #tpu.memory_space<vmem>>, vector<1x16xf32>,
    }
    %scan3A_4 = arith.constant 40 : i32
    %add3A_5 = arith.constant 0 : i32
    %add3A_6 = arith.addi %arg1, %add3A_5 : i32
    %lt3A = arith.constant 250 : i32
    %lt3A_7 = arith.cmpi slt, %add3A_6, %lt3A : i32
    %convert_element_type3A = arith.extui %lt3A_7 : i1 to i32
    %cond3A = arith.constant 0 : i32
    %cond3A_8 = arith.cmpi ne, %convert_element_type3A, %cond3A : i32
    scf.if %cond3A_8 {
      %mul3A_251 = arith.constant 40 : i32
      %mul3A_252 = arith.muli %add3A_6, %mul3A_251 : i32
      %multiple_of3A = tpu.assume_multiple %mul3A_252, 8 : i32
      "tpu.region"() ({
        %run_scoped3A = tpu.sem_alloc : memref<!tpu.dma_semaphore, #tpu.memory_space<semaphore_mem>>
        %dma_start3A = arith.constant 0 : i32
        %dma_start3A_253 = tpu.memref_slice %arg13[%multiple_of3A, %dma_start3A] : memref<10000x128xf32, #tpu.memory_space<vmem_shared>> -> memref<40x128xf32, #tpu.memory_space<vmem_shared>>
        %dma_start3A_254 = arith.constant 0 : i32
        %dma_start3A_255 = tpu.memref_slice %arg13[%multiple_of3A, %dma_start3A_254] : memref<10000x128xf32, #tpu.memory_space<vmem_shared>> -> memref<40x128xf32, #tpu.memory_space<vmem_shared>>
        tpu.enqueue_dma source(%arg11 : memref<40x128xf32, #tpu.memory_space<vmem>>) target(%dma_start3A_255 : memref<40x128xf32, #tpu.memory_space<vmem_shared>>) target_semaphore(%run_scoped3A : memref<!tpu.dma_semaphore, #tpu.memory_space<semaphore_mem>>)
        %dma_wait3A_256 = arith.constant 0 : i32
        %dma_wait3A_257 = tpu.memref_slice %arg13[%multiple_of3A, %dma_wait3A_256] : memref<10000x128xf32, #tpu.memory_space<vmem_shared>> -> memref<40x128xf32, #tpu.memory_space<vmem_shared>>
        %dma_wait3A_258 = arith.constant 0 : i32
        %dma_wait3A_259 = tpu.memref_slice %arg13[%multiple_of3A, %dma_wait3A_258] : memref<10000x128xf32, #tpu.memory_space<vmem_shared>> -> memref<40x128xf32, #tpu.memory_space<vmem_shared>>
        tpu.wait_dma2 semaphore(%run_scoped3A : memref<!tpu.dma_semaphore, #tpu.memory_space<semaphore_mem>>) src(%arg11 : memref<40x128xf32, #tpu.memory_space<vmem>>) dst(%dma_wait3A_259 : memref<40x128xf32, #tpu.memory_space<vmem_shared>>)
        tpu.yield
      }) : () -> ()
    } else {
    }
    %add3A_9 = arith.constant 16 : i32
    %add3A_10 = arith.addi %arg1, %add3A_9 : i32
    %lt3A_11 = arith.constant 250 : i32
    %lt3A_12 = arith.cmpi slt, %add3A_10, %lt3A_11 : i32
    %convert_element_type3A_13 = arith.extui %lt3A_12 : i1 to i32
    %cond3A_14 = arith.constant 0 : i32
    %cond3A_15 = arith.cmpi ne, %convert_element_type3A_13, %cond3A_14 : i32
    scf.if %cond3A_15 {
      %mul3A_251 = arith.constant 40 : i32
      %mul3A_252 = arith.muli %add3A_10, %mul3A_251 : i32
      %multiple_of3A = tpu.assume_multiple %mul3A_252, 8 : i32
      "tpu.region"() ({
        %run_scoped3A = tpu.sem_alloc : memref<!tpu.dma_semaphore, #tpu.memory_space<semaphore_mem>>
        %dma_start3A = arith.constant 0 : i32
        %dma_start3A_253 = tpu.memref_slice %arg13[%multiple_of3A, %dma_start3A] : memref<10000x128xf32, #tpu.memory_space<vmem_shared>> -> memref<40x128xf32, #tpu.memory_space<vmem_shared>>
        %dma_start3A_254 = arith.constant 0 : i32
        %dma_start3A_255 = tpu.memref_slice %arg13[%multiple_of3A, %dma_start3A_254] : memref<10000x128xf32, #tpu.memory_space<vmem_shared>> -> memref<40x128xf32, #tpu.memory_space<vmem_shared>>
        tpu.enqueue_dma source(%arg11 : memref<40x128xf32, #tpu.memory_space<vmem>>) target(%dma_start3A_255 : memref<40x128xf32, #tpu.memory_space<vmem_shared>>) target_semaphore(%run_scoped3A : memref<!tpu.dma_semaphore, #tpu.memory_space<semaphore_mem>>)
        %dma_wait3A_256 = arith.constant 0 : i32
        %dma_wait3A_257 = tpu.memref_slice %arg13[%multiple_of3A, %dma_wait3A_256] : memref<10000x128xf32, #tpu.memory_space<vmem_shared>> -> memref<40x128xf32, #tpu.memory_space<vmem_shared>>
        %dma_wait3A_258 = arith.constant 0 : i32
        %dma_wait3A_259 = tpu.memref_slice %arg13[%multiple_of3A, %dma_wait3A_258] : memref<10000x128xf32, #tpu.memory_space<vmem_shared>> -> memref<40x128xf32, #tpu.memory_space<vmem_shared>>
        tpu.wait_dma2 semaphore(%run_scoped3A : memref<!tpu.dma_semaphore, #tpu.memory_space<semaphore_mem>>) src(%arg11 : memref<40x128xf32, #tpu.memory_space<vmem>>) dst(%dma_wait3A_259 : memref<40x128xf32, #tpu.memory_space<vmem_shared>>)
        tpu.yield
      }) : () -> ()
    } else {
    }
    %add3A_16 = arith.constant 32 : i32
    %add3A_17 = arith.addi %arg1, %add3A_16 : i32
    %lt3A_18 = arith.constant 250 : i32
    %lt3A_19 = arith.cmpi slt, %add3A_17, %lt3A_18 : i32
    %convert_element_type3A_20 = arith.extui %lt3A_19 : i1 to i32
    %cond3A_21 = arith.constant 0 : i32
    %cond3A_22 = arith.cmpi ne, %convert_element_type3A_20, %cond3A_21 : i32
    scf.if %cond3A_22 {
      %mul3A_251 = arith.constant 40 : i32
      %mul3A_252 = arith.muli %add3A_17, %mul3A_251 : i32
      %multiple_of3A = tpu.assume_multiple %mul3A_252, 8 : i32
      "tpu.region"() ({
        %run_scoped3A = tpu.sem_alloc : memref<!tpu.dma_semaphore, #tpu.memory_space<semaphore_mem>>
        %dma_start3A = arith.constant 0 : i32
        %dma_start3A_253 = tpu.memref_slice %arg13[%multiple_of3A, %dma_start3A] : memref<10000x128xf32, #tpu.memory_space<vmem_shared>> -> memref<40x128xf32, #tpu.memory_space<vmem_shared>>
        %dma_start3A_254 = arith.constant 0 : i32
        %dma_start3A_255 = tpu.memref_slice %arg13[%multiple_of3A, %dma_start3A_254] : memref<10000x128xf32, #tpu.memory_space<vmem_shared>> -> memref<40x128xf32, #tpu.memory_space<vmem_shared>>
        tpu.enqueue_dma source(%arg11 : memref<40x128xf32, #tpu.memory_space<vmem>>) target(%dma_start3A_255 : memref<40x128xf32, #tpu.memory_space<vmem_shared>>) target_semaphore(%run_scoped3A : memref<!tpu.dma_semaphore, #tpu.memory_space<semaphore_mem>>)
        %dma_wait3A_256 = arith.constant 0 : i32
        %dma_wait3A_257 = tpu.memref_slice %arg13[%multiple_of3A, %dma_wait3A_256] : memref<10000x128xf32, #tpu.memory_space<vmem_shared>> -> memref<40x128xf32, #tpu.memory_space<vmem_shared>>
        %dma_wait3A_258 = arith.constant 0 : i32
        %dma_wait3A_259 = tpu.memref_slice %arg13[%multiple_of3A, %dma_wait3A_258] : memref<10000x128xf32, #tpu.memory_space<vmem_shared>> -> memref<40x128xf32, #tpu.memory_space<vmem_shared>>
        tpu.wait_dma2 semaphore(%run_scoped3A : memref<!tpu.dma_semaphore, #tpu.memory_space<semaphore_mem>>) src(%arg11 : memref<40x128xf32, #tpu.memory_space<vmem>>) dst(%dma_wait3A_259 : memref<40x128xf32, #tpu.memory_space<vmem_shared>>)
        tpu.yield
      }) : () -> ()
    } else {
    }
    %add3A_23 = arith.constant 48 : i32
    %add3A_24 = arith.addi %arg1, %add3A_23 : i32
    %lt3A_25 = arith.constant 250 : i32
    %lt3A_26 = arith.cmpi slt, %add3A_24, %lt3A_25 : i32
    %convert_element_type3A_27 = arith.extui %lt3A_26 : i1 to i32
    %cond3A_28 = arith.constant 0 : i32
    %cond3A_29 = arith.cmpi ne, %convert_element_type3A_27, %cond3A_28 : i32
    scf.if %cond3A_29 {
      %mul3A_251 = arith.constant 40 : i32
      %mul3A_252 = arith.muli %add3A_24, %mul3A_251 : i32
      %multiple_of3A = tpu.assume_multiple %mul3A_252, 8 : i32
      "tpu.region"() ({
        %run_scoped3A = tpu.sem_alloc : memref<!tpu.dma_semaphore, #tpu.memory_space<semaphore_mem>>
        %dma_start3A = arith.constant 0 : i32
        %dma_start3A_253 = tpu.memref_slice %arg13[%multiple_of3A, %dma_start3A] : memref<10000x128xf32, #tpu.memory_space<vmem_shared>> -> memref<40x128xf32, #tpu.memory_space<vmem_shared>>
        %dma_start3A_254 = arith.constant 0 : i32
        %dma_start3A_255 = tpu.memref_slice %arg13[%multiple_of3A, %dma_start3A_254] : memref<10000x128xf32, #tpu.memory_space<vmem_shared>> -> memref<40x128xf32, #tpu.memory_space<vmem_shared>>
        tpu.enqueue_dma source(%arg11 : memref<40x128xf32, #tpu.memory_space<vmem>>) target(%dma_start3A_255 : memref<40x128xf32, #tpu.memory_space<vmem_shared>>) target_semaphore(%run_scoped3A : memref<!tpu.dma_semaphore, #tpu.memory_space<semaphore_mem>>)
        %dma_wait3A_256 = arith.constant 0 : i32
        %dma_wait3A_257 = tpu.memref_slice %arg13[%multiple_of3A, %dma_wait3A_256] : memref<10000x128xf32, #tpu.memory_space<vmem_shared>> -> memref<40x128xf32, #tpu.memory_space<vmem_shared>>
        %dma_wait3A_258 = arith.constant 0 : i32
        %dma_wait3A_259 = tpu.memref_slice %arg13[%multiple_of3A, %dma_wait3A_258] : memref<10000x128xf32, #tpu.memory_space<vmem_shared>> -> memref<40x128xf32, #tpu.memory_space<vmem_shared>>
        tpu.wait_dma2 semaphore(%run_scoped3A : memref<!tpu.dma_semaphore, #tpu.memory_space<semaphore_mem>>) src(%arg11 : memref<40x128xf32, #tpu.memory_space<vmem>>) dst(%dma_wait3A_259 : memref<40x128xf32, #tpu.memory_space<vmem_shared>>)
        tpu.yield
      }) : () -> ()
    } else {
    }
    %add3A_30 = arith.constant 64 : i32
    %add3A_31 = arith.addi %arg1, %add3A_30 : i32
    %lt3A_32 = arith.constant 250 : i32
    %lt3A_33 = arith.cmpi slt, %add3A_31, %lt3A_32 : i32
    %convert_element_type3A_34 = arith.extui %lt3A_33 : i1 to i32
    %cond3A_35 = arith.constant 0 : i32
    %cond3A_36 = arith.cmpi ne, %convert_element_type3A_34, %cond3A_35 : i32
    scf.if %cond3A_36 {
      %mul3A_251 = arith.constant 40 : i32
      %mul3A_252 = arith.muli %add3A_31, %mul3A_251 : i32
      %multiple_of3A = tpu.assume_multiple %mul3A_252, 8 : i32
      "tpu.region"() ({
        %run_scoped3A = tpu.sem_alloc : memref<!tpu.dma_semaphore, #tpu.memory_space<semaphore_mem>>
        %dma_start3A = arith.constant 0 : i32
        %dma_start3A_253 = tpu.memref_slice %arg13[%multiple_of3A, %dma_start3A] : memref<10000x128xf32, #tpu.memory_space<vmem_shared>> -> memref<40x128xf32, #tpu.memory_space<vmem_shared>>
        %dma_start3A_254 = arith.constant 0 : i32
        %dma_start3A_255 = tpu.memref_slice %arg13[%multiple_of3A, %dma_start3A_254] : memref<10000x128xf32, #tpu.memory_space<vmem_shared>> -> memref<40x128xf32, #tpu.memory_space<vmem_shared>>
        tpu.enqueue_dma source(%arg11 : memref<40x128xf32, #tpu.memory_space<vmem>>) target(%dma_start3A_255 : memref<40x128xf32, #tpu.memory_space<vmem_shared>>) target_semaphore(%run_scoped3A : memref<!tpu.dma_semaphore, #tpu.memory_space<semaphore_mem>>)
        %dma_wait3A_256 = arith.constant 0 : i32
        %dma_wait3A_257 = tpu.memref_slice %arg13[%multiple_of3A, %dma_wait3A_256] : memref<10000x128xf32, #tpu.memory_space<vmem_shared>> -> memref<40x128xf32, #tpu.memory_space<vmem_shared>>
        %dma_wait3A_258 = arith.constant 0 : i32
        %dma_wait3A_259 = tpu.memref_slice %arg13[%multiple_of3A, %dma_wait3A_258] : memref<10000x128xf32, #tpu.memory_space<vmem_shared>> -> memref<40x128xf32, #tpu.memory_space<vmem_shared>>
        tpu.wait_dma2 semaphore(%run_scoped3A : memref<!tpu.dma_semaphore, #tpu.memory_space<semaphore_mem>>) src(%arg11 : memref<40x128xf32, #tpu.memory_space<vmem>>) dst(%dma_wait3A_259 : memref<40x128xf32, #tpu.memory_space<vmem_shared>>)
        tpu.yield
      }) : () -> ()
    } else {
    }
    %add3A_37 = arith.constant 80 : i32
    %add3A_38 = arith.addi %arg1, %add3A_37 : i32
    %lt3A_39 = arith.constant 250 : i32
    %lt3A_40 = arith.cmpi slt, %add3A_38, %lt3A_39 : i32
    %convert_element_type3A_41 = arith.extui %lt3A_40 : i1 to i32
    %cond3A_42 = arith.constant 0 : i32
    %cond3A_43 = arith.cmpi ne, %convert_element_type3A_41, %cond3A_42 : i32
    scf.if %cond3A_43 {
      %mul3A_251 = arith.constant 40 : i32
      %mul3A_252 = arith.muli %add3A_38, %mul3A_251 : i32
      %multiple_of3A = tpu.assume_multiple %mul3A_252, 8 : i32
      "tpu.region"() ({
        %run_scoped3A = tpu.sem_alloc : memref<!tpu.dma_semaphore, #tpu.memory_space<semaphore_mem>>
        %dma_start3A = arith.constant 0 : i32
        %dma_start3A_253 = tpu.memref_slice %arg13[%multiple_of3A, %dma_start3A] : memref<10000x128xf32, #tpu.memory_space<vmem_shared>> -> memref<40x128xf32, #tpu.memory_space<vmem_shared>>
        %dma_start3A_254 = arith.constant 0 : i32
        %dma_start3A_255 = tpu.memref_slice %arg13[%multiple_of3A, %dma_start3A_254] : memref<10000x128xf32, #tpu.memory_space<vmem_shared>> -> memref<40x128xf32, #tpu.memory_space<vmem_shared>>
        tpu.enqueue_dma source(%arg11 : memref<40x128xf32, #tpu.memory_space<vmem>>) target(%dma_start3A_255 : memref<40x128xf32, #tpu.memory_space<vmem_shared>>) target_semaphore(%run_scoped3A : memref<!tpu.dma_semaphore, #tpu.memory_space<semaphore_mem>>)
        %dma_wait3A_256 = arith.constant 0 : i32
        %dma_wait3A_257 = tpu.memref_slice %arg13[%multiple_of3A, %dma_wait3A_256] : memref<10000x128xf32, #tpu.memory_space<vmem_shared>> -> memref<40x128xf32, #tpu.memory_space<vmem_shared>>
        %dma_wait3A_258 = arith.constant 0 : i32
        %dma_wait3A_259 = tpu.memref_slice %arg13[%multiple_of3A, %dma_wait3A_258] : memref<10000x128xf32, #tpu.memory_space<vmem_shared>> -> memref<40x128xf32, #tpu.memory_space<vmem_shared>>
        tpu.wait_dma2 semaphore(%run_scoped3A : memref<!tpu.dma_semaphore, #tpu.memory_space<semaphore_mem>>) src(%arg11 : memref<40x128xf32, #tpu.memory_space<vmem>>) dst(%dma_wait3A_259 : memref<40x128xf32, #tpu.memory_space<vmem_shared>>)
        tpu.yield
      }) : () -> ()
    } else {
    }
    %add3A_44 = arith.constant 96 : i32
    %add3A_45 = arith.addi %arg1, %add3A_44 : i32
    %lt3A_46 = arith.constant 250 : i32
    %lt3A_47 = arith.cmpi slt, %add3A_45, %lt3A_46 : i32
    %convert_element_type3A_48 = arith.extui %lt3A_47 : i1 to i32
    %cond3A_49 = arith.constant 0 : i32
    %cond3A_50 = arith.cmpi ne, %convert_element_type3A_48, %cond3A_49 : i32
    scf.if %cond3A_50 {
      %mul3A_251 = arith.constant 40 : i32
      %mul3A_252 = arith.muli %add3A_45, %mul3A_251 : i32
      %multiple_of3A = tpu.assume_multiple %mul3A_252, 8 : i32
      "tpu.region"() ({
        %run_scoped3A = tpu.sem_alloc : memref<!tpu.dma_semaphore, #tpu.memory_space<semaphore_mem>>
        %dma_start3A = arith.constant 0 : i32
        %dma_start3A_253 = tpu.memref_slice %arg13[%multiple_of3A, %dma_start3A] : memref<10000x128xf32, #tpu.memory_space<vmem_shared>> -> memref<40x128xf32, #tpu.memory_space<vmem_shared>>
        %dma_start3A_254 = arith.constant 0 : i32
        %dma_start3A_255 = tpu.memref_slice %arg13[%multiple_of3A, %dma_start3A_254] : memref<10000x128xf32, #tpu.memory_space<vmem_shared>> -> memref<40x128xf32, #tpu.memory_space<vmem_shared>>
        tpu.enqueue_dma source(%arg11 : memref<40x128xf32, #tpu.memory_space<vmem>>) target(%dma_start3A_255 : memref<40x128xf32, #tpu.memory_space<vmem_shared>>) target_semaphore(%run_scoped3A : memref<!tpu.dma_semaphore, #tpu.memory_space<semaphore_mem>>)
        %dma_wait3A_256 = arith.constant 0 : i32
        %dma_wait3A_257 = tpu.memref_slice %arg13[%multiple_of3A, %dma_wait3A_256] : memref<10000x128xf32, #tpu.memory_space<vmem_shared>> -> memref<40x128xf32, #tpu.memory_space<vmem_shared>>
        %dma_wait3A_258 = arith.constant 0 : i32
        %dma_wait3A_259 = tpu.memref_slice %arg13[%multiple_of3A, %dma_wait3A_258] : memref<10000x128xf32, #tpu.memory_space<vmem_shared>> -> memref<40x128xf32, #tpu.memory_space<vmem_shared>>
        tpu.wait_dma2 semaphore(%run_scoped3A : memref<!tpu.dma_semaphore, #tpu.memory_space<semaphore_mem>>) src(%arg11 : memref<40x128xf32, #tpu.memory_space<vmem>>) dst(%dma_wait3A_259 : memref<40x128xf32, #tpu.memory_space<vmem_shared>>)
        tpu.yield
      }) : () -> ()
    } else {
    }
    %add3A_51 = arith.constant 112 : i32
    %add3A_52 = arith.addi %arg1, %add3A_51 : i32
    %lt3A_53 = arith.constant 250 : i32
    %lt3A_54 = arith.cmpi slt, %add3A_52, %lt3A_53 : i32
    %convert_element_type3A_55 = arith.extui %lt3A_54 : i1 to i32
    %cond3A_56 = arith.constant 0 : i32
    %cond3A_57 = arith.cmpi ne, %convert_element_type3A_55, %cond3A_56 : i32
    scf.if %cond3A_57 {
      %mul3A_251 = arith.constant 40 : i32
      %mul3A_252 = arith.muli %add3A_52, %mul3A_251 : i32
      %multiple_of3A = tpu.assume_multiple %mul3A_252, 8 : i32
      "tpu.region"() ({
        %run_scoped3A = tpu.sem_alloc : memref<!tpu.dma_semaphore, #tpu.memory_space<semaphore_mem>>
        %dma_start3A = arith.constant 0 : i32
        %dma_start3A_253 = tpu.memref_slice %arg13[%multiple_of3A, %dma_start3A] : memref<10000x128xf32, #tpu.memory_space<vmem_shared>> -> memref<40x128xf32, #tpu.memory_space<vmem_shared>>
        %dma_start3A_254 = arith.constant 0 : i32
        %dma_start3A_255 = tpu.memref_slice %arg13[%multiple_of3A, %dma_start3A_254] : memref<10000x128xf32, #tpu.memory_space<vmem_shared>> -> memref<40x128xf32, #tpu.memory_space<vmem_shared>>
        tpu.enqueue_dma source(%arg11 : memref<40x128xf32, #tpu.memory_space<vmem>>) target(%dma_start3A_255 : memref<40x128xf32, #tpu.memory_space<vmem_shared>>) target_semaphore(%run_scoped3A : memref<!tpu.dma_semaphore, #tpu.memory_space<semaphore_mem>>)
        %dma_wait3A_256 = arith.constant 0 : i32
        %dma_wait3A_257 = tpu.memref_slice %arg13[%multiple_of3A, %dma_wait3A_256] : memref<10000x128xf32, #tpu.memory_space<vmem_shared>> -> memref<40x128xf32, #tpu.memory_space<vmem_shared>>
        %dma_wait3A_258 = arith.constant 0 : i32
        %dma_wait3A_259 = tpu.memref_slice %arg13[%multiple_of3A, %dma_wait3A_258] : memref<10000x128xf32, #tpu.memory_space<vmem_shared>> -> memref<40x128xf32, #tpu.memory_space<vmem_shared>>
        tpu.wait_dma2 semaphore(%run_scoped3A : memref<!tpu.dma_semaphore, #tpu.memory_space<semaphore_mem>>) src(%arg11 : memref<40x128xf32, #tpu.memory_space<vmem>>) dst(%dma_wait3A_259 : memref<40x128xf32, #tpu.memory_space<vmem_shared>>)
        tpu.yield
      }) : () -> ()
    } else {
    }
    %add3A_58 = arith.constant 128 : i32
    %add3A_59 = arith.addi %arg1, %add3A_58 : i32
    %lt3A_60 = arith.constant 250 : i32
    %lt3A_61 = arith.cmpi slt, %add3A_59, %lt3A_60 : i32
    %convert_element_type3A_62 = arith.extui %lt3A_61 : i1 to i32
    %cond3A_63 = arith.constant 0 : i32
    %cond3A_64 = arith.cmpi ne, %convert_element_type3A_62, %cond3A_63 : i32
    scf.if %cond3A_64 {
      %mul3A_251 = arith.constant 40 : i32
      %mul3A_252 = arith.muli %add3A_59, %mul3A_251 : i32
      %multiple_of3A = tpu.assume_multiple %mul3A_252, 8 : i32
      "tpu.region"() ({
        %run_scoped3A = tpu.sem_alloc : memref<!tpu.dma_semaphore, #tpu.memory_space<semaphore_mem>>
        %dma_start3A = arith.constant 0 : i32
        %dma_start3A_253 = tpu.memref_slice %arg13[%multiple_of3A, %dma_start3A] : memref<10000x128xf32, #tpu.memory_space<vmem_shared>> -> memref<40x128xf32, #tpu.memory_space<vmem_shared>>
        %dma_start3A_254 = arith.constant 0 : i32
        %dma_start3A_255 = tpu.memref_slice %arg13[%multiple_of3A, %dma_start3A_254] : memref<10000x128xf32, #tpu.memory_space<vmem_shared>> -> memref<40x128xf32, #tpu.memory_space<vmem_shared>>
        tpu.enqueue_dma source(%arg11 : memref<40x128xf32, #tpu.memory_space<vmem>>) target(%dma_start3A_255 : memref<40x128xf32, #tpu.memory_space<vmem_shared>>) target_semaphore(%run_scoped3A : memref<!tpu.dma_semaphore, #tpu.memory_space<semaphore_mem>>)
        %dma_wait3A_256 = arith.constant 0 : i32
        %dma_wait3A_257 = tpu.memref_slice %arg13[%multiple_of3A, %dma_wait3A_256] : memref<10000x128xf32, #tpu.memory_space<vmem_shared>> -> memref<40x128xf32, #tpu.memory_space<vmem_shared>>
        %dma_wait3A_258 = arith.constant 0 : i32
        %dma_wait3A_259 = tpu.memref_slice %arg13[%multiple_of3A, %dma_wait3A_258] : memref<10000x128xf32, #tpu.memory_space<vmem_shared>> -> memref<40x128xf32, #tpu.memory_space<vmem_shared>>
        tpu.wait_dma2 semaphore(%run_scoped3A : memref<!tpu.dma_semaphore, #tpu.memory_space<semaphore_mem>>) src(%arg11 : memref<40x128xf32, #tpu.memory_space<vmem>>) dst(%dma_wait3A_259 : memref<40x128xf32, #tpu.memory_space<vmem_shared>>)
        tpu.yield
      }) : () -> ()
    } else {
    }
    %add3A_65 = arith.constant 144 : i32
    %add3A_66 = arith.addi %arg1, %add3A_65 : i32
    %lt3A_67 = arith.constant 250 : i32
    %lt3A_68 = arith.cmpi slt, %add3A_66, %lt3A_67 : i32
    %convert_element_type3A_69 = arith.extui %lt3A_68 : i1 to i32
    %cond3A_70 = arith.constant 0 : i32
    %cond3A_71 = arith.cmpi ne, %convert_element_type3A_69, %cond3A_70 : i32
    scf.if %cond3A_71 {
      %mul3A_251 = arith.constant 40 : i32
      %mul3A_252 = arith.muli %add3A_66, %mul3A_251 : i32
      %multiple_of3A = tpu.assume_multiple %mul3A_252, 8 : i32
      "tpu.region"() ({
        %run_scoped3A = tpu.sem_alloc : memref<!tpu.dma_semaphore, #tpu.memory_space<semaphore_mem>>
        %dma_start3A = arith.constant 0 : i32
        %dma_start3A_253 = tpu.memref_slice %arg13[%multiple_of3A, %dma_start3A] : memref<10000x128xf32, #tpu.memory_space<vmem_shared>> -> memref<40x128xf32, #tpu.memory_space<vmem_shared>>
        %dma_start3A_254 = arith.constant 0 : i32
        %dma_start3A_255 = tpu.memref_slice %arg13[%multiple_of3A, %dma_start3A_254] : memref<10000x128xf32, #tpu.memory_space<vmem_shared>> -> memref<40x128xf32, #tpu.memory_space<vmem_shared>>
        tpu.enqueue_dma source(%arg11 : memref<40x128xf32, #tpu.memory_space<vmem>>) target(%dma_start3A_255 : memref<40x128xf32, #tpu.memory_space<vmem_shared>>) target_semaphore(%run_scoped3A : memref<!tpu.dma_semaphore, #tpu.memory_space<semaphore_mem>>)
        %dma_wait3A_256 = arith.constant 0 : i32
        %dma_wait3A_257 = tpu.memref_slice %arg13[%multiple_of3A, %dma_wait3A_256] : memref<10000x128xf32, #tpu.memory_space<vmem_shared>> -> memref<40x128xf32, #tpu.memory_space<vmem_shared>>
        %dma_wait3A_258 = arith.constant 0 : i32
        %dma_wait3A_259 = tpu.memref_slice %arg13[%multiple_of3A, %dma_wait3A_258] : memref<10000x128xf32, #tpu.memory_space<vmem_shared>> -> memref<40x128xf32, #tpu.memory_space<vmem_shared>>
        tpu.wait_dma2 semaphore(%run_scoped3A : memref<!tpu.dma_semaphore, #tpu.memory_space<semaphore_mem>>) src(%arg11 : memref<40x128xf32, #tpu.memory_space<vmem>>) dst(%dma_wait3A_259 : memref<40x128xf32, #tpu.memory_space<vmem_shared>>)
        tpu.yield
      }) : () -> ()
    } else {
    }
    %add3A_72 = arith.constant 160 : i32
    %add3A_73 = arith.addi %arg1, %add3A_72 : i32
    %lt3A_74 = arith.constant 250 : i32
    %lt3A_75 = arith.cmpi slt, %add3A_73, %lt3A_74 : i32
    %convert_element_type3A_76 = arith.extui %lt3A_75 : i1 to i32
    %cond3A_77 = arith.constant 0 : i32
    %cond3A_78 = arith.cmpi ne, %convert_element_type3A_76, %cond3A_77 : i32
    scf.if %cond3A_78 {
      %mul3A_251 = arith.constant 40 : i32
      %mul3A_252 = arith.muli %add3A_73, %mul3A_251 : i32
      %multiple_of3A = tpu.assume_multiple %mul3A_252, 8 : i32
      "tpu.region"() ({
        %run_scoped3A = tpu.sem_alloc : memref<!tpu.dma_semaphore, #tpu.memory_space<semaphore_mem>>
        %dma_start3A = arith.constant 0 : i32
        %dma_start3A_253 = tpu.memref_slice %arg13[%multiple_of3A, %dma_start3A] : memref<10000x128xf32, #tpu.memory_space<vmem_shared>> -> memref<40x128xf32, #tpu.memory_space<vmem_shared>>
        %dma_start3A_254 = arith.constant 0 : i32
        %dma_start3A_255 = tpu.memref_slice %arg13[%multiple_of3A, %dma_start3A_254] : memref<10000x128xf32, #tpu.memory_space<vmem_shared>> -> memref<40x128xf32, #tpu.memory_space<vmem_shared>>
        tpu.enqueue_dma source(%arg11 : memref<40x128xf32, #tpu.memory_space<vmem>>) target(%dma_start3A_255 : memref<40x128xf32, #tpu.memory_space<vmem_shared>>) target_semaphore(%run_scoped3A : memref<!tpu.dma_semaphore, #tpu.memory_space<semaphore_mem>>)
        %dma_wait3A_256 = arith.constant 0 : i32
        %dma_wait3A_257 = tpu.memref_slice %arg13[%multiple_of3A, %dma_wait3A_256] : memref<10000x128xf32, #tpu.memory_space<vmem_shared>> -> memref<40x128xf32, #tpu.memory_space<vmem_shared>>
        %dma_wait3A_258 = arith.constant 0 : i32
        %dma_wait3A_259 = tpu.memref_slice %arg13[%multiple_of3A, %dma_wait3A_258] : memref<10000x128xf32, #tpu.memory_space<vmem_shared>> -> memref<40x128xf32, #tpu.memory_space<vmem_shared>>
        tpu.wait_dma2 semaphore(%run_scoped3A : memref<!tpu.dma_semaphore, #tpu.memory_space<semaphore_mem>>) src(%arg11 : memref<40x128xf32, #tpu.memory_space<vmem>>) dst(%dma_wait3A_259 : memref<40x128xf32, #tpu.memory_space<vmem_shared>>)
        tpu.yield
      }) : () -> ()
    } else {
    }
    %add3A_79 = arith.constant 176 : i32
    %add3A_80 = arith.addi %arg1, %add3A_79 : i32
    %lt3A_81 = arith.constant 250 : i32
    %lt3A_82 = arith.cmpi slt, %add3A_80, %lt3A_81 : i32
    %convert_element_type3A_83 = arith.extui %lt3A_82 : i1 to i32
    %cond3A_84 = arith.constant 0 : i32
    %cond3A_85 = arith.cmpi ne, %convert_element_type3A_83, %cond3A_84 : i32
    scf.if %cond3A_85 {
      %mul3A_251 = arith.constant 40 : i32
      %mul3A_252 = arith.muli %add3A_80, %mul3A_251 : i32
      %multiple_of3A = tpu.assume_multiple %mul3A_252, 8 : i32
      "tpu.region"() ({
        %run_scoped3A = tpu.sem_alloc : memref<!tpu.dma_semaphore, #tpu.memory_space<semaphore_mem>>
        %dma_start3A = arith.constant 0 : i32
        %dma_start3A_253 = tpu.memref_slice %arg13[%multiple_of3A, %dma_start3A] : memref<10000x128xf32, #tpu.memory_space<vmem_shared>> -> memref<40x128xf32, #tpu.memory_space<vmem_shared>>
        %dma_start3A_254 = arith.constant 0 : i32
        %dma_start3A_255 = tpu.memref_slice %arg13[%multiple_of3A, %dma_start3A_254] : memref<10000x128xf32, #tpu.memory_space<vmem_shared>> -> memref<40x128xf32, #tpu.memory_space<vmem_shared>>
        tpu.enqueue_dma source(%arg11 : memref<40x128xf32, #tpu.memory_space<vmem>>) target(%dma_start3A_255 : memref<40x128xf32, #tpu.memory_space<vmem_shared>>) target_semaphore(%run_scoped3A : memref<!tpu.dma_semaphore, #tpu.memory_space<semaphore_mem>>)
        %dma_wait3A_256 = arith.constant 0 : i32
        %dma_wait3A_257 = tpu.memref_slice %arg13[%multiple_of3A, %dma_wait3A_256] : memref<10000x128xf32, #tpu.memory_space<vmem_shared>> -> memref<40x128xf32, #tpu.memory_space<vmem_shared>>
        %dma_wait3A_258 = arith.constant 0 : i32
        %dma_wait3A_259 = tpu.memref_slice %arg13[%multiple_of3A, %dma_wait3A_258] : memref<10000x128xf32, #tpu.memory_space<vmem_shared>> -> memref<40x128xf32, #tpu.memory_space<vmem_shared>>
        tpu.wait_dma2 semaphore(%run_scoped3A : memref<!tpu.dma_semaphore, #tpu.memory_space<semaphore_mem>>) src(%arg11 : memref<40x128xf32, #tpu.memory_space<vmem>>) dst(%dma_wait3A_259 : memref<40x128xf32, #tpu.memory_space<vmem_shared>>)
        tpu.yield
      }) : () -> ()
    } else {
    }
    %add3A_86 = arith.constant 192 : i32
    %add3A_87 = arith.addi %arg1, %add3A_86 : i32
    %lt3A_88 = arith.constant 250 : i32
    %lt3A_89 = arith.cmpi slt, %add3A_87, %lt3A_88 : i32
    %convert_element_type3A_90 = arith.extui %lt3A_89 : i1 to i32
    %cond3A_91 = arith.constant 0 : i32
    %cond3A_92 = arith.cmpi ne, %convert_element_type3A_90, %cond3A_91 : i32
    scf.if %cond3A_92 {
      %mul3A_251 = arith.constant 40 : i32
      %mul3A_252 = arith.muli %add3A_87, %mul3A_251 : i32
      %multiple_of3A = tpu.assume_multiple %mul3A_252, 8 : i32
      "tpu.region"() ({
        %run_scoped3A = tpu.sem_alloc : memref<!tpu.dma_semaphore, #tpu.memory_space<semaphore_mem>>
        %dma_start3A = arith.constant 0 : i32
        %dma_start3A_253 = tpu.memref_slice %arg13[%multiple_of3A, %dma_start3A] : memref<10000x128xf32, #tpu.memory_space<vmem_shared>> -> memref<40x128xf32, #tpu.memory_space<vmem_shared>>
        %dma_start3A_254 = arith.constant 0 : i32
        %dma_start3A_255 = tpu.memref_slice %arg13[%multiple_of3A, %dma_start3A_254] : memref<10000x128xf32, #tpu.memory_space<vmem_shared>> -> memref<40x128xf32, #tpu.memory_space<vmem_shared>>
        tpu.enqueue_dma source(%arg11 : memref<40x128xf32, #tpu.memory_space<vmem>>) target(%dma_start3A_255 : memref<40x128xf32, #tpu.memory_space<vmem_shared>>) target_semaphore(%run_scoped3A : memref<!tpu.dma_semaphore, #tpu.memory_space<semaphore_mem>>)
        %dma_wait3A_256 = arith.constant 0 : i32
        %dma_wait3A_257 = tpu.memref_slice %arg13[%multiple_of3A, %dma_wait3A_256] : memref<10000x128xf32, #tpu.memory_space<vmem_shared>> -> memref<40x128xf32, #tpu.memory_space<vmem_shared>>
        %dma_wait3A_258 = arith.constant 0 : i32
        %dma_wait3A_259 = tpu.memref_slice %arg13[%multiple_of3A, %dma_wait3A_258] : memref<10000x128xf32, #tpu.memory_space<vmem_shared>> -> memref<40x128xf32, #tpu.memory_space<vmem_shared>>
        tpu.wait_dma2 semaphore(%run_scoped3A : memref<!tpu.dma_semaphore, #tpu.memory_space<semaphore_mem>>) src(%arg11 : memref<40x128xf32, #tpu.memory_space<vmem>>) dst(%dma_wait3A_259 : memref<40x128xf32, #tpu.memory_space<vmem_shared>>)
        tpu.yield
      }) : () -> ()
    } else {
    }
    %add3A_93 = arith.constant 208 : i32
    %add3A_94 = arith.addi %arg1, %add3A_93 : i32
    %lt3A_95 = arith.constant 250 : i32
    %lt3A_96 = arith.cmpi slt, %add3A_94, %lt3A_95 : i32
    %convert_element_type3A_97 = arith.extui %lt3A_96 : i1 to i32
    %cond3A_98 = arith.constant 0 : i32
    %cond3A_99 = arith.cmpi ne, %convert_element_type3A_97, %cond3A_98 : i32
    scf.if %cond3A_99 {
      %mul3A_251 = arith.constant 40 : i32
      %mul3A_252 = arith.muli %add3A_94, %mul3A_251 : i32
      %multiple_of3A = tpu.assume_multiple %mul3A_252, 8 : i32
      "tpu.region"() ({
        %run_scoped3A = tpu.sem_alloc : memref<!tpu.dma_semaphore, #tpu.memory_space<semaphore_mem>>
        %dma_start3A = arith.constant 0 : i32
        %dma_start3A_253 = tpu.memref_slice %arg13[%multiple_of3A, %dma_start3A] : memref<10000x128xf32, #tpu.memory_space<vmem_shared>> -> memref<40x128xf32, #tpu.memory_space<vmem_shared>>
        %dma_start3A_254 = arith.constant 0 : i32
        %dma_start3A_255 = tpu.memref_slice %arg13[%multiple_of3A, %dma_start3A_254] : memref<10000x128xf32, #tpu.memory_space<vmem_shared>> -> memref<40x128xf32, #tpu.memory_space<vmem_shared>>
        tpu.enqueue_dma source(%arg11 : memref<40x128xf32, #tpu.memory_space<vmem>>) target(%dma_start3A_255 : memref<40x128xf32, #tpu.memory_space<vmem_shared>>) target_semaphore(%run_scoped3A : memref<!tpu.dma_semaphore, #tpu.memory_space<semaphore_mem>>)
        %dma_wait3A_256 = arith.constant 0 : i32
        %dma_wait3A_257 = tpu.memref_slice %arg13[%multiple_of3A, %dma_wait3A_256] : memref<10000x128xf32, #tpu.memory_space<vmem_shared>> -> memref<40x128xf32, #tpu.memory_space<vmem_shared>>
        %dma_wait3A_258 = arith.constant 0 : i32
        %dma_wait3A_259 = tpu.memref_slice %arg13[%multiple_of3A, %dma_wait3A_258] : memref<10000x128xf32, #tpu.memory_space<vmem_shared>> -> memref<40x128xf32, #tpu.memory_space<vmem_shared>>
        tpu.wait_dma2 semaphore(%run_scoped3A : memref<!tpu.dma_semaphore, #tpu.memory_space<semaphore_mem>>) src(%arg11 : memref<40x128xf32, #tpu.memory_space<vmem>>) dst(%dma_wait3A_259 : memref<40x128xf32, #tpu.memory_space<vmem_shared>>)
        tpu.yield
      }) : () -> ()
    } else {
    }
    %add3A_100 = arith.constant 224 : i32
    %add3A_101 = arith.addi %arg1, %add3A_100 : i32
    %lt3A_102 = arith.constant 250 : i32
    %lt3A_103 = arith.cmpi slt, %add3A_101, %lt3A_102 : i32
    %convert_element_type3A_104 = arith.extui %lt3A_103 : i1 to i32
    %cond3A_105 = arith.constant 0 : i32
    %cond3A_106 = arith.cmpi ne, %convert_element_type3A_104, %cond3A_105 : i32
    scf.if %cond3A_106 {
      %mul3A_251 = arith.constant 40 : i32
      %mul3A_252 = arith.muli %add3A_101, %mul3A_251 : i32
      %multiple_of3A = tpu.assume_multiple %mul3A_252, 8 : i32
      "tpu.region"() ({
        %run_scoped3A = tpu.sem_alloc : memref<!tpu.dma_semaphore, #tpu.memory_space<semaphore_mem>>
        %dma_start3A = arith.constant 0 : i32
        %dma_start3A_253 = tpu.memref_slice %arg13[%multiple_of3A, %dma_start3A] : memref<10000x128xf32, #tpu.memory_space<vmem_shared>> -> memref<40x128xf32, #tpu.memory_space<vmem_shared>>
        %dma_start3A_254 = arith.constant 0 : i32
        %dma_start3A_255 = tpu.memref_slice %arg13[%multiple_of3A, %dma_start3A_254] : memref<10000x128xf32, #tpu.memory_space<vmem_shared>> -> memref<40x128xf32, #tpu.memory_space<vmem_shared>>
        tpu.enqueue_dma source(%arg11 : memref<40x128xf32, #tpu.memory_space<vmem>>) target(%dma_start3A_255 : memref<40x128xf32, #tpu.memory_space<vmem_shared>>) target_semaphore(%run_scoped3A : memref<!tpu.dma_semaphore, #tpu.memory_space<semaphore_mem>>)
        %dma_wait3A_256 = arith.constant 0 : i32
        %dma_wait3A_257 = tpu.memref_slice %arg13[%multiple_of3A, %dma_wait3A_256] : memref<10000x128xf32, #tpu.memory_space<vmem_shared>> -> memref<40x128xf32, #tpu.memory_space<vmem_shared>>
        %dma_wait3A_258 = arith.constant 0 : i32
        %dma_wait3A_259 = tpu.memref_slice %arg13[%multiple_of3A, %dma_wait3A_258] : memref<10000x128xf32, #tpu.memory_space<vmem_shared>> -> memref<40x128xf32, #tpu.memory_space<vmem_shared>>
        tpu.wait_dma2 semaphore(%run_scoped3A : memref<!tpu.dma_semaphore, #tpu.memory_space<semaphore_mem>>) src(%arg11 : memref<40x128xf32, #tpu.memory_space<vmem>>) dst(%dma_wait3A_259 : memref<40x128xf32, #tpu.memory_space<vmem_shared>>)
        tpu.yield
      }) : () -> ()
    } else {
    }
    %add3A_107 = arith.constant 240 : i32
    %add3A_108 = arith.addi %arg1, %add3A_107 : i32
    %lt3A_109 = arith.constant 250 : i32
    %lt3A_110 = arith.cmpi slt, %add3A_108, %lt3A_109 : i32
    %convert_element_type3A_111 = arith.extui %lt3A_110 : i1 to i32
    %cond3A_112 = arith.constant 0 : i32
    %cond3A_113 = arith.cmpi ne, %convert_element_type3A_111, %cond3A_112 : i32
    scf.if %cond3A_113 {
      %mul3A_251 = arith.constant 40 : i32
      %mul3A_252 = arith.muli %add3A_108, %mul3A_251 : i32
      %multiple_of3A = tpu.assume_multiple %mul3A_252, 8 : i32
      "tpu.region"() ({
        %run_scoped3A = tpu.sem_alloc : memref<!tpu.dma_semaphore, #tpu.memory_space<semaphore_mem>>
        %dma_start3A = arith.constant 0 : i32
        %dma_start3A_253 = tpu.memref_slice %arg13[%multiple_of3A, %dma_start3A] : memref<10000x128xf32, #tpu.memory_space<vmem_shared>> -> memref<40x128xf32, #tpu.memory_space<vmem_shared>>
        %dma_start3A_254 = arith.constant 0 : i32
        %dma_start3A_255 = tpu.memref_slice %arg13[%multiple_of3A, %dma_start3A_254] : memref<10000x128xf32, #tpu.memory_space<vmem_shared>> -> memref<40x128xf32, #tpu.memory_space<vmem_shared>>
        tpu.enqueue_dma source(%arg11 : memref<40x128xf32, #tpu.memory_space<vmem>>) target(%dma_start3A_255 : memref<40x128xf32, #tpu.memory_space<vmem_shared>>) target_semaphore(%run_scoped3A : memref<!tpu.dma_semaphore, #tpu.memory_space<semaphore_mem>>)
        %dma_wait3A_256 = arith.constant 0 : i32
        %dma_wait3A_257 = tpu.memref_slice %arg13[%multiple_of3A, %dma_wait3A_256] : memref<10000x128xf32, #tpu.memory_space<vmem_shared>> -> memref<40x128xf32, #tpu.memory_space<vmem_shared>>
        %dma_wait3A_258 = arith.constant 0 : i32
        %dma_wait3A_259 = tpu.memref_slice %arg13[%multiple_of3A, %dma_wait3A_258] : memref<10000x128xf32, #tpu.memory_space<vmem_shared>> -> memref<40x128xf32, #tpu.memory_space<vmem_shared>>
        tpu.wait_dma2 semaphore(%run_scoped3A : memref<!tpu.dma_semaphore, #tpu.memory_space<semaphore_mem>>) src(%arg11 : memref<40x128xf32, #tpu.memory_space<vmem>>) dst(%dma_wait3A_259 : memref<40x128xf32, #tpu.memory_space<vmem_shared>>)
        tpu.yield
      }) : () -> ()
    } else {
    }
    %barrier3A = arith.constant 0 : index
    tpu.barrier barrier_id(%barrier3A)
    %scan3A_114 = arith.constant 0 : i32
    %scan3A_115 = arith.constant 25 : i32
    %scan3A_116 = arith.addi %scan3A_114, %scan3A_115 : i32
    %scan3A_117 = arith.constant 1 : i32
    scf.for %scan3A_251 = %scan3A_114 to %scan3A_116 step %scan3A_117  : i32 {
      %mul3A_252 = arith.constant 1 : i32
      %mul3A_253 = arith.muli %scan3A_251, %mul3A_252 : i32
      %add3A_254 = arith.constant 0 : i32
      %add3A_255 = arith.addi %add3A_254, %mul3A_253 : i32
      %mul3A_256 = arith.constant 25 : i32
      %mul3A_257 = arith.muli %add3A, %mul3A_256 : i32
      %add3A_258 = arith.addi %mul3A_257, %add3A_255 : i32
      "tpu.region"() ({
        %run_scoped3A = tpu.sem_alloc : memref<!tpu.dma_semaphore, #tpu.memory_space<semaphore_mem>>
        %dma_start3A_290 = arith.constant 0 : i32
        %dma_start3A_291 = arith.constant 0 : i32
        %dma_start3A_292 = tpu.memref_slice %arg4[%add3A_258, %dma_start3A_290, %dma_start3A_291] : memref<800x10x120xi32, #tpu.memory_space<hbm>> -> memref<1x10x120xi32, #tpu.memory_space<hbm>>
        %dma_start3A_293 = tpu.memref_squeeze %dma_start3A_292 : memref<1x10x120xi32, #tpu.memory_space<hbm>> -> memref<10x120xi32, #tpu.memory_space<hbm>>
        %dma_start3A_294 = arith.constant 0 : i32
        %dma_start3A_295 = arith.constant 0 : i32
        %dma_start3A_296 = tpu.memref_slice %arg4[%add3A_258, %dma_start3A_294, %dma_start3A_295] : memref<800x10x120xi32, #tpu.memory_space<hbm>> -> memref<1x10x120xi32, #tpu.memory_space<hbm>>
        %dma_start3A_297 = tpu.memref_squeeze %dma_start3A_296 : memref<1x10x120xi32, #tpu.memory_space<hbm>> -> memref<10x120xi32, #tpu.memory_space<hbm>>
        tpu.enqueue_dma source(%dma_start3A_297 : memref<10x120xi32, #tpu.memory_space<hbm>>) target(%arg7 : memref<10x120xi32, #tpu.memory_space<vmem>>) target_semaphore(%run_scoped3A : memref<!tpu.dma_semaphore, #tpu.memory_space<semaphore_mem>>)
        %dma_wait3A_298 = arith.constant 0 : i32
        %dma_wait3A_299 = arith.constant 0 : i32
        %dma_wait3A_300 = tpu.memref_slice %arg4[%add3A_258, %dma_wait3A_298, %dma_wait3A_299] : memref<800x10x120xi32, #tpu.memory_space<hbm>> -> memref<1x10x120xi32, #tpu.memory_space<hbm>>
        %dma_wait3A_301 = tpu.memref_squeeze %dma_wait3A_300 : memref<1x10x120xi32, #tpu.memory_space<hbm>> -> memref<10x120xi32, #tpu.memory_space<hbm>>
        %dma_wait3A_302 = arith.constant 0 : i32
        %dma_wait3A_303 = arith.constant 0 : i32
        %dma_wait3A_304 = tpu.memref_slice %arg4[%add3A_258, %dma_wait3A_302, %dma_wait3A_303] : memref<800x10x120xi32, #tpu.memory_space<hbm>> -> memref<1x10x120xi32, #tpu.memory_space<hbm>>
        %dma_wait3A_305 = tpu.memref_squeeze %dma_wait3A_304 : memref<1x10x120xi32, #tpu.memory_space<hbm>> -> memref<10x120xi32, #tpu.memory_space<hbm>>
        tpu.wait_dma2 semaphore(%run_scoped3A : memref<!tpu.dma_semaphore, #tpu.memory_space<semaphore_mem>>) src(%dma_wait3A_305 : memref<10x120xi32, #tpu.memory_space<hbm>>) dst(%arg7 : memref<10x120xi32, #tpu.memory_space<vmem>>)
        tpu.yield
      }) : () -> ()
      %mul3A_259 = arith.constant 25 : i32
      %mul3A_260 = arith.muli %add3A, %mul3A_259 : i32
      %add3A_261 = arith.addi %mul3A_260, %add3A_255 : i32
      "tpu.region"() ({
        %run_scoped3A = tpu.sem_alloc : memref<!tpu.dma_semaphore, #tpu.memory_space<semaphore_mem>>
        %dma_start3A_290 = arith.constant 0 : i32
        %dma_start3A_291 = arith.constant 0 : i32
        %dma_start3A_292 = tpu.memref_slice %arg5[%add3A_261, %dma_start3A_290, %dma_start3A_291] : memref<800x10x40xi32, #tpu.memory_space<hbm>> -> memref<1x10x40xi32, #tpu.memory_space<hbm>>
        %dma_start3A_293 = tpu.memref_squeeze %dma_start3A_292 : memref<1x10x40xi32, #tpu.memory_space<hbm>> -> memref<10x40xi32, #tpu.memory_space<hbm>>
        %dma_start3A_294 = arith.constant 0 : i32
        %dma_start3A_295 = arith.constant 0 : i32
        %dma_start3A_296 = tpu.memref_slice %arg5[%add3A_261, %dma_start3A_294, %dma_start3A_295] : memref<800x10x40xi32, #tpu.memory_space<hbm>> -> memref<1x10x40xi32, #tpu.memory_space<hbm>>
        %dma_start3A_297 = tpu.memref_squeeze %dma_start3A_296 : memref<1x10x40xi32, #tpu.memory_space<hbm>> -> memref<10x40xi32, #tpu.memory_space<hbm>>
        tpu.enqueue_dma source(%dma_start3A_297 : memref<10x40xi32, #tpu.memory_space<hbm>>) target(%arg8 : memref<10x40xi32, #tpu.memory_space<vmem>>) target_semaphore(%run_scoped3A : memref<!tpu.dma_semaphore, #tpu.memory_space<semaphore_mem>>)
        %dma_wait3A_298 = arith.constant 0 : i32
        %dma_wait3A_299 = arith.constant 0 : i32
        %dma_wait3A_300 = tpu.memref_slice %arg5[%add3A_261, %dma_wait3A_298, %dma_wait3A_299] : memref<800x10x40xi32, #tpu.memory_space<hbm>> -> memref<1x10x40xi32, #tpu.memory_space<hbm>>
        %dma_wait3A_301 = tpu.memref_squeeze %dma_wait3A_300 : memref<1x10x40xi32, #tpu.memory_space<hbm>> -> memref<10x40xi32, #tpu.memory_space<hbm>>
        %dma_wait3A_302 = arith.constant 0 : i32
        %dma_wait3A_303 = arith.constant 0 : i32
        %dma_wait3A_304 = tpu.memref_slice %arg5[%add3A_261, %dma_wait3A_302, %dma_wait3A_303] : memref<800x10x40xi32, #tpu.memory_space<hbm>> -> memref<1x10x40xi32, #tpu.memory_space<hbm>>
        %dma_wait3A_305 = tpu.memref_squeeze %dma_wait3A_304 : memref<1x10x40xi32, #tpu.memory_space<hbm>> -> memref<10x40xi32, #tpu.memory_space<hbm>>
        tpu.wait_dma2 semaphore(%run_scoped3A : memref<!tpu.dma_semaphore, #tpu.memory_space<semaphore_mem>>) src(%dma_wait3A_305 : memref<10x40xi32, #tpu.memory_space<hbm>>) dst(%arg8 : memref<10x40xi32, #tpu.memory_space<vmem>>)
        tpu.yield
      }) : () -> ()
      %gt3A = arith.constant 0 : i32
      %gt3A_262 = arith.cmpi sgt, %add3A_255, %gt3A : i32
      %convert_element_type3A_263 = arith.extui %gt3A_262 : i1 to i32
      %cond3A_264 = arith.constant 0 : i32
      %cond3A_265 = arith.cmpi ne, %convert_element_type3A_263, %cond3A_264 : i32
      scf.if %cond3A_265 {
        %dma_wait3A_290 = arith.constant 0 : i32
        %dma_wait3A_291 = arith.constant 0 : i32
        %dma_wait3A_292 = arith.constant 0 : i32
        %dma_wait3A_293 = tpu.memref_slice %arg9[%dma_wait3A_291, %dma_wait3A_292] : memref<120x128xf32, #tpu.memory_space<vmem>> -> memref<40x128xf32, #tpu.memory_space<vmem>>
        %dma_wait3A_294 = arith.constant 0 : i32
        %dma_wait3A_295 = tpu.memref_slice %arg8[%dma_wait3A_290, %dma_wait3A_294] : memref<10x40xi32, #tpu.memory_space<vmem>> -> memref<1x40xi32, #tpu.memory_space<vmem>>
        %dma_wait3A_296 = tpu.memref_squeeze %dma_wait3A_295 : memref<1x40xi32, #tpu.memory_space<vmem>> -> memref<40xi32, #tpu.memory_space<vmem>>
        %dma_wait3A_297 = arith.constant 0 : i32
        %dma_wait3A_298 = arith.constant 0 : i32
        %dma_wait3A_299 = tpu.memref_slice %arg13[%dma_wait3A_297, %dma_wait3A_298] : memref<10000x128xf32, #tpu.memory_space<vmem_shared>> -> memref<10000x128xf32, #tpu.memory_space<vmem_shared>>
        tpu.wait_indirect_dma semaphore(%arg16 : memref<!tpu.dma_semaphore, #tpu.memory_space<semaphore_mem>>) src(%dma_wait3A_293 : memref<40x128xf32, #tpu.memory_space<vmem>>) dst(%dma_wait3A_299 : memref<10000x128xf32, #tpu.memory_space<vmem_shared>>)
      } else {
      }
      %mul3A_266 = arith.constant 10000 : i32
      %mul3A_267 = arith.muli %add3A, %mul3A_266 : i32
      %mul3A_268 = arith.constant 10 : i32
      %mul3A_269 = arith.muli %add3A_255, %mul3A_268 : i32
      %add3A_270 = arith.constant 0 : i32
      %add3A_271 = arith.addi %mul3A_269, %add3A_270 : i32
      %mul3A_272 = arith.constant 40 : i32
      %mul3A_273 = arith.muli %add3A_271, %mul3A_272 : i32
      %add3A_274 = arith.addi %mul3A_267, %mul3A_273 : i32
      %multiple_of3A = tpu.assume_multiple %add3A_274, 8 : i32
      %dma_start3A = arith.constant 0 : i32
      %dma_start3A_275 = arith.constant 0 : i32
      %dma_start3A_276 = tpu.memref_slice %arg7[%dma_start3A, %dma_start3A_275] : memref<10x120xi32, #tpu.memory_space<vmem>> -> memref<1x120xi32, #tpu.memory_space<vmem>>
      %dma_start3A_277 = tpu.memref_squeeze %dma_start3A_276 : memref<1x120xi32, #tpu.memory_space<vmem>> -> memref<120xi32, #tpu.memory_space<vmem>>
      %dma_start3A_278 = arith.constant 0 : i32
      %dma_start3A_279 = arith.constant 0 : i32
      %dma_start3A_280 = tpu.memref_slice %arg2[%dma_start3A_278, %dma_start3A_279] : memref<30000x128xf32, #tpu.memory_space<hbm>> -> memref<30000x128xf32, #tpu.memory_space<hbm>>
      tpu.enqueue_indirect_dma source(%dma_start3A_280 : memref<30000x128xf32, #tpu.memory_space<hbm>>) target(%arg9 : memref<120x128xf32, #tpu.memory_space<vmem>>) offsets(%dma_start3A_277 : memref<120xi32, #tpu.memory_space<vmem>>) semaphore(%arg14 : memref<!tpu.dma_semaphore, #tpu.memory_space<semaphore_mem>>)
      %dma_start3A_281 = arith.constant 0 : i32
      %dma_start3A_282 = tpu.memref_slice %arg3[%multiple_of3A, %dma_start3A_281] : memref<320000x128xf32, #tpu.memory_space<hbm>> -> memref<40x128xf32, #tpu.memory_space<hbm>>
      %dma_start3A_283 = arith.constant 0 : i32
      %dma_start3A_284 = tpu.memref_slice %arg3[%multiple_of3A, %dma_start3A_283] : memref<320000x128xf32, #tpu.memory_space<hbm>> -> memref<40x128xf32, #tpu.memory_space<hbm>>
      tpu.enqueue_dma source(%dma_start3A_284 : memref<40x128xf32, #tpu.memory_space<hbm>>) target(%arg11 : memref<40x128xf32, #tpu.memory_space<vmem>>) target_semaphore(%arg14 : memref<!tpu.dma_semaphore, #tpu.memory_space<semaphore_mem>>)
      %scan3A_285 = arith.constant 0 : i32
      %scan3A_286 = arith.constant 5 : i32
      %scan3A_287 = arith.addi %scan3A_285, %scan3A_286 : i32
      %scan3A_288 = arith.constant 1 : i32
      scf.for %scan3A_290 = %scan3A_285 to %scan3A_287 step %scan3A_288  : i32 {
        %mul3A_291 = arith.constant 2 : i32
        %mul3A_292 = arith.muli %scan3A_290, %mul3A_291 : i32
        %add3A_293 = arith.constant 0 : i32
        %add3A_294 = arith.addi %add3A_293, %mul3A_292 : i32
        %add3A_295 = arith.constant 0 : i32
        %add3A_296 = arith.addi %add3A_294, %add3A_295 : i32
        %add3A_297 = arith.constant 1 : i32
        %add3A_298 = arith.addi %add3A_296, %add3A_297 : i32
        %lt3A_299 = arith.constant 10 : i32
        %lt3A_300 = arith.cmpi slt, %add3A_298, %lt3A_299 : i32
        %convert_element_type3A_301 = arith.extui %lt3A_300 : i1 to i32
        %cond3A_302 = arith.constant 0 : i32
        %cond3A_303 = arith.cmpi ne, %convert_element_type3A_301, %cond3A_302 : i32
        scf.if %cond3A_303 {
          %gt3A_379 = arith.constant 0 : i32
          %gt3A_380 = arith.cmpi sgt, %add3A_255, %gt3A_379 : i32
          %gt3A_381 = arith.constant 0 : i32
          %gt3A_382 = arith.cmpi sgt, %add3A_296, %gt3A_381 : i32
          %or3A = arith.ori %gt3A_380, %gt3A_382 : i1
          %convert_element_type3A_383 = arith.extui %or3A : i1 to i32
          %cond3A_384 = arith.constant 0 : i32
          %cond3A_385 = arith.cmpi ne, %convert_element_type3A_383, %cond3A_384 : i32
          scf.if %cond3A_385 {
            %dma_wait3A_407 = arith.constant 0 : i32
            %dma_wait3A_408 = arith.constant 0 : i32
            %dma_wait3A_409 = arith.constant 0 : i32
            %dma_wait3A_410 = tpu.memref_slice %arg9[%dma_wait3A_408, %dma_wait3A_409] : memref<120x128xf32, #tpu.memory_space<vmem>> -> memref<40x128xf32, #tpu.memory_space<vmem>>
            %dma_wait3A_411 = arith.constant 0 : i32
            %dma_wait3A_412 = tpu.memref_slice %arg8[%dma_wait3A_407, %dma_wait3A_411] : memref<10x40xi32, #tpu.memory_space<vmem>> -> memref<1x40xi32, #tpu.memory_space<vmem>>
            %dma_wait3A_413 = tpu.memref_squeeze %dma_wait3A_412 : memref<1x40xi32, #tpu.memory_space<vmem>> -> memref<40xi32, #tpu.memory_space<vmem>>
            %dma_wait3A_414 = arith.constant 0 : i32
            %dma_wait3A_415 = arith.constant 0 : i32
            %dma_wait3A_416 = tpu.memref_slice %arg13[%dma_wait3A_414, %dma_wait3A_415] : memref<10000x128xf32, #tpu.memory_space<vmem_shared>> -> memref<10000x128xf32, #tpu.memory_space<vmem_shared>>
            tpu.wait_indirect_dma semaphore(%arg16 : memref<!tpu.dma_semaphore, #tpu.memory_space<semaphore_mem>>) src(%dma_wait3A_410 : memref<40x128xf32, #tpu.memory_space<vmem>>) dst(%dma_wait3A_416 : memref<10000x128xf32, #tpu.memory_space<vmem_shared>>)
          } else {
          }
          %add3A_386 = arith.constant 1 : i32
          %add3A_387 = arith.addi %add3A_296, %add3A_386 : i32
          %mul3A_388 = arith.constant 10000 : i32
          %mul3A_389 = arith.muli %add3A, %mul3A_388 : i32
          %mul3A_390 = arith.constant 10 : i32
          %mul3A_391 = arith.muli %add3A_255, %mul3A_390 : i32
          %add3A_392 = arith.addi %mul3A_391, %add3A_387 : i32
          %mul3A_393 = arith.constant 40 : i32
          %mul3A_394 = arith.muli %add3A_392, %mul3A_393 : i32
          %add3A_395 = arith.addi %mul3A_389, %mul3A_394 : i32
          %multiple_of3A_396 = tpu.assume_multiple %add3A_395, 8 : i32
          %dma_start3A_397 = arith.constant 0 : i32
          %dma_start3A_398 = tpu.memref_slice %arg7[%add3A_387, %dma_start3A_397] : memref<10x120xi32, #tpu.memory_space<vmem>> -> memref<1x120xi32, #tpu.memory_space<vmem>>
          %dma_start3A_399 = tpu.memref_squeeze %dma_start3A_398 : memref<1x120xi32, #tpu.memory_space<vmem>> -> memref<120xi32, #tpu.memory_space<vmem>>
          %dma_start3A_400 = arith.constant 0 : i32
          %dma_start3A_401 = arith.constant 0 : i32
          %dma_start3A_402 = tpu.memref_slice %arg2[%dma_start3A_400, %dma_start3A_401] : memref<30000x128xf32, #tpu.memory_space<hbm>> -> memref<30000x128xf32, #tpu.memory_space<hbm>>
          tpu.enqueue_indirect_dma source(%dma_start3A_402 : memref<30000x128xf32, #tpu.memory_space<hbm>>) target(%arg10 : memref<120x128xf32, #tpu.memory_space<vmem>>) offsets(%dma_start3A_399 : memref<120xi32, #tpu.memory_space<vmem>>) semaphore(%arg15 : memref<!tpu.dma_semaphore, #tpu.memory_space<semaphore_mem>>)
          %dma_start3A_403 = arith.constant 0 : i32
          %dma_start3A_404 = tpu.memref_slice %arg3[%multiple_of3A_396, %dma_start3A_403] : memref<320000x128xf32, #tpu.memory_space<hbm>> -> memref<40x128xf32, #tpu.memory_space<hbm>>
          %dma_start3A_405 = arith.constant 0 : i32
          %dma_start3A_406 = tpu.memref_slice %arg3[%multiple_of3A_396, %dma_start3A_405] : memref<320000x128xf32, #tpu.memory_space<hbm>> -> memref<40x128xf32, #tpu.memory_space<hbm>>
          tpu.enqueue_dma source(%dma_start3A_406 : memref<40x128xf32, #tpu.memory_space<hbm>>) target(%arg12 : memref<40x128xf32, #tpu.memory_space<vmem>>) target_semaphore(%arg15 : memref<!tpu.dma_semaphore, #tpu.memory_space<semaphore_mem>>)
        } else {
        }
        %mul3A_304 = arith.constant 10000 : i32
        %mul3A_305 = arith.muli %add3A, %mul3A_304 : i32
        %mul3A_306 = arith.constant 10 : i32
        %mul3A_307 = arith.muli %add3A_255, %mul3A_306 : i32
        %add3A_308 = arith.addi %mul3A_307, %add3A_296 : i32
        %mul3A_309 = arith.constant 40 : i32
        %mul3A_310 = arith.muli %add3A_308, %mul3A_309 : i32
        %add3A_311 = arith.addi %mul3A_305, %mul3A_310 : i32
        %multiple_of3A_312 = tpu.assume_multiple %add3A_311, 8 : i32
        %dma_wait3A_313 = arith.constant 0 : i32
        %dma_wait3A_314 = tpu.memref_slice %arg7[%add3A_296, %dma_wait3A_313] : memref<10x120xi32, #tpu.memory_space<vmem>> -> memref<1x120xi32, #tpu.memory_space<vmem>>
        %dma_wait3A_315 = tpu.memref_squeeze %dma_wait3A_314 : memref<1x120xi32, #tpu.memory_space<vmem>> -> memref<120xi32, #tpu.memory_space<vmem>>
        %dma_wait3A_316 = arith.constant 0 : i32
        %dma_wait3A_317 = arith.constant 0 : i32
        %dma_wait3A_318 = tpu.memref_slice %arg2[%dma_wait3A_316, %dma_wait3A_317] : memref<30000x128xf32, #tpu.memory_space<hbm>> -> memref<30000x128xf32, #tpu.memory_space<hbm>>
        tpu.wait_indirect_dma semaphore(%arg14 : memref<!tpu.dma_semaphore, #tpu.memory_space<semaphore_mem>>) src(%dma_wait3A_318 : memref<30000x128xf32, #tpu.memory_space<hbm>>) dst(%arg9 : memref<120x128xf32, #tpu.memory_space<vmem>>)
        %dma_wait3A_319 = arith.constant 0 : i32
        %dma_wait3A_320 = tpu.memref_slice %arg3[%multiple_of3A_312, %dma_wait3A_319] : memref<320000x128xf32, #tpu.memory_space<hbm>> -> memref<40x128xf32, #tpu.memory_space<hbm>>
        %dma_wait3A_321 = arith.constant 0 : i32
        %dma_wait3A_322 = tpu.memref_slice %arg3[%multiple_of3A_312, %dma_wait3A_321] : memref<320000x128xf32, #tpu.memory_space<hbm>> -> memref<40x128xf32, #tpu.memory_space<hbm>>
        tpu.wait_dma2 semaphore(%arg14 : memref<!tpu.dma_semaphore, #tpu.memory_space<semaphore_mem>>) src(%dma_wait3A_322 : memref<40x128xf32, #tpu.memory_space<hbm>>) dst(%arg11 : memref<40x128xf32, #tpu.memory_space<vmem>>)
        %scan3A_323 = arith.constant 0 : i32
        %scan3A_324 = arith.constant 40 : i32
        %scan3A_325 = arith.addi %scan3A_323, %scan3A_324 : i32
        %scan3A_326 = arith.constant 1 : i32
        scf.for %scan3A_379 = %scan3A_323 to %scan3A_325 step %scan3A_326  : i32 {
          %mul3A_380 = arith.constant 1 : i32
          %mul3A_381 = arith.muli %scan3A_379, %mul3A_380 : i32
          %add3A_382 = arith.constant 0 : i32
          %add3A_383 = arith.addi %add3A_382, %mul3A_381 : i32
          %get3A = arith.index_cast %add3A_383 : i32 to index
          %get3A_384 = arith.constant 0 : index
          %get3A_385 = tpu.vector_load %arg9[%get3A, %get3A_384] {strides = array<i32>} : memref<120x128xf32, #tpu.memory_space<vmem>>, vector<1x16xf32>,
          %get3A_386 = vector.shape_cast %get3A_385 : vector<1x16xf32> to vector<16xf32>
          %add3A_387 = arith.constant 40 : i32
          %add3A_388 = arith.addi %add3A_387, %add3A_383 : i32
          %get3A_389 = arith.index_cast %add3A_388 : i32 to index
          %get3A_390 = arith.constant 0 : index
          %get3A_391 = tpu.vector_load %arg9[%get3A_389, %get3A_390] {strides = array<i32>} : memref<120x128xf32, #tpu.memory_space<vmem>>, vector<1x16xf32>,
          %get3A_392 = vector.shape_cast %get3A_391 : vector<1x16xf32> to vector<16xf32>
          %add3A_393 = arith.addf %get3A_386, %get3A_392 : vector<16xf32>
          %get3A_394 = arith.index_cast %add3A_383 : i32 to index
          %get3A_395 = arith.constant 0 : index
          %get3A_396 = tpu.vector_load %arg11[%get3A_394, %get3A_395] {strides = array<i32>} : memref<40x128xf32, #tpu.memory_space<vmem>>, vector<1x16xf32>,
          %get3A_397 = vector.shape_cast %get3A_396 : vector<1x16xf32> to vector<16xf32>
          %add3A_398 = arith.addf %add3A_393, %get3A_397 : vector<16xf32>
          %neg3A = arith.constant 0.000000e+00 : f32
          %neg3A_399 = vector.broadcast %neg3A : f32 to vector<16xf32>
          %neg3A_400 = arith.subf %neg3A_399, %add3A_398 : vector<16xf32>
          %exp3A = math.exp %neg3A_400 : vector<16xf32>
          %add3A_401 = arith.constant 1.000000e+00 : f32
          %add3A_402 = vector.broadcast %add3A_401 : f32 to vector<16xf32>
          %add3A_403 = arith.addf %add3A_402, %exp3A : vector<16xf32>
          %div3A = arith.constant 1.000000e+00 : f32
          %div3A_404 = vector.broadcast %div3A : f32 to vector<16xf32>
          %div3A_405 = arith.divf %div3A_404, %add3A_403 : vector<16xf32>
          %add3A_406 = arith.constant 80 : i32
          %add3A_407 = arith.addi %add3A_406, %add3A_383 : i32
          %get3A_408 = arith.index_cast %add3A_407 : i32 to index
          %get3A_409 = arith.constant 0 : index
          %get3A_410 = tpu.vector_load %arg9[%get3A_408, %get3A_409] {strides = array<i32>} : memref<120x128xf32, #tpu.memory_space<vmem>>, vector<1x16xf32>,
          %get3A_411 = vector.shape_cast %get3A_410 : vector<1x16xf32> to vector<16xf32>
          %mul3A_412 = arith.mulf %div3A_405, %get3A_411 : vector<16xf32>
          %swap3A = arith.index_cast %add3A_383 : i32 to index
          %swap3A_413 = arith.constant 0 : index
          %swap3A_414 = tpu.vector_load %arg9[%swap3A, %swap3A_413] {strides = array<i32>} : memref<120x128xf32, #tpu.memory_space<vmem>>, vector<1x16xf32>,
          %swap3A_415 = vector.shape_cast %swap3A_414 : vector<1x16xf32> to vector<16xf32>
          %swap3A_416 = vector.shape_cast %mul3A_412 : vector<16xf32> to vector<1x16xf32>
          tpu.vector_store %arg9[%swap3A, %swap3A_413], %swap3A_416 {strides = array<i32>} : memref<120x128xf32, #tpu.memory_space<vmem>>, vector<1x16xf32>,
          %get3A_417 = arith.index_cast %add3A_383 : i32 to index
          %get3A_418 = arith.constant 16 : index
          %get3A_419 = tpu.vector_load %arg9[%get3A_417, %get3A_418] {strides = array<i32>} : memref<120x128xf32, #tpu.memory_space<vmem>>, vector<1x16xf32>,
          %get3A_420 = vector.shape_cast %get3A_419 : vector<1x16xf32> to vector<16xf32>
          %add3A_421 = arith.constant 40 : i32
          %add3A_422 = arith.addi %add3A_421, %add3A_383 : i32
          %get3A_423 = arith.index_cast %add3A_422 : i32 to index
          %get3A_424 = arith.constant 16 : index
          %get3A_425 = tpu.vector_load %arg9[%get3A_423, %get3A_424] {strides = array<i32>} : memref<120x128xf32, #tpu.memory_space<vmem>>, vector<1x16xf32>,
          %get3A_426 = vector.shape_cast %get3A_425 : vector<1x16xf32> to vector<16xf32>
          %add3A_427 = arith.addf %get3A_420, %get3A_426 : vector<16xf32>
          %get3A_428 = arith.index_cast %add3A_383 : i32 to index
          %get3A_429 = arith.constant 16 : index
          %get3A_430 = tpu.vector_load %arg11[%get3A_428, %get3A_429] {strides = array<i32>} : memref<40x128xf32, #tpu.memory_space<vmem>>, vector<1x16xf32>,
          %get3A_431 = vector.shape_cast %get3A_430 : vector<1x16xf32> to vector<16xf32>
          %add3A_432 = arith.addf %add3A_427, %get3A_431 : vector<16xf32>
          %neg3A_433 = arith.constant 0.000000e+00 : f32
          %neg3A_434 = vector.broadcast %neg3A_433 : f32 to vector<16xf32>
          %neg3A_435 = arith.subf %neg3A_434, %add3A_432 : vector<16xf32>
          %exp3A_436 = math.exp %neg3A_435 : vector<16xf32>
          %add3A_437 = arith.constant 1.000000e+00 : f32
          %add3A_438 = vector.broadcast %add3A_437 : f32 to vector<16xf32>
          %add3A_439 = arith.addf %add3A_438, %exp3A_436 : vector<16xf32>
          %div3A_440 = arith.constant 1.000000e+00 : f32
          %div3A_441 = vector.broadcast %div3A_440 : f32 to vector<16xf32>
          %div3A_442 = arith.divf %div3A_441, %add3A_439 : vector<16xf32>
          %add3A_443 = arith.constant 80 : i32
          %add3A_444 = arith.addi %add3A_443, %add3A_383 : i32
          %get3A_445 = arith.index_cast %add3A_444 : i32 to index
          %get3A_446 = arith.constant 16 : index
          %get3A_447 = tpu.vector_load %arg9[%get3A_445, %get3A_446] {strides = array<i32>} : memref<120x128xf32, #tpu.memory_space<vmem>>, vector<1x16xf32>,
          %get3A_448 = vector.shape_cast %get3A_447 : vector<1x16xf32> to vector<16xf32>
          %mul3A_449 = arith.mulf %div3A_442, %get3A_448 : vector<16xf32>
          %swap3A_450 = arith.index_cast %add3A_383 : i32 to index
          %swap3A_451 = arith.constant 16 : index
          %swap3A_452 = tpu.vector_load %arg9[%swap3A_450, %swap3A_451] {strides = array<i32>} : memref<120x128xf32, #tpu.memory_space<vmem>>, vector<1x16xf32>,
          %swap3A_453 = vector.shape_cast %swap3A_452 : vector<1x16xf32> to vector<16xf32>
          %swap3A_454 = vector.shape_cast %mul3A_449 : vector<16xf32> to vector<1x16xf32>
          tpu.vector_store %arg9[%swap3A_450, %swap3A_451], %swap3A_454 {strides = array<i32>} : memref<120x128xf32, #tpu.memory_space<vmem>>, vector<1x16xf32>,
          %get3A_455 = arith.index_cast %add3A_383 : i32 to index
          %get3A_456 = arith.constant 32 : index
          %get3A_457 = tpu.vector_load %arg9[%get3A_455, %get3A_456] {strides = array<i32>} : memref<120x128xf32, #tpu.memory_space<vmem>>, vector<1x16xf32>,
          %get3A_458 = vector.shape_cast %get3A_457 : vector<1x16xf32> to vector<16xf32>
          %add3A_459 = arith.constant 40 : i32
          %add3A_460 = arith.addi %add3A_459, %add3A_383 : i32
          %get3A_461 = arith.index_cast %add3A_460 : i32 to index
          %get3A_462 = arith.constant 32 : index
          %get3A_463 = tpu.vector_load %arg9[%get3A_461, %get3A_462] {strides = array<i32>} : memref<120x128xf32, #tpu.memory_space<vmem>>, vector<1x16xf32>,
          %get3A_464 = vector.shape_cast %get3A_463 : vector<1x16xf32> to vector<16xf32>
          %add3A_465 = arith.addf %get3A_458, %get3A_464 : vector<16xf32>
          %get3A_466 = arith.index_cast %add3A_383 : i32 to index
          %get3A_467 = arith.constant 32 : index
          %get3A_468 = tpu.vector_load %arg11[%get3A_466, %get3A_467] {strides = array<i32>} : memref<40x128xf32, #tpu.memory_space<vmem>>, vector<1x16xf32>,
          %get3A_469 = vector.shape_cast %get3A_468 : vector<1x16xf32> to vector<16xf32>
          %add3A_470 = arith.addf %add3A_465, %get3A_469 : vector<16xf32>
          %neg3A_471 = arith.constant 0.000000e+00 : f32
          %neg3A_472 = vector.broadcast %neg3A_471 : f32 to vector<16xf32>
          %neg3A_473 = arith.subf %neg3A_472, %add3A_470 : vector<16xf32>
          %exp3A_474 = math.exp %neg3A_473 : vector<16xf32>
          %add3A_475 = arith.constant 1.000000e+00 : f32
          %add3A_476 = vector.broadcast %add3A_475 : f32 to vector<16xf32>
          %add3A_477 = arith.addf %add3A_476, %exp3A_474 : vector<16xf32>
          %div3A_478 = arith.constant 1.000000e+00 : f32
          %div3A_479 = vector.broadcast %div3A_478 : f32 to vector<16xf32>
          %div3A_480 = arith.divf %div3A_479, %add3A_477 : vector<16xf32>
          %add3A_481 = arith.constant 80 : i32
          %add3A_482 = arith.addi %add3A_481, %add3A_383 : i32
          %get3A_483 = arith.index_cast %add3A_482 : i32 to index
          %get3A_484 = arith.constant 32 : index
          %get3A_485 = tpu.vector_load %arg9[%get3A_483, %get3A_484] {strides = array<i32>} : memref<120x128xf32, #tpu.memory_space<vmem>>, vector<1x16xf32>,
          %get3A_486 = vector.shape_cast %get3A_485 : vector<1x16xf32> to vector<16xf32>
          %mul3A_487 = arith.mulf %div3A_480, %get3A_486 : vector<16xf32>
          %swap3A_488 = arith.index_cast %add3A_383 : i32 to index
          %swap3A_489 = arith.constant 32 : index
          %swap3A_490 = tpu.vector_load %arg9[%swap3A_488, %swap3A_489] {strides = array<i32>} : memref<120x128xf32, #tpu.memory_space<vmem>>, vector<1x16xf32>,
          %swap3A_491 = vector.shape_cast %swap3A_490 : vector<1x16xf32> to vector<16xf32>
          %swap3A_492 = vector.shape_cast %mul3A_487 : vector<16xf32> to vector<1x16xf32>
          tpu.vector_store %arg9[%swap3A_488, %swap3A_489], %swap3A_492 {strides = array<i32>} : memref<120x128xf32, #tpu.memory_space<vmem>>, vector<1x16xf32>,
          %get3A_493 = arith.index_cast %add3A_383 : i32 to index
          %get3A_494 = arith.constant 48 : index
          %get3A_495 = tpu.vector_load %arg9[%get3A_493, %get3A_494] {strides = array<i32>} : memref<120x128xf32, #tpu.memory_space<vmem>>, vector<1x16xf32>,
          %get3A_496 = vector.shape_cast %get3A_495 : vector<1x16xf32> to vector<16xf32>
          %add3A_497 = arith.constant 40 : i32
          %add3A_498 = arith.addi %add3A_497, %add3A_383 : i32
          %get3A_499 = arith.index_cast %add3A_498 : i32 to index
          %get3A_500 = arith.constant 48 : index
          %get3A_501 = tpu.vector_load %arg9[%get3A_499, %get3A_500] {strides = array<i32>} : memref<120x128xf32, #tpu.memory_space<vmem>>, vector<1x16xf32>,
          %get3A_502 = vector.shape_cast %get3A_501 : vector<1x16xf32> to vector<16xf32>
          %add3A_503 = arith.addf %get3A_496, %get3A_502 : vector<16xf32>
          %get3A_504 = arith.index_cast %add3A_383 : i32 to index
          %get3A_505 = arith.constant 48 : index
          %get3A_506 = tpu.vector_load %arg11[%get3A_504, %get3A_505] {strides = array<i32>} : memref<40x128xf32, #tpu.memory_space<vmem>>, vector<1x16xf32>,
          %get3A_507 = vector.shape_cast %get3A_506 : vector<1x16xf32> to vector<16xf32>
          %add3A_508 = arith.addf %add3A_503, %get3A_507 : vector<16xf32>
          %neg3A_509 = arith.constant 0.000000e+00 : f32
          %neg3A_510 = vector.broadcast %neg3A_509 : f32 to vector<16xf32>
          %neg3A_511 = arith.subf %neg3A_510, %add3A_508 : vector<16xf32>
          %exp3A_512 = math.exp %neg3A_511 : vector<16xf32>
          %add3A_513 = arith.constant 1.000000e+00 : f32
          %add3A_514 = vector.broadcast %add3A_513 : f32 to vector<16xf32>
          %add3A_515 = arith.addf %add3A_514, %exp3A_512 : vector<16xf32>
          %div3A_516 = arith.constant 1.000000e+00 : f32
          %div3A_517 = vector.broadcast %div3A_516 : f32 to vector<16xf32>
          %div3A_518 = arith.divf %div3A_517, %add3A_515 : vector<16xf32>
          %add3A_519 = arith.constant 80 : i32
          %add3A_520 = arith.addi %add3A_519, %add3A_383 : i32
          %get3A_521 = arith.index_cast %add3A_520 : i32 to index
          %get3A_522 = arith.constant 48 : index
          %get3A_523 = tpu.vector_load %arg9[%get3A_521, %get3A_522] {strides = array<i32>} : memref<120x128xf32, #tpu.memory_space<vmem>>, vector<1x16xf32>,
          %get3A_524 = vector.shape_cast %get3A_523 : vector<1x16xf32> to vector<16xf32>
          %mul3A_525 = arith.mulf %div3A_518, %get3A_524 : vector<16xf32>
          %swap3A_526 = arith.index_cast %add3A_383 : i32 to index
          %swap3A_527 = arith.constant 48 : index
          %swap3A_528 = tpu.vector_load %arg9[%swap3A_526, %swap3A_527] {strides = array<i32>} : memref<120x128xf32, #tpu.memory_space<vmem>>, vector<1x16xf32>,
          %swap3A_529 = vector.shape_cast %swap3A_528 : vector<1x16xf32> to vector<16xf32>
          %swap3A_530 = vector.shape_cast %mul3A_525 : vector<16xf32> to vector<1x16xf32>
          tpu.vector_store %arg9[%swap3A_526, %swap3A_527], %swap3A_530 {strides = array<i32>} : memref<120x128xf32, #tpu.memory_space<vmem>>, vector<1x16xf32>,
          %get3A_531 = arith.index_cast %add3A_383 : i32 to index
          %get3A_532 = arith.constant 64 : index
          %get3A_533 = tpu.vector_load %arg9[%get3A_531, %get3A_532] {strides = array<i32>} : memref<120x128xf32, #tpu.memory_space<vmem>>, vector<1x16xf32>,
          %get3A_534 = vector.shape_cast %get3A_533 : vector<1x16xf32> to vector<16xf32>
          %add3A_535 = arith.constant 40 : i32
          %add3A_536 = arith.addi %add3A_535, %add3A_383 : i32
          %get3A_537 = arith.index_cast %add3A_536 : i32 to index
          %get3A_538 = arith.constant 64 : index
          %get3A_539 = tpu.vector_load %arg9[%get3A_537, %get3A_538] {strides = array<i32>} : memref<120x128xf32, #tpu.memory_space<vmem>>, vector<1x16xf32>,
          %get3A_540 = vector.shape_cast %get3A_539 : vector<1x16xf32> to vector<16xf32>
          %add3A_541 = arith.addf %get3A_534, %get3A_540 : vector<16xf32>
          %get3A_542 = arith.index_cast %add3A_383 : i32 to index
          %get3A_543 = arith.constant 64 : index
          %get3A_544 = tpu.vector_load %arg11[%get3A_542, %get3A_543] {strides = array<i32>} : memref<40x128xf32, #tpu.memory_space<vmem>>, vector<1x16xf32>,
          %get3A_545 = vector.shape_cast %get3A_544 : vector<1x16xf32> to vector<16xf32>
          %add3A_546 = arith.addf %add3A_541, %get3A_545 : vector<16xf32>
          %neg3A_547 = arith.constant 0.000000e+00 : f32
          %neg3A_548 = vector.broadcast %neg3A_547 : f32 to vector<16xf32>
          %neg3A_549 = arith.subf %neg3A_548, %add3A_546 : vector<16xf32>
          %exp3A_550 = math.exp %neg3A_549 : vector<16xf32>
          %add3A_551 = arith.constant 1.000000e+00 : f32
          %add3A_552 = vector.broadcast %add3A_551 : f32 to vector<16xf32>
          %add3A_553 = arith.addf %add3A_552, %exp3A_550 : vector<16xf32>
          %div3A_554 = arith.constant 1.000000e+00 : f32
          %div3A_555 = vector.broadcast %div3A_554 : f32 to vector<16xf32>
          %div3A_556 = arith.divf %div3A_555, %add3A_553 : vector<16xf32>
          %add3A_557 = arith.constant 80 : i32
          %add3A_558 = arith.addi %add3A_557, %add3A_383 : i32
          %get3A_559 = arith.index_cast %add3A_558 : i32 to index
          %get3A_560 = arith.constant 64 : index
          %get3A_561 = tpu.vector_load %arg9[%get3A_559, %get3A_560] {strides = array<i32>} : memref<120x128xf32, #tpu.memory_space<vmem>>, vector<1x16xf32>,
          %get3A_562 = vector.shape_cast %get3A_561 : vector<1x16xf32> to vector<16xf32>
          %mul3A_563 = arith.mulf %div3A_556, %get3A_562 : vector<16xf32>
          %swap3A_564 = arith.index_cast %add3A_383 : i32 to index
          %swap3A_565 = arith.constant 64 : index
          %swap3A_566 = tpu.vector_load %arg9[%swap3A_564, %swap3A_565] {strides = array<i32>} : memref<120x128xf32, #tpu.memory_space<vmem>>, vector<1x16xf32>,
          %swap3A_567 = vector.shape_cast %swap3A_566 : vector<1x16xf32> to vector<16xf32>
          %swap3A_568 = vector.shape_cast %mul3A_563 : vector<16xf32> to vector<1x16xf32>
          tpu.vector_store %arg9[%swap3A_564, %swap3A_565], %swap3A_568 {strides = array<i32>} : memref<120x128xf32, #tpu.memory_space<vmem>>, vector<1x16xf32>,
          %get3A_569 = arith.index_cast %add3A_383 : i32 to index
          %get3A_570 = arith.constant 80 : index
          %get3A_571 = tpu.vector_load %arg9[%get3A_569, %get3A_570] {strides = array<i32>} : memref<120x128xf32, #tpu.memory_space<vmem>>, vector<1x16xf32>,
          %get3A_572 = vector.shape_cast %get3A_571 : vector<1x16xf32> to vector<16xf32>
          %add3A_573 = arith.constant 40 : i32
          %add3A_574 = arith.addi %add3A_573, %add3A_383 : i32
          %get3A_575 = arith.index_cast %add3A_574 : i32 to index
          %get3A_576 = arith.constant 80 : index
          %get3A_577 = tpu.vector_load %arg9[%get3A_575, %get3A_576] {strides = array<i32>} : memref<120x128xf32, #tpu.memory_space<vmem>>, vector<1x16xf32>,
          %get3A_578 = vector.shape_cast %get3A_577 : vector<1x16xf32> to vector<16xf32>
          %add3A_579 = arith.addf %get3A_572, %get3A_578 : vector<16xf32>
          %get3A_580 = arith.index_cast %add3A_383 : i32 to index
          %get3A_581 = arith.constant 80 : index
          %get3A_582 = tpu.vector_load %arg11[%get3A_580, %get3A_581] {strides = array<i32>} : memref<40x128xf32, #tpu.memory_space<vmem>>, vector<1x16xf32>,
          %get3A_583 = vector.shape_cast %get3A_582 : vector<1x16xf32> to vector<16xf32>
          %add3A_584 = arith.addf %add3A_579, %get3A_583 : vector<16xf32>
          %neg3A_585 = arith.constant 0.000000e+00 : f32
          %neg3A_586 = vector.broadcast %neg3A_585 : f32 to vector<16xf32>
          %neg3A_587 = arith.subf %neg3A_586, %add3A_584 : vector<16xf32>
          %exp3A_588 = math.exp %neg3A_587 : vector<16xf32>
          %add3A_589 = arith.constant 1.000000e+00 : f32
          %add3A_590 = vector.broadcast %add3A_589 : f32 to vector<16xf32>
          %add3A_591 = arith.addf %add3A_590, %exp3A_588 : vector<16xf32>
          %div3A_592 = arith.constant 1.000000e+00 : f32
          %div3A_593 = vector.broadcast %div3A_592 : f32 to vector<16xf32>
          %div3A_594 = arith.divf %div3A_593, %add3A_591 : vector<16xf32>
          %add3A_595 = arith.constant 80 : i32
          %add3A_596 = arith.addi %add3A_595, %add3A_383 : i32
          %get3A_597 = arith.index_cast %add3A_596 : i32 to index
          %get3A_598 = arith.constant 80 : index
          %get3A_599 = tpu.vector_load %arg9[%get3A_597, %get3A_598] {strides = array<i32>} : memref<120x128xf32, #tpu.memory_space<vmem>>, vector<1x16xf32>,
          %get3A_600 = vector.shape_cast %get3A_599 : vector<1x16xf32> to vector<16xf32>
          %mul3A_601 = arith.mulf %div3A_594, %get3A_600 : vector<16xf32>
          %swap3A_602 = arith.index_cast %add3A_383 : i32 to index
          %swap3A_603 = arith.constant 80 : index
          %swap3A_604 = tpu.vector_load %arg9[%swap3A_602, %swap3A_603] {strides = array<i32>} : memref<120x128xf32, #tpu.memory_space<vmem>>, vector<1x16xf32>,
          %swap3A_605 = vector.shape_cast %swap3A_604 : vector<1x16xf32> to vector<16xf32>
          %swap3A_606 = vector.shape_cast %mul3A_601 : vector<16xf32> to vector<1x16xf32>
          tpu.vector_store %arg9[%swap3A_602, %swap3A_603], %swap3A_606 {strides = array<i32>} : memref<120x128xf32, #tpu.memory_space<vmem>>, vector<1x16xf32>,
          %get3A_607 = arith.index_cast %add3A_383 : i32 to index
          %get3A_608 = arith.constant 96 : index
          %get3A_609 = tpu.vector_load %arg9[%get3A_607, %get3A_608] {strides = array<i32>} : memref<120x128xf32, #tpu.memory_space<vmem>>, vector<1x16xf32>,
          %get3A_610 = vector.shape_cast %get3A_609 : vector<1x16xf32> to vector<16xf32>
          %add3A_611 = arith.constant 40 : i32
          %add3A_612 = arith.addi %add3A_611, %add3A_383 : i32
          %get3A_613 = arith.index_cast %add3A_612 : i32 to index
          %get3A_614 = arith.constant 96 : index
          %get3A_615 = tpu.vector_load %arg9[%get3A_613, %get3A_614] {strides = array<i32>} : memref<120x128xf32, #tpu.memory_space<vmem>>, vector<1x16xf32>,
          %get3A_616 = vector.shape_cast %get3A_615 : vector<1x16xf32> to vector<16xf32>
          %add3A_617 = arith.addf %get3A_610, %get3A_616 : vector<16xf32>
          %get3A_618 = arith.index_cast %add3A_383 : i32 to index
          %get3A_619 = arith.constant 96 : index
          %get3A_620 = tpu.vector_load %arg11[%get3A_618, %get3A_619] {strides = array<i32>} : memref<40x128xf32, #tpu.memory_space<vmem>>, vector<1x16xf32>,
          %get3A_621 = vector.shape_cast %get3A_620 : vector<1x16xf32> to vector<16xf32>
          %add3A_622 = arith.addf %add3A_617, %get3A_621 : vector<16xf32>
          %neg3A_623 = arith.constant 0.000000e+00 : f32
          %neg3A_624 = vector.broadcast %neg3A_623 : f32 to vector<16xf32>
          %neg3A_625 = arith.subf %neg3A_624, %add3A_622 : vector<16xf32>
          %exp3A_626 = math.exp %neg3A_625 : vector<16xf32>
          %add3A_627 = arith.constant 1.000000e+00 : f32
          %add3A_628 = vector.broadcast %add3A_627 : f32 to vector<16xf32>
          %add3A_629 = arith.addf %add3A_628, %exp3A_626 : vector<16xf32>
          %div3A_630 = arith.constant 1.000000e+00 : f32
          %div3A_631 = vector.broadcast %div3A_630 : f32 to vector<16xf32>
          %div3A_632 = arith.divf %div3A_631, %add3A_629 : vector<16xf32>
          %add3A_633 = arith.constant 80 : i32
          %add3A_634 = arith.addi %add3A_633, %add3A_383 : i32
          %get3A_635 = arith.index_cast %add3A_634 : i32 to index
          %get3A_636 = arith.constant 96 : index
          %get3A_637 = tpu.vector_load %arg9[%get3A_635, %get3A_636] {strides = array<i32>} : memref<120x128xf32, #tpu.memory_space<vmem>>, vector<1x16xf32>,
          %get3A_638 = vector.shape_cast %get3A_637 : vector<1x16xf32> to vector<16xf32>
          %mul3A_639 = arith.mulf %div3A_632, %get3A_638 : vector<16xf32>
          %swap3A_640 = arith.index_cast %add3A_383 : i32 to index
          %swap3A_641 = arith.constant 96 : index
          %swap3A_642 = tpu.vector_load %arg9[%swap3A_640, %swap3A_641] {strides = array<i32>} : memref<120x128xf32, #tpu.memory_space<vmem>>, vector<1x16xf32>,
          %swap3A_643 = vector.shape_cast %swap3A_642 : vector<1x16xf32> to vector<16xf32>
          %swap3A_644 = vector.shape_cast %mul3A_639 : vector<16xf32> to vector<1x16xf32>
          tpu.vector_store %arg9[%swap3A_640, %swap3A_641], %swap3A_644 {strides = array<i32>} : memref<120x128xf32, #tpu.memory_space<vmem>>, vector<1x16xf32>,
          %get3A_645 = arith.index_cast %add3A_383 : i32 to index
          %get3A_646 = arith.constant 112 : index
          %get3A_647 = tpu.vector_load %arg9[%get3A_645, %get3A_646] {strides = array<i32>} : memref<120x128xf32, #tpu.memory_space<vmem>>, vector<1x16xf32>,
          %get3A_648 = vector.shape_cast %get3A_647 : vector<1x16xf32> to vector<16xf32>
          %add3A_649 = arith.constant 40 : i32
          %add3A_650 = arith.addi %add3A_649, %add3A_383 : i32
          %get3A_651 = arith.index_cast %add3A_650 : i32 to index
          %get3A_652 = arith.constant 112 : index
          %get3A_653 = tpu.vector_load %arg9[%get3A_651, %get3A_652] {strides = array<i32>} : memref<120x128xf32, #tpu.memory_space<vmem>>, vector<1x16xf32>,
          %get3A_654 = vector.shape_cast %get3A_653 : vector<1x16xf32> to vector<16xf32>
          %add3A_655 = arith.addf %get3A_648, %get3A_654 : vector<16xf32>
          %get3A_656 = arith.index_cast %add3A_383 : i32 to index
          %get3A_657 = arith.constant 112 : index
          %get3A_658 = tpu.vector_load %arg11[%get3A_656, %get3A_657] {strides = array<i32>} : memref<40x128xf32, #tpu.memory_space<vmem>>, vector<1x16xf32>,
          %get3A_659 = vector.shape_cast %get3A_658 : vector<1x16xf32> to vector<16xf32>
          %add3A_660 = arith.addf %add3A_655, %get3A_659 : vector<16xf32>
          %neg3A_661 = arith.constant 0.000000e+00 : f32
          %neg3A_662 = vector.broadcast %neg3A_661 : f32 to vector<16xf32>
          %neg3A_663 = arith.subf %neg3A_662, %add3A_660 : vector<16xf32>
          %exp3A_664 = math.exp %neg3A_663 : vector<16xf32>
          %add3A_665 = arith.constant 1.000000e+00 : f32
          %add3A_666 = vector.broadcast %add3A_665 : f32 to vector<16xf32>
          %add3A_667 = arith.addf %add3A_666, %exp3A_664 : vector<16xf32>
          %div3A_668 = arith.constant 1.000000e+00 : f32
          %div3A_669 = vector.broadcast %div3A_668 : f32 to vector<16xf32>
          %div3A_670 = arith.divf %div3A_669, %add3A_667 : vector<16xf32>
          %add3A_671 = arith.constant 80 : i32
          %add3A_672 = arith.addi %add3A_671, %add3A_383 : i32
          %get3A_673 = arith.index_cast %add3A_672 : i32 to index
          %get3A_674 = arith.constant 112 : index
          %get3A_675 = tpu.vector_load %arg9[%get3A_673, %get3A_674] {strides = array<i32>} : memref<120x128xf32, #tpu.memory_space<vmem>>, vector<1x16xf32>,
          %get3A_676 = vector.shape_cast %get3A_675 : vector<1x16xf32> to vector<16xf32>
          %mul3A_677 = arith.mulf %div3A_670, %get3A_676 : vector<16xf32>
          %swap3A_678 = arith.index_cast %add3A_383 : i32 to index
          %swap3A_679 = arith.constant 112 : index
          %swap3A_680 = tpu.vector_load %arg9[%swap3A_678, %swap3A_679] {strides = array<i32>} : memref<120x128xf32, #tpu.memory_space<vmem>>, vector<1x16xf32>,
          %swap3A_681 = vector.shape_cast %swap3A_680 : vector<1x16xf32> to vector<16xf32>
          %swap3A_682 = vector.shape_cast %mul3A_677 : vector<16xf32> to vector<1x16xf32>
          tpu.vector_store %arg9[%swap3A_678, %swap3A_679], %swap3A_682 {strides = array<i32>} : memref<120x128xf32, #tpu.memory_space<vmem>>, vector<1x16xf32>,
        }
        %scan3A_327 = arith.constant 40 : i32
        %dma_start3A_328 = arith.constant 0 : i32
        %dma_start3A_329 = arith.constant 0 : i32
        %dma_start3A_330 = tpu.memref_slice %arg9[%dma_start3A_328, %dma_start3A_329] : memref<120x128xf32, #tpu.memory_space<vmem>> -> memref<40x128xf32, #tpu.memory_space<vmem>>
        %dma_start3A_331 = arith.constant 0 : i32
        %dma_start3A_332 = tpu.memref_slice %arg8[%add3A_296, %dma_start3A_331] : memref<10x40xi32, #tpu.memory_space<vmem>> -> memref<1x40xi32, #tpu.memory_space<vmem>>
        %dma_start3A_333 = tpu.memref_squeeze %dma_start3A_332 : memref<1x40xi32, #tpu.memory_space<vmem>> -> memref<40xi32, #tpu.memory_space<vmem>>
        %dma_start3A_334 = arith.constant 0 : i32
        %dma_start3A_335 = arith.constant 0 : i32
        %dma_start3A_336 = tpu.memref_slice %arg13[%dma_start3A_334, %dma_start3A_335] : memref<10000x128xf32, #tpu.memory_space<vmem_shared>> -> memref<10000x128xf32, #tpu.memory_space<vmem_shared>>
        tpu.enqueue_indirect_dma source(%dma_start3A_330 : memref<40x128xf32, #tpu.memory_space<vmem>>) target(%dma_start3A_336 : memref<10000x128xf32, #tpu.memory_space<vmem_shared>>) offsets(%dma_start3A_333 : memref<40xi32, #tpu.memory_space<vmem>>) semaphore(%arg16 : memref<!tpu.dma_semaphore, #tpu.memory_space<semaphore_mem>>) {add = true}
        %add3A_337 = arith.constant 1 : i32
        %add3A_338 = arith.addi %add3A_294, %add3A_337 : i32
        %add3A_339 = arith.constant 1 : i32
        %add3A_340 = arith.addi %add3A_338, %add3A_339 : i32
        %lt3A_341 = arith.constant 10 : i32
        %lt3A_342 = arith.cmpi slt, %add3A_340, %lt3A_341 : i32
        %convert_element_type3A_343 = arith.extui %lt3A_342 : i1 to i32
        %cond3A_344 = arith.constant 0 : i32
        %cond3A_345 = arith.cmpi ne, %convert_element_type3A_343, %cond3A_344 : i32
        scf.if %cond3A_345 {
          %gt3A_379 = arith.constant 0 : i32
          %gt3A_380 = arith.cmpi sgt, %add3A_255, %gt3A_379 : i32
          %gt3A_381 = arith.constant 0 : i32
          %gt3A_382 = arith.cmpi sgt, %add3A_338, %gt3A_381 : i32
          %or3A = arith.ori %gt3A_380, %gt3A_382 : i1
          %convert_element_type3A_383 = arith.extui %or3A : i1 to i32
          %cond3A_384 = arith.constant 0 : i32
          %cond3A_385 = arith.cmpi ne, %convert_element_type3A_383, %cond3A_384 : i32
          scf.if %cond3A_385 {
            %dma_wait3A_407 = arith.constant 0 : i32
            %dma_wait3A_408 = arith.constant 0 : i32
            %dma_wait3A_409 = arith.constant 0 : i32
            %dma_wait3A_410 = tpu.memref_slice %arg9[%dma_wait3A_408, %dma_wait3A_409] : memref<120x128xf32, #tpu.memory_space<vmem>> -> memref<40x128xf32, #tpu.memory_space<vmem>>
            %dma_wait3A_411 = arith.constant 0 : i32
            %dma_wait3A_412 = tpu.memref_slice %arg8[%dma_wait3A_407, %dma_wait3A_411] : memref<10x40xi32, #tpu.memory_space<vmem>> -> memref<1x40xi32, #tpu.memory_space<vmem>>
            %dma_wait3A_413 = tpu.memref_squeeze %dma_wait3A_412 : memref<1x40xi32, #tpu.memory_space<vmem>> -> memref<40xi32, #tpu.memory_space<vmem>>
            %dma_wait3A_414 = arith.constant 0 : i32
            %dma_wait3A_415 = arith.constant 0 : i32
            %dma_wait3A_416 = tpu.memref_slice %arg13[%dma_wait3A_414, %dma_wait3A_415] : memref<10000x128xf32, #tpu.memory_space<vmem_shared>> -> memref<10000x128xf32, #tpu.memory_space<vmem_shared>>
            tpu.wait_indirect_dma semaphore(%arg16 : memref<!tpu.dma_semaphore, #tpu.memory_space<semaphore_mem>>) src(%dma_wait3A_410 : memref<40x128xf32, #tpu.memory_space<vmem>>) dst(%dma_wait3A_416 : memref<10000x128xf32, #tpu.memory_space<vmem_shared>>)
          } else {
          }
          %add3A_386 = arith.constant 1 : i32
          %add3A_387 = arith.addi %add3A_338, %add3A_386 : i32
          %mul3A_388 = arith.constant 10000 : i32
          %mul3A_389 = arith.muli %add3A, %mul3A_388 : i32
          %mul3A_390 = arith.constant 10 : i32
          %mul3A_391 = arith.muli %add3A_255, %mul3A_390 : i32
          %add3A_392 = arith.addi %mul3A_391, %add3A_387 : i32
          %mul3A_393 = arith.constant 40 : i32
          %mul3A_394 = arith.muli %add3A_392, %mul3A_393 : i32
          %add3A_395 = arith.addi %mul3A_389, %mul3A_394 : i32
          %multiple_of3A_396 = tpu.assume_multiple %add3A_395, 8 : i32
          %dma_start3A_397 = arith.constant 0 : i32
          %dma_start3A_398 = tpu.memref_slice %arg7[%add3A_387, %dma_start3A_397] : memref<10x120xi32, #tpu.memory_space<vmem>> -> memref<1x120xi32, #tpu.memory_space<vmem>>
          %dma_start3A_399 = tpu.memref_squeeze %dma_start3A_398 : memref<1x120xi32, #tpu.memory_space<vmem>> -> memref<120xi32, #tpu.memory_space<vmem>>
          %dma_start3A_400 = arith.constant 0 : i32
          %dma_start3A_401 = arith.constant 0 : i32
          %dma_start3A_402 = tpu.memref_slice %arg2[%dma_start3A_400, %dma_start3A_401] : memref<30000x128xf32, #tpu.memory_space<hbm>> -> memref<30000x128xf32, #tpu.memory_space<hbm>>
          tpu.enqueue_indirect_dma source(%dma_start3A_402 : memref<30000x128xf32, #tpu.memory_space<hbm>>) target(%arg9 : memref<120x128xf32, #tpu.memory_space<vmem>>) offsets(%dma_start3A_399 : memref<120xi32, #tpu.memory_space<vmem>>) semaphore(%arg14 : memref<!tpu.dma_semaphore, #tpu.memory_space<semaphore_mem>>)
          %dma_start3A_403 = arith.constant 0 : i32
          %dma_start3A_404 = tpu.memref_slice %arg3[%multiple_of3A_396, %dma_start3A_403] : memref<320000x128xf32, #tpu.memory_space<hbm>> -> memref<40x128xf32, #tpu.memory_space<hbm>>
          %dma_start3A_405 = arith.constant 0 : i32
          %dma_start3A_406 = tpu.memref_slice %arg3[%multiple_of3A_396, %dma_start3A_405] : memref<320000x128xf32, #tpu.memory_space<hbm>> -> memref<40x128xf32, #tpu.memory_space<hbm>>
          tpu.enqueue_dma source(%dma_start3A_406 : memref<40x128xf32, #tpu.memory_space<hbm>>) target(%arg11 : memref<40x128xf32, #tpu.memory_space<vmem>>) target_semaphore(%arg14 : memref<!tpu.dma_semaphore, #tpu.memory_space<semaphore_mem>>)
        } else {
        }
        %mul3A_346 = arith.constant 10000 : i32
        %mul3A_347 = arith.muli %add3A, %mul3A_346 : i32
        %mul3A_348 = arith.constant 10 : i32
        %mul3A_349 = arith.muli %add3A_255, %mul3A_348 : i32
        %add3A_350 = arith.addi %mul3A_349, %add3A_338 : i32
        %mul3A_351 = arith.constant 40 : i32
        %mul3A_352 = arith.muli %add3A_350, %mul3A_351 : i32
        %add3A_353 = arith.addi %mul3A_347, %mul3A_352 : i32
        %multiple_of3A_354 = tpu.assume_multiple %add3A_353, 8 : i32
        %dma_wait3A_355 = arith.constant 0 : i32
        %dma_wait3A_356 = tpu.memref_slice %arg7[%add3A_338, %dma_wait3A_355] : memref<10x120xi32, #tpu.memory_space<vmem>> -> memref<1x120xi32, #tpu.memory_space<vmem>>
        %dma_wait3A_357 = tpu.memref_squeeze %dma_wait3A_356 : memref<1x120xi32, #tpu.memory_space<vmem>> -> memref<120xi32, #tpu.memory_space<vmem>>
        %dma_wait3A_358 = arith.constant 0 : i32
        %dma_wait3A_359 = arith.constant 0 : i32
        %dma_wait3A_360 = tpu.memref_slice %arg2[%dma_wait3A_358, %dma_wait3A_359] : memref<30000x128xf32, #tpu.memory_space<hbm>> -> memref<30000x128xf32, #tpu.memory_space<hbm>>
        tpu.wait_indirect_dma semaphore(%arg15 : memref<!tpu.dma_semaphore, #tpu.memory_space<semaphore_mem>>) src(%dma_wait3A_360 : memref<30000x128xf32, #tpu.memory_space<hbm>>) dst(%arg10 : memref<120x128xf32, #tpu.memory_space<vmem>>)
        %dma_wait3A_361 = arith.constant 0 : i32
        %dma_wait3A_362 = tpu.memref_slice %arg3[%multiple_of3A_354, %dma_wait3A_361] : memref<320000x128xf32, #tpu.memory_space<hbm>> -> memref<40x128xf32, #tpu.memory_space<hbm>>
        %dma_wait3A_363 = arith.constant 0 : i32
        %dma_wait3A_364 = tpu.memref_slice %arg3[%multiple_of3A_354, %dma_wait3A_363] : memref<320000x128xf32, #tpu.memory_space<hbm>> -> memref<40x128xf32, #tpu.memory_space<hbm>>
        tpu.wait_dma2 semaphore(%arg15 : memref<!tpu.dma_semaphore, #tpu.memory_space<semaphore_mem>>) src(%dma_wait3A_364 : memref<40x128xf32, #tpu.memory_space<hbm>>) dst(%arg12 : memref<40x128xf32, #tpu.memory_space<vmem>>)
        %scan3A_365 = arith.constant 0 : i32
        %scan3A_366 = arith.constant 40 : i32
        %scan3A_367 = arith.addi %scan3A_365, %scan3A_366 : i32
        %scan3A_368 = arith.constant 1 : i32
        scf.for %scan3A_379 = %scan3A_365 to %scan3A_367 step %scan3A_368  : i32 {
          %mul3A_380 = arith.constant 1 : i32
          %mul3A_381 = arith.muli %scan3A_379, %mul3A_380 : i32
          %add3A_382 = arith.constant 0 : i32
          %add3A_383 = arith.addi %add3A_382, %mul3A_381 : i32
          %get3A = arith.index_cast %add3A_383 : i32 to index
          %get3A_384 = arith.constant 0 : index
          %get3A_385 = tpu.vector_load %arg10[%get3A, %get3A_384] {strides = array<i32>} : memref<120x128xf32, #tpu.memory_space<vmem>>, vector<1x16xf32>,
          %get3A_386 = vector.shape_cast %get3A_385 : vector<1x16xf32> to vector<16xf32>
          %add3A_387 = arith.constant 40 : i32
          %add3A_388 = arith.addi %add3A_387, %add3A_383 : i32
          %get3A_389 = arith.index_cast %add3A_388 : i32 to index
          %get3A_390 = arith.constant 0 : index
          %get3A_391 = tpu.vector_load %arg10[%get3A_389, %get3A_390] {strides = array<i32>} : memref<120x128xf32, #tpu.memory_space<vmem>>, vector<1x16xf32>,
          %get3A_392 = vector.shape_cast %get3A_391 : vector<1x16xf32> to vector<16xf32>
          %add3A_393 = arith.addf %get3A_386, %get3A_392 : vector<16xf32>
          %get3A_394 = arith.index_cast %add3A_383 : i32 to index
          %get3A_395 = arith.constant 0 : index
          %get3A_396 = tpu.vector_load %arg12[%get3A_394, %get3A_395] {strides = array<i32>} : memref<40x128xf32, #tpu.memory_space<vmem>>, vector<1x16xf32>,
          %get3A_397 = vector.shape_cast %get3A_396 : vector<1x16xf32> to vector<16xf32>
          %add3A_398 = arith.addf %add3A_393, %get3A_397 : vector<16xf32>
          %neg3A = arith.constant 0.000000e+00 : f32
          %neg3A_399 = vector.broadcast %neg3A : f32 to vector<16xf32>
          %neg3A_400 = arith.subf %neg3A_399, %add3A_398 : vector<16xf32>
          %exp3A = math.exp %neg3A_400 : vector<16xf32>
          %add3A_401 = arith.constant 1.000000e+00 : f32
          %add3A_402 = vector.broadcast %add3A_401 : f32 to vector<16xf32>
          %add3A_403 = arith.addf %add3A_402, %exp3A : vector<16xf32>
          %div3A = arith.constant 1.000000e+00 : f32
          %div3A_404 = vector.broadcast %div3A : f32 to vector<16xf32>
          %div3A_405 = arith.divf %div3A_404, %add3A_403 : vector<16xf32>
          %add3A_406 = arith.constant 80 : i32
          %add3A_407 = arith.addi %add3A_406, %add3A_383 : i32
          %get3A_408 = arith.index_cast %add3A_407 : i32 to index
          %get3A_409 = arith.constant 0 : index
          %get3A_410 = tpu.vector_load %arg10[%get3A_408, %get3A_409] {strides = array<i32>} : memref<120x128xf32, #tpu.memory_space<vmem>>, vector<1x16xf32>,
          %get3A_411 = vector.shape_cast %get3A_410 : vector<1x16xf32> to vector<16xf32>
          %mul3A_412 = arith.mulf %div3A_405, %get3A_411 : vector<16xf32>
          %swap3A = arith.index_cast %add3A_383 : i32 to index
          %swap3A_413 = arith.constant 0 : index
          %swap3A_414 = tpu.vector_load %arg10[%swap3A, %swap3A_413] {strides = array<i32>} : memref<120x128xf32, #tpu.memory_space<vmem>>, vector<1x16xf32>,
          %swap3A_415 = vector.shape_cast %swap3A_414 : vector<1x16xf32> to vector<16xf32>
          %swap3A_416 = vector.shape_cast %mul3A_412 : vector<16xf32> to vector<1x16xf32>
          tpu.vector_store %arg10[%swap3A, %swap3A_413], %swap3A_416 {strides = array<i32>} : memref<120x128xf32, #tpu.memory_space<vmem>>, vector<1x16xf32>,
          %get3A_417 = arith.index_cast %add3A_383 : i32 to index
          %get3A_418 = arith.constant 16 : index
          %get3A_419 = tpu.vector_load %arg10[%get3A_417, %get3A_418] {strides = array<i32>} : memref<120x128xf32, #tpu.memory_space<vmem>>, vector<1x16xf32>,
          %get3A_420 = vector.shape_cast %get3A_419 : vector<1x16xf32> to vector<16xf32>
          %add3A_421 = arith.constant 40 : i32
          %add3A_422 = arith.addi %add3A_421, %add3A_383 : i32
          %get3A_423 = arith.index_cast %add3A_422 : i32 to index
          %get3A_424 = arith.constant 16 : index
          %get3A_425 = tpu.vector_load %arg10[%get3A_423, %get3A_424] {strides = array<i32>} : memref<120x128xf32, #tpu.memory_space<vmem>>, vector<1x16xf32>,
          %get3A_426 = vector.shape_cast %get3A_425 : vector<1x16xf32> to vector<16xf32>
          %add3A_427 = arith.addf %get3A_420, %get3A_426 : vector<16xf32>
          %get3A_428 = arith.index_cast %add3A_383 : i32 to index
          %get3A_429 = arith.constant 16 : index
          %get3A_430 = tpu.vector_load %arg12[%get3A_428, %get3A_429] {strides = array<i32>} : memref<40x128xf32, #tpu.memory_space<vmem>>, vector<1x16xf32>,
          %get3A_431 = vector.shape_cast %get3A_430 : vector<1x16xf32> to vector<16xf32>
          %add3A_432 = arith.addf %add3A_427, %get3A_431 : vector<16xf32>
          %neg3A_433 = arith.constant 0.000000e+00 : f32
          %neg3A_434 = vector.broadcast %neg3A_433 : f32 to vector<16xf32>
          %neg3A_435 = arith.subf %neg3A_434, %add3A_432 : vector<16xf32>
          %exp3A_436 = math.exp %neg3A_435 : vector<16xf32>
          %add3A_437 = arith.constant 1.000000e+00 : f32
          %add3A_438 = vector.broadcast %add3A_437 : f32 to vector<16xf32>
          %add3A_439 = arith.addf %add3A_438, %exp3A_436 : vector<16xf32>
          %div3A_440 = arith.constant 1.000000e+00 : f32
          %div3A_441 = vector.broadcast %div3A_440 : f32 to vector<16xf32>
          %div3A_442 = arith.divf %div3A_441, %add3A_439 : vector<16xf32>
          %add3A_443 = arith.constant 80 : i32
          %add3A_444 = arith.addi %add3A_443, %add3A_383 : i32
          %get3A_445 = arith.index_cast %add3A_444 : i32 to index
          %get3A_446 = arith.constant 16 : index
          %get3A_447 = tpu.vector_load %arg10[%get3A_445, %get3A_446] {strides = array<i32>} : memref<120x128xf32, #tpu.memory_space<vmem>>, vector<1x16xf32>,
          %get3A_448 = vector.shape_cast %get3A_447 : vector<1x16xf32> to vector<16xf32>
          %mul3A_449 = arith.mulf %div3A_442, %get3A_448 : vector<16xf32>
          %swap3A_450 = arith.index_cast %add3A_383 : i32 to index
          %swap3A_451 = arith.constant 16 : index
          %swap3A_452 = tpu.vector_load %arg10[%swap3A_450, %swap3A_451] {strides = array<i32>} : memref<120x128xf32, #tpu.memory_space<vmem>>, vector<1x16xf32>,
          %swap3A_453 = vector.shape_cast %swap3A_452 : vector<1x16xf32> to vector<16xf32>
          %swap3A_454 = vector.shape_cast %mul3A_449 : vector<16xf32> to vector<1x16xf32>
          tpu.vector_store %arg10[%swap3A_450, %swap3A_451], %swap3A_454 {strides = array<i32>} : memref<120x128xf32, #tpu.memory_space<vmem>>, vector<1x16xf32>,
          %get3A_455 = arith.index_cast %add3A_383 : i32 to index
          %get3A_456 = arith.constant 32 : index
          %get3A_457 = tpu.vector_load %arg10[%get3A_455, %get3A_456] {strides = array<i32>} : memref<120x128xf32, #tpu.memory_space<vmem>>, vector<1x16xf32>,
          %get3A_458 = vector.shape_cast %get3A_457 : vector<1x16xf32> to vector<16xf32>
          %add3A_459 = arith.constant 40 : i32
          %add3A_460 = arith.addi %add3A_459, %add3A_383 : i32
          %get3A_461 = arith.index_cast %add3A_460 : i32 to index
          %get3A_462 = arith.constant 32 : index
          %get3A_463 = tpu.vector_load %arg10[%get3A_461, %get3A_462] {strides = array<i32>} : memref<120x128xf32, #tpu.memory_space<vmem>>, vector<1x16xf32>,
          %get3A_464 = vector.shape_cast %get3A_463 : vector<1x16xf32> to vector<16xf32>
          %add3A_465 = arith.addf %get3A_458, %get3A_464 : vector<16xf32>
          %get3A_466 = arith.index_cast %add3A_383 : i32 to index
          %get3A_467 = arith.constant 32 : index
          %get3A_468 = tpu.vector_load %arg12[%get3A_466, %get3A_467] {strides = array<i32>} : memref<40x128xf32, #tpu.memory_space<vmem>>, vector<1x16xf32>,
          %get3A_469 = vector.shape_cast %get3A_468 : vector<1x16xf32> to vector<16xf32>
          %add3A_470 = arith.addf %add3A_465, %get3A_469 : vector<16xf32>
          %neg3A_471 = arith.constant 0.000000e+00 : f32
          %neg3A_472 = vector.broadcast %neg3A_471 : f32 to vector<16xf32>
          %neg3A_473 = arith.subf %neg3A_472, %add3A_470 : vector<16xf32>
          %exp3A_474 = math.exp %neg3A_473 : vector<16xf32>
          %add3A_475 = arith.constant 1.000000e+00 : f32
          %add3A_476 = vector.broadcast %add3A_475 : f32 to vector<16xf32>
          %add3A_477 = arith.addf %add3A_476, %exp3A_474 : vector<16xf32>
          %div3A_478 = arith.constant 1.000000e+00 : f32
          %div3A_479 = vector.broadcast %div3A_478 : f32 to vector<16xf32>
          %div3A_480 = arith.divf %div3A_479, %add3A_477 : vector<16xf32>
          %add3A_481 = arith.constant 80 : i32
          %add3A_482 = arith.addi %add3A_481, %add3A_383 : i32
          %get3A_483 = arith.index_cast %add3A_482 : i32 to index
          %get3A_484 = arith.constant 32 : index
          %get3A_485 = tpu.vector_load %arg10[%get3A_483, %get3A_484] {strides = array<i32>} : memref<120x128xf32, #tpu.memory_space<vmem>>, vector<1x16xf32>,
          %get3A_486 = vector.shape_cast %get3A_485 : vector<1x16xf32> to vector<16xf32>
          %mul3A_487 = arith.mulf %div3A_480, %get3A_486 : vector<16xf32>
          %swap3A_488 = arith.index_cast %add3A_383 : i32 to index
          %swap3A_489 = arith.constant 32 : index
          %swap3A_490 = tpu.vector_load %arg10[%swap3A_488, %swap3A_489] {strides = array<i32>} : memref<120x128xf32, #tpu.memory_space<vmem>>, vector<1x16xf32>,
          %swap3A_491 = vector.shape_cast %swap3A_490 : vector<1x16xf32> to vector<16xf32>
          %swap3A_492 = vector.shape_cast %mul3A_487 : vector<16xf32> to vector<1x16xf32>
          tpu.vector_store %arg10[%swap3A_488, %swap3A_489], %swap3A_492 {strides = array<i32>} : memref<120x128xf32, #tpu.memory_space<vmem>>, vector<1x16xf32>,
          %get3A_493 = arith.index_cast %add3A_383 : i32 to index
          %get3A_494 = arith.constant 48 : index
          %get3A_495 = tpu.vector_load %arg10[%get3A_493, %get3A_494] {strides = array<i32>} : memref<120x128xf32, #tpu.memory_space<vmem>>, vector<1x16xf32>,
          %get3A_496 = vector.shape_cast %get3A_495 : vector<1x16xf32> to vector<16xf32>
          %add3A_497 = arith.constant 40 : i32
          %add3A_498 = arith.addi %add3A_497, %add3A_383 : i32
          %get3A_499 = arith.index_cast %add3A_498 : i32 to index
          %get3A_500 = arith.constant 48 : index
          %get3A_501 = tpu.vector_load %arg10[%get3A_499, %get3A_500] {strides = array<i32>} : memref<120x128xf32, #tpu.memory_space<vmem>>, vector<1x16xf32>,
          %get3A_502 = vector.shape_cast %get3A_501 : vector<1x16xf32> to vector<16xf32>
          %add3A_503 = arith.addf %get3A_496, %get3A_502 : vector<16xf32>
          %get3A_504 = arith.index_cast %add3A_383 : i32 to index
          %get3A_505 = arith.constant 48 : index
          %get3A_506 = tpu.vector_load %arg12[%get3A_504, %get3A_505] {strides = array<i32>} : memref<40x128xf32, #tpu.memory_space<vmem>>, vector<1x16xf32>,
          %get3A_507 = vector.shape_cast %get3A_506 : vector<1x16xf32> to vector<16xf32>
          %add3A_508 = arith.addf %add3A_503, %get3A_507 : vector<16xf32>
          %neg3A_509 = arith.constant 0.000000e+00 : f32
          %neg3A_510 = vector.broadcast %neg3A_509 : f32 to vector<16xf32>
          %neg3A_511 = arith.subf %neg3A_510, %add3A_508 : vector<16xf32>
          %exp3A_512 = math.exp %neg3A_511 : vector<16xf32>
          %add3A_513 = arith.constant 1.000000e+00 : f32
          %add3A_514 = vector.broadcast %add3A_513 : f32 to vector<16xf32>
          %add3A_515 = arith.addf %add3A_514, %exp3A_512 : vector<16xf32>
          %div3A_516 = arith.constant 1.000000e+00 : f32
          %div3A_517 = vector.broadcast %div3A_516 : f32 to vector<16xf32>
          %div3A_518 = arith.divf %div3A_517, %add3A_515 : vector<16xf32>
          %add3A_519 = arith.constant 80 : i32
          %add3A_520 = arith.addi %add3A_519, %add3A_383 : i32
          %get3A_521 = arith.index_cast %add3A_520 : i32 to index
          %get3A_522 = arith.constant 48 : index
          %get3A_523 = tpu.vector_load %arg10[%get3A_521, %get3A_522] {strides = array<i32>} : memref<120x128xf32, #tpu.memory_space<vmem>>, vector<1x16xf32>,
          %get3A_524 = vector.shape_cast %get3A_523 : vector<1x16xf32> to vector<16xf32>
          %mul3A_525 = arith.mulf %div3A_518, %get3A_524 : vector<16xf32>
          %swap3A_526 = arith.index_cast %add3A_383 : i32 to index
          %swap3A_527 = arith.constant 48 : index
          %swap3A_528 = tpu.vector_load %arg10[%swap3A_526, %swap3A_527] {strides = array<i32>} : memref<120x128xf32, #tpu.memory_space<vmem>>, vector<1x16xf32>,
          %swap3A_529 = vector.shape_cast %swap3A_528 : vector<1x16xf32> to vector<16xf32>
          %swap3A_530 = vector.shape_cast %mul3A_525 : vector<16xf32> to vector<1x16xf32>
          tpu.vector_store %arg10[%swap3A_526, %swap3A_527], %swap3A_530 {strides = array<i32>} : memref<120x128xf32, #tpu.memory_space<vmem>>, vector<1x16xf32>,
          %get3A_531 = arith.index_cast %add3A_383 : i32 to index
          %get3A_532 = arith.constant 64 : index
          %get3A_533 = tpu.vector_load %arg10[%get3A_531, %get3A_532] {strides = array<i32>} : memref<120x128xf32, #tpu.memory_space<vmem>>, vector<1x16xf32>,
          %get3A_534 = vector.shape_cast %get3A_533 : vector<1x16xf32> to vector<16xf32>
          %add3A_535 = arith.constant 40 : i32
          %add3A_536 = arith.addi %add3A_535, %add3A_383 : i32
          %get3A_537 = arith.index_cast %add3A_536 : i32 to index
          %get3A_538 = arith.constant 64 : index
          %get3A_539 = tpu.vector_load %arg10[%get3A_537, %get3A_538] {strides = array<i32>} : memref<120x128xf32, #tpu.memory_space<vmem>>, vector<1x16xf32>,
          %get3A_540 = vector.shape_cast %get3A_539 : vector<1x16xf32> to vector<16xf32>
          %add3A_541 = arith.addf %get3A_534, %get3A_540 : vector<16xf32>
          %get3A_542 = arith.index_cast %add3A_383 : i32 to index
          %get3A_543 = arith.constant 64 : index
          %get3A_544 = tpu.vector_load %arg12[%get3A_542, %get3A_543] {strides = array<i32>} : memref<40x128xf32, #tpu.memory_space<vmem>>, vector<1x16xf32>,
          %get3A_545 = vector.shape_cast %get3A_544 : vector<1x16xf32> to vector<16xf32>
          %add3A_546 = arith.addf %add3A_541, %get3A_545 : vector<16xf32>
          %neg3A_547 = arith.constant 0.000000e+00 : f32
          %neg3A_548 = vector.broadcast %neg3A_547 : f32 to vector<16xf32>
          %neg3A_549 = arith.subf %neg3A_548, %add3A_546 : vector<16xf32>
          %exp3A_550 = math.exp %neg3A_549 : vector<16xf32>
          %add3A_551 = arith.constant 1.000000e+00 : f32
          %add3A_552 = vector.broadcast %add3A_551 : f32 to vector<16xf32>
          %add3A_553 = arith.addf %add3A_552, %exp3A_550 : vector<16xf32>
          %div3A_554 = arith.constant 1.000000e+00 : f32
          %div3A_555 = vector.broadcast %div3A_554 : f32 to vector<16xf32>
          %div3A_556 = arith.divf %div3A_555, %add3A_553 : vector<16xf32>
          %add3A_557 = arith.constant 80 : i32
          %add3A_558 = arith.addi %add3A_557, %add3A_383 : i32
          %get3A_559 = arith.index_cast %add3A_558 : i32 to index
          %get3A_560 = arith.constant 64 : index
          %get3A_561 = tpu.vector_load %arg10[%get3A_559, %get3A_560] {strides = array<i32>} : memref<120x128xf32, #tpu.memory_space<vmem>>, vector<1x16xf32>,
          %get3A_562 = vector.shape_cast %get3A_561 : vector<1x16xf32> to vector<16xf32>
          %mul3A_563 = arith.mulf %div3A_556, %get3A_562 : vector<16xf32>
          %swap3A_564 = arith.index_cast %add3A_383 : i32 to index
          %swap3A_565 = arith.constant 64 : index
          %swap3A_566 = tpu.vector_load %arg10[%swap3A_564, %swap3A_565] {strides = array<i32>} : memref<120x128xf32, #tpu.memory_space<vmem>>, vector<1x16xf32>,
          %swap3A_567 = vector.shape_cast %swap3A_566 : vector<1x16xf32> to vector<16xf32>
          %swap3A_568 = vector.shape_cast %mul3A_563 : vector<16xf32> to vector<1x16xf32>
          tpu.vector_store %arg10[%swap3A_564, %swap3A_565], %swap3A_568 {strides = array<i32>} : memref<120x128xf32, #tpu.memory_space<vmem>>, vector<1x16xf32>,
          %get3A_569 = arith.index_cast %add3A_383 : i32 to index
          %get3A_570 = arith.constant 80 : index
          %get3A_571 = tpu.vector_load %arg10[%get3A_569, %get3A_570] {strides = array<i32>} : memref<120x128xf32, #tpu.memory_space<vmem>>, vector<1x16xf32>,
          %get3A_572 = vector.shape_cast %get3A_571 : vector<1x16xf32> to vector<16xf32>
          %add3A_573 = arith.constant 40 : i32
          %add3A_574 = arith.addi %add3A_573, %add3A_383 : i32
          %get3A_575 = arith.index_cast %add3A_574 : i32 to index
          %get3A_576 = arith.constant 80 : index
          %get3A_577 = tpu.vector_load %arg10[%get3A_575, %get3A_576] {strides = array<i32>} : memref<120x128xf32, #tpu.memory_space<vmem>>, vector<1x16xf32>,
          %get3A_578 = vector.shape_cast %get3A_577 : vector<1x16xf32> to vector<16xf32>
          %add3A_579 = arith.addf %get3A_572, %get3A_578 : vector<16xf32>
          %get3A_580 = arith.index_cast %add3A_383 : i32 to index
          %get3A_581 = arith.constant 80 : index
          %get3A_582 = tpu.vector_load %arg12[%get3A_580, %get3A_581] {strides = array<i32>} : memref<40x128xf32, #tpu.memory_space<vmem>>, vector<1x16xf32>,
          %get3A_583 = vector.shape_cast %get3A_582 : vector<1x16xf32> to vector<16xf32>
          %add3A_584 = arith.addf %add3A_579, %get3A_583 : vector<16xf32>
          %neg3A_585 = arith.constant 0.000000e+00 : f32
          %neg3A_586 = vector.broadcast %neg3A_585 : f32 to vector<16xf32>
          %neg3A_587 = arith.subf %neg3A_586, %add3A_584 : vector<16xf32>
          %exp3A_588 = math.exp %neg3A_587 : vector<16xf32>
          %add3A_589 = arith.constant 1.000000e+00 : f32
          %add3A_590 = vector.broadcast %add3A_589 : f32 to vector<16xf32>
          %add3A_591 = arith.addf %add3A_590, %exp3A_588 : vector<16xf32>
          %div3A_592 = arith.constant 1.000000e+00 : f32
          %div3A_593 = vector.broadcast %div3A_592 : f32 to vector<16xf32>
          %div3A_594 = arith.divf %div3A_593, %add3A_591 : vector<16xf32>
          %add3A_595 = arith.constant 80 : i32
          %add3A_596 = arith.addi %add3A_595, %add3A_383 : i32
          %get3A_597 = arith.index_cast %add3A_596 : i32 to index
          %get3A_598 = arith.constant 80 : index
          %get3A_599 = tpu.vector_load %arg10[%get3A_597, %get3A_598] {strides = array<i32>} : memref<120x128xf32, #tpu.memory_space<vmem>>, vector<1x16xf32>,
          %get3A_600 = vector.shape_cast %get3A_599 : vector<1x16xf32> to vector<16xf32>
          %mul3A_601 = arith.mulf %div3A_594, %get3A_600 : vector<16xf32>
          %swap3A_602 = arith.index_cast %add3A_383 : i32 to index
          %swap3A_603 = arith.constant 80 : index
          %swap3A_604 = tpu.vector_load %arg10[%swap3A_602, %swap3A_603] {strides = array<i32>} : memref<120x128xf32, #tpu.memory_space<vmem>>, vector<1x16xf32>,
          %swap3A_605 = vector.shape_cast %swap3A_604 : vector<1x16xf32> to vector<16xf32>
          %swap3A_606 = vector.shape_cast %mul3A_601 : vector<16xf32> to vector<1x16xf32>
          tpu.vector_store %arg10[%swap3A_602, %swap3A_603], %swap3A_606 {strides = array<i32>} : memref<120x128xf32, #tpu.memory_space<vmem>>, vector<1x16xf32>,
          %get3A_607 = arith.index_cast %add3A_383 : i32 to index
          %get3A_608 = arith.constant 96 : index
          %get3A_609 = tpu.vector_load %arg10[%get3A_607, %get3A_608] {strides = array<i32>} : memref<120x128xf32, #tpu.memory_space<vmem>>, vector<1x16xf32>,
          %get3A_610 = vector.shape_cast %get3A_609 : vector<1x16xf32> to vector<16xf32>
          %add3A_611 = arith.constant 40 : i32
          %add3A_612 = arith.addi %add3A_611, %add3A_383 : i32
          %get3A_613 = arith.index_cast %add3A_612 : i32 to index
          %get3A_614 = arith.constant 96 : index
          %get3A_615 = tpu.vector_load %arg10[%get3A_613, %get3A_614] {strides = array<i32>} : memref<120x128xf32, #tpu.memory_space<vmem>>, vector<1x16xf32>,
          %get3A_616 = vector.shape_cast %get3A_615 : vector<1x16xf32> to vector<16xf32>
          %add3A_617 = arith.addf %get3A_610, %get3A_616 : vector<16xf32>
          %get3A_618 = arith.index_cast %add3A_383 : i32 to index
          %get3A_619 = arith.constant 96 : index
          %get3A_620 = tpu.vector_load %arg12[%get3A_618, %get3A_619] {strides = array<i32>} : memref<40x128xf32, #tpu.memory_space<vmem>>, vector<1x16xf32>,
          %get3A_621 = vector.shape_cast %get3A_620 : vector<1x16xf32> to vector<16xf32>
          %add3A_622 = arith.addf %add3A_617, %get3A_621 : vector<16xf32>
          %neg3A_623 = arith.constant 0.000000e+00 : f32
          %neg3A_624 = vector.broadcast %neg3A_623 : f32 to vector<16xf32>
          %neg3A_625 = arith.subf %neg3A_624, %add3A_622 : vector<16xf32>
          %exp3A_626 = math.exp %neg3A_625 : vector<16xf32>
          %add3A_627 = arith.constant 1.000000e+00 : f32
          %add3A_628 = vector.broadcast %add3A_627 : f32 to vector<16xf32>
          %add3A_629 = arith.addf %add3A_628, %exp3A_626 : vector<16xf32>
          %div3A_630 = arith.constant 1.000000e+00 : f32
          %div3A_631 = vector.broadcast %div3A_630 : f32 to vector<16xf32>
          %div3A_632 = arith.divf %div3A_631, %add3A_629 : vector<16xf32>
          %add3A_633 = arith.constant 80 : i32
          %add3A_634 = arith.addi %add3A_633, %add3A_383 : i32
          %get3A_635 = arith.index_cast %add3A_634 : i32 to index
          %get3A_636 = arith.constant 96 : index
          %get3A_637 = tpu.vector_load %arg10[%get3A_635, %get3A_636] {strides = array<i32>} : memref<120x128xf32, #tpu.memory_space<vmem>>, vector<1x16xf32>,
          %get3A_638 = vector.shape_cast %get3A_637 : vector<1x16xf32> to vector<16xf32>
          %mul3A_639 = arith.mulf %div3A_632, %get3A_638 : vector<16xf32>
          %swap3A_640 = arith.index_cast %add3A_383 : i32 to index
          %swap3A_641 = arith.constant 96 : index
          %swap3A_642 = tpu.vector_load %arg10[%swap3A_640, %swap3A_641] {strides = array<i32>} : memref<120x128xf32, #tpu.memory_space<vmem>>, vector<1x16xf32>,
          %swap3A_643 = vector.shape_cast %swap3A_642 : vector<1x16xf32> to vector<16xf32>
          %swap3A_644 = vector.shape_cast %mul3A_639 : vector<16xf32> to vector<1x16xf32>
          tpu.vector_store %arg10[%swap3A_640, %swap3A_641], %swap3A_644 {strides = array<i32>} : memref<120x128xf32, #tpu.memory_space<vmem>>, vector<1x16xf32>,
          %get3A_645 = arith.index_cast %add3A_383 : i32 to index
          %get3A_646 = arith.constant 112 : index
          %get3A_647 = tpu.vector_load %arg10[%get3A_645, %get3A_646] {strides = array<i32>} : memref<120x128xf32, #tpu.memory_space<vmem>>, vector<1x16xf32>,
          %get3A_648 = vector.shape_cast %get3A_647 : vector<1x16xf32> to vector<16xf32>
          %add3A_649 = arith.constant 40 : i32
          %add3A_650 = arith.addi %add3A_649, %add3A_383 : i32
          %get3A_651 = arith.index_cast %add3A_650 : i32 to index
          %get3A_652 = arith.constant 112 : index
          %get3A_653 = tpu.vector_load %arg10[%get3A_651, %get3A_652] {strides = array<i32>} : memref<120x128xf32, #tpu.memory_space<vmem>>, vector<1x16xf32>,
          %get3A_654 = vector.shape_cast %get3A_653 : vector<1x16xf32> to vector<16xf32>
          %add3A_655 = arith.addf %get3A_648, %get3A_654 : vector<16xf32>
          %get3A_656 = arith.index_cast %add3A_383 : i32 to index
          %get3A_657 = arith.constant 112 : index
          %get3A_658 = tpu.vector_load %arg12[%get3A_656, %get3A_657] {strides = array<i32>} : memref<40x128xf32, #tpu.memory_space<vmem>>, vector<1x16xf32>,
          %get3A_659 = vector.shape_cast %get3A_658 : vector<1x16xf32> to vector<16xf32>
          %add3A_660 = arith.addf %add3A_655, %get3A_659 : vector<16xf32>
          %neg3A_661 = arith.constant 0.000000e+00 : f32
          %neg3A_662 = vector.broadcast %neg3A_661 : f32 to vector<16xf32>
          %neg3A_663 = arith.subf %neg3A_662, %add3A_660 : vector<16xf32>
          %exp3A_664 = math.exp %neg3A_663 : vector<16xf32>
          %add3A_665 = arith.constant 1.000000e+00 : f32
          %add3A_666 = vector.broadcast %add3A_665 : f32 to vector<16xf32>
          %add3A_667 = arith.addf %add3A_666, %exp3A_664 : vector<16xf32>
          %div3A_668 = arith.constant 1.000000e+00 : f32
          %div3A_669 = vector.broadcast %div3A_668 : f32 to vector<16xf32>
          %div3A_670 = arith.divf %div3A_669, %add3A_667 : vector<16xf32>
          %add3A_671 = arith.constant 80 : i32
          %add3A_672 = arith.addi %add3A_671, %add3A_383 : i32
          %get3A_673 = arith.index_cast %add3A_672 : i32 to index
          %get3A_674 = arith.constant 112 : index
          %get3A_675 = tpu.vector_load %arg10[%get3A_673, %get3A_674] {strides = array<i32>} : memref<120x128xf32, #tpu.memory_space<vmem>>, vector<1x16xf32>,
          %get3A_676 = vector.shape_cast %get3A_675 : vector<1x16xf32> to vector<16xf32>
          %mul3A_677 = arith.mulf %div3A_670, %get3A_676 : vector<16xf32>
          %swap3A_678 = arith.index_cast %add3A_383 : i32 to index
          %swap3A_679 = arith.constant 112 : index
          %swap3A_680 = tpu.vector_load %arg10[%swap3A_678, %swap3A_679] {strides = array<i32>} : memref<120x128xf32, #tpu.memory_space<vmem>>, vector<1x16xf32>,
          %swap3A_681 = vector.shape_cast %swap3A_680 : vector<1x16xf32> to vector<16xf32>
          %swap3A_682 = vector.shape_cast %mul3A_677 : vector<16xf32> to vector<1x16xf32>
          tpu.vector_store %arg10[%swap3A_678, %swap3A_679], %swap3A_682 {strides = array<i32>} : memref<120x128xf32, #tpu.memory_space<vmem>>, vector<1x16xf32>,
        }
        %scan3A_369 = arith.constant 40 : i32
        %dma_start3A_370 = arith.constant 0 : i32
        %dma_start3A_371 = arith.constant 0 : i32
        %dma_start3A_372 = tpu.memref_slice %arg10[%dma_start3A_370, %dma_start3A_371] : memref<120x128xf32, #tpu.memory_space<vmem>> -> memref<40x128xf32, #tpu.memory_space<vmem>>
        %dma_start3A_373 = arith.constant 0 : i32
        %dma_start3A_374 = tpu.memref_slice %arg8[%add3A_338, %dma_start3A_373] : memref<10x40xi32, #tpu.memory_space<vmem>> -> memref<1x40xi32, #tpu.memory_space<vmem>>
        %dma_start3A_375 = tpu.memref_squeeze %dma_start3A_374 : memref<1x40xi32, #tpu.memory_space<vmem>> -> memref<40xi32, #tpu.memory_space<vmem>>
        %dma_start3A_376 = arith.constant 0 : i32
        %dma_start3A_377 = arith.constant 0 : i32
        %dma_start3A_378 = tpu.memref_slice %arg13[%dma_start3A_376, %dma_start3A_377] : memref<10000x128xf32, #tpu.memory_space<vmem_shared>> -> memref<10000x128xf32, #tpu.memory_space<vmem_shared>>
        tpu.enqueue_indirect_dma source(%dma_start3A_372 : memref<40x128xf32, #tpu.memory_space<vmem>>) target(%dma_start3A_378 : memref<10000x128xf32, #tpu.memory_space<vmem_shared>>) offsets(%dma_start3A_375 : memref<40xi32, #tpu.memory_space<vmem>>) semaphore(%arg16 : memref<!tpu.dma_semaphore, #tpu.memory_space<semaphore_mem>>) {add = true}
      }
      %scan3A_289 = arith.constant 5 : i32
    }
    %scan3A_118 = arith.constant 25 : i32
    %dma_wait3A = arith.constant 0 : i32
    %dma_wait3A_119 = arith.constant 0 : i32
    %dma_wait3A_120 = arith.constant 0 : i32
    %dma_wait3A_121 = tpu.memref_slice %arg9[%dma_wait3A_119, %dma_wait3A_120] : memref<120x128xf32, #tpu.memory_space<vmem>> -> memref<40x128xf32, #tpu.memory_space<vmem>>
    %dma_wait3A_122 = arith.constant 0 : i32
    %dma_wait3A_123 = tpu.memref_slice %arg8[%dma_wait3A, %dma_wait3A_122] : memref<10x40xi32, #tpu.memory_space<vmem>> -> memref<1x40xi32, #tpu.memory_space<vmem>>
    %dma_wait3A_124 = tpu.memref_squeeze %dma_wait3A_123 : memref<1x40xi32, #tpu.memory_space<vmem>> -> memref<40xi32, #tpu.memory_space<vmem>>
    %dma_wait3A_125 = arith.constant 0 : i32
    %dma_wait3A_126 = arith.constant 0 : i32
    %dma_wait3A_127 = tpu.memref_slice %arg13[%dma_wait3A_125, %dma_wait3A_126] : memref<10000x128xf32, #tpu.memory_space<vmem_shared>> -> memref<10000x128xf32, #tpu.memory_space<vmem_shared>>
    tpu.wait_indirect_dma semaphore(%arg16 : memref<!tpu.dma_semaphore, #tpu.memory_space<semaphore_mem>>) src(%dma_wait3A_121 : memref<40x128xf32, #tpu.memory_space<vmem>>) dst(%dma_wait3A_127 : memref<10000x128xf32, #tpu.memory_space<vmem_shared>>)
    %dma_wait3A_128 = arith.constant 0 : i32
    %dma_wait3A_129 = arith.constant 0 : i32
    %dma_wait3A_130 = arith.constant 0 : i32
    %dma_wait3A_131 = tpu.memref_slice %arg9[%dma_wait3A_129, %dma_wait3A_130] : memref<120x128xf32, #tpu.memory_space<vmem>> -> memref<40x128xf32, #tpu.memory_space<vmem>>
    %dma_wait3A_132 = arith.constant 0 : i32
    %dma_wait3A_133 = tpu.memref_slice %arg8[%dma_wait3A_128, %dma_wait3A_132] : memref<10x40xi32, #tpu.memory_space<vmem>> -> memref<1x40xi32, #tpu.memory_space<vmem>>
    %dma_wait3A_134 = tpu.memref_squeeze %dma_wait3A_133 : memref<1x40xi32, #tpu.memory_space<vmem>> -> memref<40xi32, #tpu.memory_space<vmem>>
    %dma_wait3A_135 = arith.constant 0 : i32
    %dma_wait3A_136 = arith.constant 0 : i32
    %dma_wait3A_137 = tpu.memref_slice %arg13[%dma_wait3A_135, %dma_wait3A_136] : memref<10000x128xf32, #tpu.memory_space<vmem_shared>> -> memref<10000x128xf32, #tpu.memory_space<vmem_shared>>
    tpu.wait_indirect_dma semaphore(%arg16 : memref<!tpu.dma_semaphore, #tpu.memory_space<semaphore_mem>>) src(%dma_wait3A_131 : memref<40x128xf32, #tpu.memory_space<vmem>>) dst(%dma_wait3A_137 : memref<10000x128xf32, #tpu.memory_space<vmem_shared>>)
    %barrier3A_138 = arith.constant 0 : index
    tpu.barrier barrier_id(%barrier3A_138)
    %add3A_139 = arith.constant 0 : i32
    %add3A_140 = arith.addi %arg1, %add3A_139 : i32
    %lt3A_141 = arith.constant 250 : i32
    %lt3A_142 = arith.cmpi slt, %add3A_140, %lt3A_141 : i32
    %convert_element_type3A_143 = arith.extui %lt3A_142 : i1 to i32
    %cond3A_144 = arith.constant 0 : i32
    %cond3A_145 = arith.cmpi ne, %convert_element_type3A_143, %cond3A_144 : i32
    scf.if %cond3A_145 {
      %mul3A_251 = arith.constant 40 : i32
      %mul3A_252 = arith.muli %add3A_140, %mul3A_251 : i32
      %multiple_of3A = tpu.assume_multiple %mul3A_252, 8 : i32
      "tpu.region"() ({
        %run_scoped3A = tpu.sem_alloc : memref<!tpu.dma_semaphore, #tpu.memory_space<semaphore_mem>>
        %dma_start3A = arith.constant 0 : i32
        %dma_start3A_253 = tpu.memref_slice %arg13[%multiple_of3A, %dma_start3A] : memref<10000x128xf32, #tpu.memory_space<vmem_shared>> -> memref<40x128xf32, #tpu.memory_space<vmem_shared>>
        %dma_start3A_254 = arith.constant 0 : i32
        %dma_start3A_255 = tpu.memref_slice %arg13[%multiple_of3A, %dma_start3A_254] : memref<10000x128xf32, #tpu.memory_space<vmem_shared>> -> memref<40x128xf32, #tpu.memory_space<vmem_shared>>
        tpu.enqueue_dma source(%dma_start3A_255 : memref<40x128xf32, #tpu.memory_space<vmem_shared>>) target(%arg11 : memref<40x128xf32, #tpu.memory_space<vmem>>) target_semaphore(%run_scoped3A : memref<!tpu.dma_semaphore, #tpu.memory_space<semaphore_mem>>)
        %dma_wait3A_256 = arith.constant 0 : i32
        %dma_wait3A_257 = tpu.memref_slice %arg13[%multiple_of3A, %dma_wait3A_256] : memref<10000x128xf32, #tpu.memory_space<vmem_shared>> -> memref<40x128xf32, #tpu.memory_space<vmem_shared>>
        %dma_wait3A_258 = arith.constant 0 : i32
        %dma_wait3A_259 = tpu.memref_slice %arg13[%multiple_of3A, %dma_wait3A_258] : memref<10000x128xf32, #tpu.memory_space<vmem_shared>> -> memref<40x128xf32, #tpu.memory_space<vmem_shared>>
        tpu.wait_dma2 semaphore(%run_scoped3A : memref<!tpu.dma_semaphore, #tpu.memory_space<semaphore_mem>>) src(%dma_wait3A_259 : memref<40x128xf32, #tpu.memory_space<vmem_shared>>) dst(%arg11 : memref<40x128xf32, #tpu.memory_space<vmem>>)
        tpu.yield
      }) : () -> ()
      "tpu.region"() ({
        %run_scoped3A = tpu.sem_alloc : memref<!tpu.dma_semaphore, #tpu.memory_space<semaphore_mem>>
        %dma_start3A = arith.constant 0 : i32
        %dma_start3A_253 = tpu.memref_slice %arg6[%arg0, %multiple_of3A, %dma_start3A] : memref<2x10000x128xf32, #tpu.memory_space<hbm>> -> memref<1x40x128xf32, #tpu.memory_space<hbm>>
        %dma_start3A_254 = tpu.memref_squeeze %dma_start3A_253 : memref<1x40x128xf32, #tpu.memory_space<hbm>> -> memref<40x128xf32, #tpu.memory_space<hbm>>
        %dma_start3A_255 = arith.constant 0 : i32
        %dma_start3A_256 = tpu.memref_slice %arg6[%arg0, %multiple_of3A, %dma_start3A_255] : memref<2x10000x128xf32, #tpu.memory_space<hbm>> -> memref<1x40x128xf32, #tpu.memory_space<hbm>>
        %dma_start3A_257 = tpu.memref_squeeze %dma_start3A_256 : memref<1x40x128xf32, #tpu.memory_space<hbm>> -> memref<40x128xf32, #tpu.memory_space<hbm>>
        tpu.enqueue_dma source(%arg11 : memref<40x128xf32, #tpu.memory_space<vmem>>) target(%dma_start3A_257 : memref<40x128xf32, #tpu.memory_space<hbm>>) target_semaphore(%run_scoped3A : memref<!tpu.dma_semaphore, #tpu.memory_space<semaphore_mem>>)
        %dma_wait3A_258 = arith.constant 0 : i32
        %dma_wait3A_259 = tpu.memref_slice %arg6[%arg0, %multiple_of3A, %dma_wait3A_258] : memref<2x10000x128xf32, #tpu.memory_space<hbm>> -> memref<1x40x128xf32, #tpu.memory_space<hbm>>
        %dma_wait3A_260 = tpu.memref_squeeze %dma_wait3A_259 : memref<1x40x128xf32, #tpu.memory_space<hbm>> -> memref<40x128xf32, #tpu.memory_space<hbm>>
        %dma_wait3A_261 = arith.constant 0 : i32
        %dma_wait3A_262 = tpu.memref_slice %arg6[%arg0, %multiple_of3A, %dma_wait3A_261] : memref<2x10000x128xf32, #tpu.memory_space<hbm>> -> memref<1x40x128xf32, #tpu.memory_space<hbm>>
        %dma_wait3A_263 = tpu.memref_squeeze %dma_wait3A_262 : memref<1x40x128xf32, #tpu.memory_space<hbm>> -> memref<40x128xf32, #tpu.memory_space<hbm>>
        tpu.wait_dma2 semaphore(%run_scoped3A : memref<!tpu.dma_semaphore, #tpu.memory_space<semaphore_mem>>) src(%arg11 : memref<40x128xf32, #tpu.memory_space<vmem>>) dst(%dma_wait3A_263 : memref<40x128xf32, #tpu.memory_space<hbm>>)
        tpu.yield
      }) : () -> ()
    } else {
    }
    %add3A_146 = arith.constant 16 : i32
    %add3A_147 = arith.addi %arg1, %add3A_146 : i32
    %lt3A_148 = arith.constant 250 : i32
    %lt3A_149 = arith.cmpi slt, %add3A_147, %lt3A_148 : i32
    %convert_element_type3A_150 = arith.extui %lt3A_149 : i1 to i32
    %cond3A_151 = arith.constant 0 : i32
    %cond3A_152 = arith.cmpi ne, %convert_element_type3A_150, %cond3A_151 : i32
    scf.if %cond3A_152 {
      %mul3A_251 = arith.constant 40 : i32
      %mul3A_252 = arith.muli %add3A_147, %mul3A_251 : i32
      %multiple_of3A = tpu.assume_multiple %mul3A_252, 8 : i32
      "tpu.region"() ({
        %run_scoped3A = tpu.sem_alloc : memref<!tpu.dma_semaphore, #tpu.memory_space<semaphore_mem>>
        %dma_start3A = arith.constant 0 : i32
        %dma_start3A_253 = tpu.memref_slice %arg13[%multiple_of3A, %dma_start3A] : memref<10000x128xf32, #tpu.memory_space<vmem_shared>> -> memref<40x128xf32, #tpu.memory_space<vmem_shared>>
        %dma_start3A_254 = arith.constant 0 : i32
        %dma_start3A_255 = tpu.memref_slice %arg13[%multiple_of3A, %dma_start3A_254] : memref<10000x128xf32, #tpu.memory_space<vmem_shared>> -> memref<40x128xf32, #tpu.memory_space<vmem_shared>>
        tpu.enqueue_dma source(%dma_start3A_255 : memref<40x128xf32, #tpu.memory_space<vmem_shared>>) target(%arg11 : memref<40x128xf32, #tpu.memory_space<vmem>>) target_semaphore(%run_scoped3A : memref<!tpu.dma_semaphore, #tpu.memory_space<semaphore_mem>>)
        %dma_wait3A_256 = arith.constant 0 : i32
        %dma_wait3A_257 = tpu.memref_slice %arg13[%multiple_of3A, %dma_wait3A_256] : memref<10000x128xf32, #tpu.memory_space<vmem_shared>> -> memref<40x128xf32, #tpu.memory_space<vmem_shared>>
        %dma_wait3A_258 = arith.constant 0 : i32
        %dma_wait3A_259 = tpu.memref_slice %arg13[%multiple_of3A, %dma_wait3A_258] : memref<10000x128xf32, #tpu.memory_space<vmem_shared>> -> memref<40x128xf32, #tpu.memory_space<vmem_shared>>
        tpu.wait_dma2 semaphore(%run_scoped3A : memref<!tpu.dma_semaphore, #tpu.memory_space<semaphore_mem>>) src(%dma_wait3A_259 : memref<40x128xf32, #tpu.memory_space<vmem_shared>>) dst(%arg11 : memref<40x128xf32, #tpu.memory_space<vmem>>)
        tpu.yield
      }) : () -> ()
      "tpu.region"() ({
        %run_scoped3A = tpu.sem_alloc : memref<!tpu.dma_semaphore, #tpu.memory_space<semaphore_mem>>
        %dma_start3A = arith.constant 0 : i32
        %dma_start3A_253 = tpu.memref_slice %arg6[%arg0, %multiple_of3A, %dma_start3A] : memref<2x10000x128xf32, #tpu.memory_space<hbm>> -> memref<1x40x128xf32, #tpu.memory_space<hbm>>
        %dma_start3A_254 = tpu.memref_squeeze %dma_start3A_253 : memref<1x40x128xf32, #tpu.memory_space<hbm>> -> memref<40x128xf32, #tpu.memory_space<hbm>>
        %dma_start3A_255 = arith.constant 0 : i32
        %dma_start3A_256 = tpu.memref_slice %arg6[%arg0, %multiple_of3A, %dma_start3A_255] : memref<2x10000x128xf32, #tpu.memory_space<hbm>> -> memref<1x40x128xf32, #tpu.memory_space<hbm>>
        %dma_start3A_257 = tpu.memref_squeeze %dma_start3A_256 : memref<1x40x128xf32, #tpu.memory_space<hbm>> -> memref<40x128xf32, #tpu.memory_space<hbm>>
        tpu.enqueue_dma source(%arg11 : memref<40x128xf32, #tpu.memory_space<vmem>>) target(%dma_start3A_257 : memref<40x128xf32, #tpu.memory_space<hbm>>) target_semaphore(%run_scoped3A : memref<!tpu.dma_semaphore, #tpu.memory_space<semaphore_mem>>)
        %dma_wait3A_258 = arith.constant 0 : i32
        %dma_wait3A_259 = tpu.memref_slice %arg6[%arg0, %multiple_of3A, %dma_wait3A_258] : memref<2x10000x128xf32, #tpu.memory_space<hbm>> -> memref<1x40x128xf32, #tpu.memory_space<hbm>>
        %dma_wait3A_260 = tpu.memref_squeeze %dma_wait3A_259 : memref<1x40x128xf32, #tpu.memory_space<hbm>> -> memref<40x128xf32, #tpu.memory_space<hbm>>
        %dma_wait3A_261 = arith.constant 0 : i32
        %dma_wait3A_262 = tpu.memref_slice %arg6[%arg0, %multiple_of3A, %dma_wait3A_261] : memref<2x10000x128xf32, #tpu.memory_space<hbm>> -> memref<1x40x128xf32, #tpu.memory_space<hbm>>
        %dma_wait3A_263 = tpu.memref_squeeze %dma_wait3A_262 : memref<1x40x128xf32, #tpu.memory_space<hbm>> -> memref<40x128xf32, #tpu.memory_space<hbm>>
        tpu.wait_dma2 semaphore(%run_scoped3A : memref<!tpu.dma_semaphore, #tpu.memory_space<semaphore_mem>>) src(%arg11 : memref<40x128xf32, #tpu.memory_space<vmem>>) dst(%dma_wait3A_263 : memref<40x128xf32, #tpu.memory_space<hbm>>)
        tpu.yield
      }) : () -> ()
    } else {
    }
    %add3A_153 = arith.constant 32 : i32
    %add3A_154 = arith.addi %arg1, %add3A_153 : i32
    %lt3A_155 = arith.constant 250 : i32
    %lt3A_156 = arith.cmpi slt, %add3A_154, %lt3A_155 : i32
    %convert_element_type3A_157 = arith.extui %lt3A_156 : i1 to i32
    %cond3A_158 = arith.constant 0 : i32
    %cond3A_159 = arith.cmpi ne, %convert_element_type3A_157, %cond3A_158 : i32
    scf.if %cond3A_159 {
      %mul3A_251 = arith.constant 40 : i32
      %mul3A_252 = arith.muli %add3A_154, %mul3A_251 : i32
      %multiple_of3A = tpu.assume_multiple %mul3A_252, 8 : i32
      "tpu.region"() ({
        %run_scoped3A = tpu.sem_alloc : memref<!tpu.dma_semaphore, #tpu.memory_space<semaphore_mem>>
        %dma_start3A = arith.constant 0 : i32
        %dma_start3A_253 = tpu.memref_slice %arg13[%multiple_of3A, %dma_start3A] : memref<10000x128xf32, #tpu.memory_space<vmem_shared>> -> memref<40x128xf32, #tpu.memory_space<vmem_shared>>
        %dma_start3A_254 = arith.constant 0 : i32
        %dma_start3A_255 = tpu.memref_slice %arg13[%multiple_of3A, %dma_start3A_254] : memref<10000x128xf32, #tpu.memory_space<vmem_shared>> -> memref<40x128xf32, #tpu.memory_space<vmem_shared>>
        tpu.enqueue_dma source(%dma_start3A_255 : memref<40x128xf32, #tpu.memory_space<vmem_shared>>) target(%arg11 : memref<40x128xf32, #tpu.memory_space<vmem>>) target_semaphore(%run_scoped3A : memref<!tpu.dma_semaphore, #tpu.memory_space<semaphore_mem>>)
        %dma_wait3A_256 = arith.constant 0 : i32
        %dma_wait3A_257 = tpu.memref_slice %arg13[%multiple_of3A, %dma_wait3A_256] : memref<10000x128xf32, #tpu.memory_space<vmem_shared>> -> memref<40x128xf32, #tpu.memory_space<vmem_shared>>
        %dma_wait3A_258 = arith.constant 0 : i32
        %dma_wait3A_259 = tpu.memref_slice %arg13[%multiple_of3A, %dma_wait3A_258] : memref<10000x128xf32, #tpu.memory_space<vmem_shared>> -> memref<40x128xf32, #tpu.memory_space<vmem_shared>>
        tpu.wait_dma2 semaphore(%run_scoped3A : memref<!tpu.dma_semaphore, #tpu.memory_space<semaphore_mem>>) src(%dma_wait3A_259 : memref<40x128xf32, #tpu.memory_space<vmem_shared>>) dst(%arg11 : memref<40x128xf32, #tpu.memory_space<vmem>>)
        tpu.yield
      }) : () -> ()
      "tpu.region"() ({
        %run_scoped3A = tpu.sem_alloc : memref<!tpu.dma_semaphore, #tpu.memory_space<semaphore_mem>>
        %dma_start3A = arith.constant 0 : i32
        %dma_start3A_253 = tpu.memref_slice %arg6[%arg0, %multiple_of3A, %dma_start3A] : memref<2x10000x128xf32, #tpu.memory_space<hbm>> -> memref<1x40x128xf32, #tpu.memory_space<hbm>>
        %dma_start3A_254 = tpu.memref_squeeze %dma_start3A_253 : memref<1x40x128xf32, #tpu.memory_space<hbm>> -> memref<40x128xf32, #tpu.memory_space<hbm>>
        %dma_start3A_255 = arith.constant 0 : i32
        %dma_start3A_256 = tpu.memref_slice %arg6[%arg0, %multiple_of3A, %dma_start3A_255] : memref<2x10000x128xf32, #tpu.memory_space<hbm>> -> memref<1x40x128xf32, #tpu.memory_space<hbm>>
        %dma_start3A_257 = tpu.memref_squeeze %dma_start3A_256 : memref<1x40x128xf32, #tpu.memory_space<hbm>> -> memref<40x128xf32, #tpu.memory_space<hbm>>
        tpu.enqueue_dma source(%arg11 : memref<40x128xf32, #tpu.memory_space<vmem>>) target(%dma_start3A_257 : memref<40x128xf32, #tpu.memory_space<hbm>>) target_semaphore(%run_scoped3A : memref<!tpu.dma_semaphore, #tpu.memory_space<semaphore_mem>>)
        %dma_wait3A_258 = arith.constant 0 : i32
        %dma_wait3A_259 = tpu.memref_slice %arg6[%arg0, %multiple_of3A, %dma_wait3A_258] : memref<2x10000x128xf32, #tpu.memory_space<hbm>> -> memref<1x40x128xf32, #tpu.memory_space<hbm>>
        %dma_wait3A_260 = tpu.memref_squeeze %dma_wait3A_259 : memref<1x40x128xf32, #tpu.memory_space<hbm>> -> memref<40x128xf32, #tpu.memory_space<hbm>>
        %dma_wait3A_261 = arith.constant 0 : i32
        %dma_wait3A_262 = tpu.memref_slice %arg6[%arg0, %multiple_of3A, %dma_wait3A_261] : memref<2x10000x128xf32, #tpu.memory_space<hbm>> -> memref<1x40x128xf32, #tpu.memory_space<hbm>>
        %dma_wait3A_263 = tpu.memref_squeeze %dma_wait3A_262 : memref<1x40x128xf32, #tpu.memory_space<hbm>> -> memref<40x128xf32, #tpu.memory_space<hbm>>
        tpu.wait_dma2 semaphore(%run_scoped3A : memref<!tpu.dma_semaphore, #tpu.memory_space<semaphore_mem>>) src(%arg11 : memref<40x128xf32, #tpu.memory_space<vmem>>) dst(%dma_wait3A_263 : memref<40x128xf32, #tpu.memory_space<hbm>>)
        tpu.yield
      }) : () -> ()
    } else {
    }
    %add3A_160 = arith.constant 48 : i32
    %add3A_161 = arith.addi %arg1, %add3A_160 : i32
    %lt3A_162 = arith.constant 250 : i32
    %lt3A_163 = arith.cmpi slt, %add3A_161, %lt3A_162 : i32
    %convert_element_type3A_164 = arith.extui %lt3A_163 : i1 to i32
    %cond3A_165 = arith.constant 0 : i32
    %cond3A_166 = arith.cmpi ne, %convert_element_type3A_164, %cond3A_165 : i32
    scf.if %cond3A_166 {
      %mul3A_251 = arith.constant 40 : i32
      %mul3A_252 = arith.muli %add3A_161, %mul3A_251 : i32
      %multiple_of3A = tpu.assume_multiple %mul3A_252, 8 : i32
      "tpu.region"() ({
        %run_scoped3A = tpu.sem_alloc : memref<!tpu.dma_semaphore, #tpu.memory_space<semaphore_mem>>
        %dma_start3A = arith.constant 0 : i32
        %dma_start3A_253 = tpu.memref_slice %arg13[%multiple_of3A, %dma_start3A] : memref<10000x128xf32, #tpu.memory_space<vmem_shared>> -> memref<40x128xf32, #tpu.memory_space<vmem_shared>>
        %dma_start3A_254 = arith.constant 0 : i32
        %dma_start3A_255 = tpu.memref_slice %arg13[%multiple_of3A, %dma_start3A_254] : memref<10000x128xf32, #tpu.memory_space<vmem_shared>> -> memref<40x128xf32, #tpu.memory_space<vmem_shared>>
        tpu.enqueue_dma source(%dma_start3A_255 : memref<40x128xf32, #tpu.memory_space<vmem_shared>>) target(%arg11 : memref<40x128xf32, #tpu.memory_space<vmem>>) target_semaphore(%run_scoped3A : memref<!tpu.dma_semaphore, #tpu.memory_space<semaphore_mem>>)
        %dma_wait3A_256 = arith.constant 0 : i32
        %dma_wait3A_257 = tpu.memref_slice %arg13[%multiple_of3A, %dma_wait3A_256] : memref<10000x128xf32, #tpu.memory_space<vmem_shared>> -> memref<40x128xf32, #tpu.memory_space<vmem_shared>>
        %dma_wait3A_258 = arith.constant 0 : i32
        %dma_wait3A_259 = tpu.memref_slice %arg13[%multiple_of3A, %dma_wait3A_258] : memref<10000x128xf32, #tpu.memory_space<vmem_shared>> -> memref<40x128xf32, #tpu.memory_space<vmem_shared>>
        tpu.wait_dma2 semaphore(%run_scoped3A : memref<!tpu.dma_semaphore, #tpu.memory_space<semaphore_mem>>) src(%dma_wait3A_259 : memref<40x128xf32, #tpu.memory_space<vmem_shared>>) dst(%arg11 : memref<40x128xf32, #tpu.memory_space<vmem>>)
        tpu.yield
      }) : () -> ()
      "tpu.region"() ({
        %run_scoped3A = tpu.sem_alloc : memref<!tpu.dma_semaphore, #tpu.memory_space<semaphore_mem>>
        %dma_start3A = arith.constant 0 : i32
        %dma_start3A_253 = tpu.memref_slice %arg6[%arg0, %multiple_of3A, %dma_start3A] : memref<2x10000x128xf32, #tpu.memory_space<hbm>> -> memref<1x40x128xf32, #tpu.memory_space<hbm>>
        %dma_start3A_254 = tpu.memref_squeeze %dma_start3A_253 : memref<1x40x128xf32, #tpu.memory_space<hbm>> -> memref<40x128xf32, #tpu.memory_space<hbm>>
        %dma_start3A_255 = arith.constant 0 : i32
        %dma_start3A_256 = tpu.memref_slice %arg6[%arg0, %multiple_of3A, %dma_start3A_255] : memref<2x10000x128xf32, #tpu.memory_space<hbm>> -> memref<1x40x128xf32, #tpu.memory_space<hbm>>
        %dma_start3A_257 = tpu.memref_squeeze %dma_start3A_256 : memref<1x40x128xf32, #tpu.memory_space<hbm>> -> memref<40x128xf32, #tpu.memory_space<hbm>>
        tpu.enqueue_dma source(%arg11 : memref<40x128xf32, #tpu.memory_space<vmem>>) target(%dma_start3A_257 : memref<40x128xf32, #tpu.memory_space<hbm>>) target_semaphore(%run_scoped3A : memref<!tpu.dma_semaphore, #tpu.memory_space<semaphore_mem>>)
        %dma_wait3A_258 = arith.constant 0 : i32
        %dma_wait3A_259 = tpu.memref_slice %arg6[%arg0, %multiple_of3A, %dma_wait3A_258] : memref<2x10000x128xf32, #tpu.memory_space<hbm>> -> memref<1x40x128xf32, #tpu.memory_space<hbm>>
        %dma_wait3A_260 = tpu.memref_squeeze %dma_wait3A_259 : memref<1x40x128xf32, #tpu.memory_space<hbm>> -> memref<40x128xf32, #tpu.memory_space<hbm>>
        %dma_wait3A_261 = arith.constant 0 : i32
        %dma_wait3A_262 = tpu.memref_slice %arg6[%arg0, %multiple_of3A, %dma_wait3A_261] : memref<2x10000x128xf32, #tpu.memory_space<hbm>> -> memref<1x40x128xf32, #tpu.memory_space<hbm>>
        %dma_wait3A_263 = tpu.memref_squeeze %dma_wait3A_262 : memref<1x40x128xf32, #tpu.memory_space<hbm>> -> memref<40x128xf32, #tpu.memory_space<hbm>>
        tpu.wait_dma2 semaphore(%run_scoped3A : memref<!tpu.dma_semaphore, #tpu.memory_space<semaphore_mem>>) src(%arg11 : memref<40x128xf32, #tpu.memory_space<vmem>>) dst(%dma_wait3A_263 : memref<40x128xf32, #tpu.memory_space<hbm>>)
        tpu.yield
      }) : () -> ()
    } else {
    }
    %add3A_167 = arith.constant 64 : i32
    %add3A_168 = arith.addi %arg1, %add3A_167 : i32
    %lt3A_169 = arith.constant 250 : i32
    %lt3A_170 = arith.cmpi slt, %add3A_168, %lt3A_169 : i32
    %convert_element_type3A_171 = arith.extui %lt3A_170 : i1 to i32
    %cond3A_172 = arith.constant 0 : i32
    %cond3A_173 = arith.cmpi ne, %convert_element_type3A_171, %cond3A_172 : i32
    scf.if %cond3A_173 {
      %mul3A_251 = arith.constant 40 : i32
      %mul3A_252 = arith.muli %add3A_168, %mul3A_251 : i32
      %multiple_of3A = tpu.assume_multiple %mul3A_252, 8 : i32
      "tpu.region"() ({
        %run_scoped3A = tpu.sem_alloc : memref<!tpu.dma_semaphore, #tpu.memory_space<semaphore_mem>>
        %dma_start3A = arith.constant 0 : i32
        %dma_start3A_253 = tpu.memref_slice %arg13[%multiple_of3A, %dma_start3A] : memref<10000x128xf32, #tpu.memory_space<vmem_shared>> -> memref<40x128xf32, #tpu.memory_space<vmem_shared>>
        %dma_start3A_254 = arith.constant 0 : i32
        %dma_start3A_255 = tpu.memref_slice %arg13[%multiple_of3A, %dma_start3A_254] : memref<10000x128xf32, #tpu.memory_space<vmem_shared>> -> memref<40x128xf32, #tpu.memory_space<vmem_shared>>
        tpu.enqueue_dma source(%dma_start3A_255 : memref<40x128xf32, #tpu.memory_space<vmem_shared>>) target(%arg11 : memref<40x128xf32, #tpu.memory_space<vmem>>) target_semaphore(%run_scoped3A : memref<!tpu.dma_semaphore, #tpu.memory_space<semaphore_mem>>)
        %dma_wait3A_256 = arith.constant 0 : i32
        %dma_wait3A_257 = tpu.memref_slice %arg13[%multiple_of3A, %dma_wait3A_256] : memref<10000x128xf32, #tpu.memory_space<vmem_shared>> -> memref<40x128xf32, #tpu.memory_space<vmem_shared>>
        %dma_wait3A_258 = arith.constant 0 : i32
        %dma_wait3A_259 = tpu.memref_slice %arg13[%multiple_of3A, %dma_wait3A_258] : memref<10000x128xf32, #tpu.memory_space<vmem_shared>> -> memref<40x128xf32, #tpu.memory_space<vmem_shared>>
        tpu.wait_dma2 semaphore(%run_scoped3A : memref<!tpu.dma_semaphore, #tpu.memory_space<semaphore_mem>>) src(%dma_wait3A_259 : memref<40x128xf32, #tpu.memory_space<vmem_shared>>) dst(%arg11 : memref<40x128xf32, #tpu.memory_space<vmem>>)
        tpu.yield
      }) : () -> ()
      "tpu.region"() ({
        %run_scoped3A = tpu.sem_alloc : memref<!tpu.dma_semaphore, #tpu.memory_space<semaphore_mem>>
        %dma_start3A = arith.constant 0 : i32
        %dma_start3A_253 = tpu.memref_slice %arg6[%arg0, %multiple_of3A, %dma_start3A] : memref<2x10000x128xf32, #tpu.memory_space<hbm>> -> memref<1x40x128xf32, #tpu.memory_space<hbm>>
        %dma_start3A_254 = tpu.memref_squeeze %dma_start3A_253 : memref<1x40x128xf32, #tpu.memory_space<hbm>> -> memref<40x128xf32, #tpu.memory_space<hbm>>
        %dma_start3A_255 = arith.constant 0 : i32
        %dma_start3A_256 = tpu.memref_slice %arg6[%arg0, %multiple_of3A, %dma_start3A_255] : memref<2x10000x128xf32, #tpu.memory_space<hbm>> -> memref<1x40x128xf32, #tpu.memory_space<hbm>>
        %dma_start3A_257 = tpu.memref_squeeze %dma_start3A_256 : memref<1x40x128xf32, #tpu.memory_space<hbm>> -> memref<40x128xf32, #tpu.memory_space<hbm>>
        tpu.enqueue_dma source(%arg11 : memref<40x128xf32, #tpu.memory_space<vmem>>) target(%dma_start3A_257 : memref<40x128xf32, #tpu.memory_space<hbm>>) target_semaphore(%run_scoped3A : memref<!tpu.dma_semaphore, #tpu.memory_space<semaphore_mem>>)
        %dma_wait3A_258 = arith.constant 0 : i32
        %dma_wait3A_259 = tpu.memref_slice %arg6[%arg0, %multiple_of3A, %dma_wait3A_258] : memref<2x10000x128xf32, #tpu.memory_space<hbm>> -> memref<1x40x128xf32, #tpu.memory_space<hbm>>
        %dma_wait3A_260 = tpu.memref_squeeze %dma_wait3A_259 : memref<1x40x128xf32, #tpu.memory_space<hbm>> -> memref<40x128xf32, #tpu.memory_space<hbm>>
        %dma_wait3A_261 = arith.constant 0 : i32
        %dma_wait3A_262 = tpu.memref_slice %arg6[%arg0, %multiple_of3A, %dma_wait3A_261] : memref<2x10000x128xf32, #tpu.memory_space<hbm>> -> memref<1x40x128xf32, #tpu.memory_space<hbm>>
        %dma_wait3A_263 = tpu.memref_squeeze %dma_wait3A_262 : memref<1x40x128xf32, #tpu.memory_space<hbm>> -> memref<40x128xf32, #tpu.memory_space<hbm>>
        tpu.wait_dma2 semaphore(%run_scoped3A : memref<!tpu.dma_semaphore, #tpu.memory_space<semaphore_mem>>) src(%arg11 : memref<40x128xf32, #tpu.memory_space<vmem>>) dst(%dma_wait3A_263 : memref<40x128xf32, #tpu.memory_space<hbm>>)
        tpu.yield
      }) : () -> ()
    } else {
    }
    %add3A_174 = arith.constant 80 : i32
    %add3A_175 = arith.addi %arg1, %add3A_174 : i32
    %lt3A_176 = arith.constant 250 : i32
    %lt3A_177 = arith.cmpi slt, %add3A_175, %lt3A_176 : i32
    %convert_element_type3A_178 = arith.extui %lt3A_177 : i1 to i32
    %cond3A_179 = arith.constant 0 : i32
    %cond3A_180 = arith.cmpi ne, %convert_element_type3A_178, %cond3A_179 : i32
    scf.if %cond3A_180 {
      %mul3A_251 = arith.constant 40 : i32
      %mul3A_252 = arith.muli %add3A_175, %mul3A_251 : i32
      %multiple_of3A = tpu.assume_multiple %mul3A_252, 8 : i32
      "tpu.region"() ({
        %run_scoped3A = tpu.sem_alloc : memref<!tpu.dma_semaphore, #tpu.memory_space<semaphore_mem>>
        %dma_start3A = arith.constant 0 : i32
        %dma_start3A_253 = tpu.memref_slice %arg13[%multiple_of3A, %dma_start3A] : memref<10000x128xf32, #tpu.memory_space<vmem_shared>> -> memref<40x128xf32, #tpu.memory_space<vmem_shared>>
        %dma_start3A_254 = arith.constant 0 : i32
        %dma_start3A_255 = tpu.memref_slice %arg13[%multiple_of3A, %dma_start3A_254] : memref<10000x128xf32, #tpu.memory_space<vmem_shared>> -> memref<40x128xf32, #tpu.memory_space<vmem_shared>>
        tpu.enqueue_dma source(%dma_start3A_255 : memref<40x128xf32, #tpu.memory_space<vmem_shared>>) target(%arg11 : memref<40x128xf32, #tpu.memory_space<vmem>>) target_semaphore(%run_scoped3A : memref<!tpu.dma_semaphore, #tpu.memory_space<semaphore_mem>>)
        %dma_wait3A_256 = arith.constant 0 : i32
        %dma_wait3A_257 = tpu.memref_slice %arg13[%multiple_of3A, %dma_wait3A_256] : memref<10000x128xf32, #tpu.memory_space<vmem_shared>> -> memref<40x128xf32, #tpu.memory_space<vmem_shared>>
        %dma_wait3A_258 = arith.constant 0 : i32
        %dma_wait3A_259 = tpu.memref_slice %arg13[%multiple_of3A, %dma_wait3A_258] : memref<10000x128xf32, #tpu.memory_space<vmem_shared>> -> memref<40x128xf32, #tpu.memory_space<vmem_shared>>
        tpu.wait_dma2 semaphore(%run_scoped3A : memref<!tpu.dma_semaphore, #tpu.memory_space<semaphore_mem>>) src(%dma_wait3A_259 : memref<40x128xf32, #tpu.memory_space<vmem_shared>>) dst(%arg11 : memref<40x128xf32, #tpu.memory_space<vmem>>)
        tpu.yield
      }) : () -> ()
      "tpu.region"() ({
        %run_scoped3A = tpu.sem_alloc : memref<!tpu.dma_semaphore, #tpu.memory_space<semaphore_mem>>
        %dma_start3A = arith.constant 0 : i32
        %dma_start3A_253 = tpu.memref_slice %arg6[%arg0, %multiple_of3A, %dma_start3A] : memref<2x10000x128xf32, #tpu.memory_space<hbm>> -> memref<1x40x128xf32, #tpu.memory_space<hbm>>
        %dma_start3A_254 = tpu.memref_squeeze %dma_start3A_253 : memref<1x40x128xf32, #tpu.memory_space<hbm>> -> memref<40x128xf32, #tpu.memory_space<hbm>>
        %dma_start3A_255 = arith.constant 0 : i32
        %dma_start3A_256 = tpu.memref_slice %arg6[%arg0, %multiple_of3A, %dma_start3A_255] : memref<2x10000x128xf32, #tpu.memory_space<hbm>> -> memref<1x40x128xf32, #tpu.memory_space<hbm>>
        %dma_start3A_257 = tpu.memref_squeeze %dma_start3A_256 : memref<1x40x128xf32, #tpu.memory_space<hbm>> -> memref<40x128xf32, #tpu.memory_space<hbm>>
        tpu.enqueue_dma source(%arg11 : memref<40x128xf32, #tpu.memory_space<vmem>>) target(%dma_start3A_257 : memref<40x128xf32, #tpu.memory_space<hbm>>) target_semaphore(%run_scoped3A : memref<!tpu.dma_semaphore, #tpu.memory_space<semaphore_mem>>)
        %dma_wait3A_258 = arith.constant 0 : i32
        %dma_wait3A_259 = tpu.memref_slice %arg6[%arg0, %multiple_of3A, %dma_wait3A_258] : memref<2x10000x128xf32, #tpu.memory_space<hbm>> -> memref<1x40x128xf32, #tpu.memory_space<hbm>>
        %dma_wait3A_260 = tpu.memref_squeeze %dma_wait3A_259 : memref<1x40x128xf32, #tpu.memory_space<hbm>> -> memref<40x128xf32, #tpu.memory_space<hbm>>
        %dma_wait3A_261 = arith.constant 0 : i32
        %dma_wait3A_262 = tpu.memref_slice %arg6[%arg0, %multiple_of3A, %dma_wait3A_261] : memref<2x10000x128xf32, #tpu.memory_space<hbm>> -> memref<1x40x128xf32, #tpu.memory_space<hbm>>
        %dma_wait3A_263 = tpu.memref_squeeze %dma_wait3A_262 : memref<1x40x128xf32, #tpu.memory_space<hbm>> -> memref<40x128xf32, #tpu.memory_space<hbm>>
        tpu.wait_dma2 semaphore(%run_scoped3A : memref<!tpu.dma_semaphore, #tpu.memory_space<semaphore_mem>>) src(%arg11 : memref<40x128xf32, #tpu.memory_space<vmem>>) dst(%dma_wait3A_263 : memref<40x128xf32, #tpu.memory_space<hbm>>)
        tpu.yield
      }) : () -> ()
    } else {
    }
    %add3A_181 = arith.constant 96 : i32
    %add3A_182 = arith.addi %arg1, %add3A_181 : i32
    %lt3A_183 = arith.constant 250 : i32
    %lt3A_184 = arith.cmpi slt, %add3A_182, %lt3A_183 : i32
    %convert_element_type3A_185 = arith.extui %lt3A_184 : i1 to i32
    %cond3A_186 = arith.constant 0 : i32
    %cond3A_187 = arith.cmpi ne, %convert_element_type3A_185, %cond3A_186 : i32
    scf.if %cond3A_187 {
      %mul3A_251 = arith.constant 40 : i32
      %mul3A_252 = arith.muli %add3A_182, %mul3A_251 : i32
      %multiple_of3A = tpu.assume_multiple %mul3A_252, 8 : i32
      "tpu.region"() ({
        %run_scoped3A = tpu.sem_alloc : memref<!tpu.dma_semaphore, #tpu.memory_space<semaphore_mem>>
        %dma_start3A = arith.constant 0 : i32
        %dma_start3A_253 = tpu.memref_slice %arg13[%multiple_of3A, %dma_start3A] : memref<10000x128xf32, #tpu.memory_space<vmem_shared>> -> memref<40x128xf32, #tpu.memory_space<vmem_shared>>
        %dma_start3A_254 = arith.constant 0 : i32
        %dma_start3A_255 = tpu.memref_slice %arg13[%multiple_of3A, %dma_start3A_254] : memref<10000x128xf32, #tpu.memory_space<vmem_shared>> -> memref<40x128xf32, #tpu.memory_space<vmem_shared>>
        tpu.enqueue_dma source(%dma_start3A_255 : memref<40x128xf32, #tpu.memory_space<vmem_shared>>) target(%arg11 : memref<40x128xf32, #tpu.memory_space<vmem>>) target_semaphore(%run_scoped3A : memref<!tpu.dma_semaphore, #tpu.memory_space<semaphore_mem>>)
        %dma_wait3A_256 = arith.constant 0 : i32
        %dma_wait3A_257 = tpu.memref_slice %arg13[%multiple_of3A, %dma_wait3A_256] : memref<10000x128xf32, #tpu.memory_space<vmem_shared>> -> memref<40x128xf32, #tpu.memory_space<vmem_shared>>
        %dma_wait3A_258 = arith.constant 0 : i32
        %dma_wait3A_259 = tpu.memref_slice %arg13[%multiple_of3A, %dma_wait3A_258] : memref<10000x128xf32, #tpu.memory_space<vmem_shared>> -> memref<40x128xf32, #tpu.memory_space<vmem_shared>>
        tpu.wait_dma2 semaphore(%run_scoped3A : memref<!tpu.dma_semaphore, #tpu.memory_space<semaphore_mem>>) src(%dma_wait3A_259 : memref<40x128xf32, #tpu.memory_space<vmem_shared>>) dst(%arg11 : memref<40x128xf32, #tpu.memory_space<vmem>>)
        tpu.yield
      }) : () -> ()
      "tpu.region"() ({
        %run_scoped3A = tpu.sem_alloc : memref<!tpu.dma_semaphore, #tpu.memory_space<semaphore_mem>>
        %dma_start3A = arith.constant 0 : i32
        %dma_start3A_253 = tpu.memref_slice %arg6[%arg0, %multiple_of3A, %dma_start3A] : memref<2x10000x128xf32, #tpu.memory_space<hbm>> -> memref<1x40x128xf32, #tpu.memory_space<hbm>>
        %dma_start3A_254 = tpu.memref_squeeze %dma_start3A_253 : memref<1x40x128xf32, #tpu.memory_space<hbm>> -> memref<40x128xf32, #tpu.memory_space<hbm>>
        %dma_start3A_255 = arith.constant 0 : i32
        %dma_start3A_256 = tpu.memref_slice %arg6[%arg0, %multiple_of3A, %dma_start3A_255] : memref<2x10000x128xf32, #tpu.memory_space<hbm>> -> memref<1x40x128xf32, #tpu.memory_space<hbm>>
        %dma_start3A_257 = tpu.memref_squeeze %dma_start3A_256 : memref<1x40x128xf32, #tpu.memory_space<hbm>> -> memref<40x128xf32, #tpu.memory_space<hbm>>
        tpu.enqueue_dma source(%arg11 : memref<40x128xf32, #tpu.memory_space<vmem>>) target(%dma_start3A_257 : memref<40x128xf32, #tpu.memory_space<hbm>>) target_semaphore(%run_scoped3A : memref<!tpu.dma_semaphore, #tpu.memory_space<semaphore_mem>>)
        %dma_wait3A_258 = arith.constant 0 : i32
        %dma_wait3A_259 = tpu.memref_slice %arg6[%arg0, %multiple_of3A, %dma_wait3A_258] : memref<2x10000x128xf32, #tpu.memory_space<hbm>> -> memref<1x40x128xf32, #tpu.memory_space<hbm>>
        %dma_wait3A_260 = tpu.memref_squeeze %dma_wait3A_259 : memref<1x40x128xf32, #tpu.memory_space<hbm>> -> memref<40x128xf32, #tpu.memory_space<hbm>>
        %dma_wait3A_261 = arith.constant 0 : i32
        %dma_wait3A_262 = tpu.memref_slice %arg6[%arg0, %multiple_of3A, %dma_wait3A_261] : memref<2x10000x128xf32, #tpu.memory_space<hbm>> -> memref<1x40x128xf32, #tpu.memory_space<hbm>>
        %dma_wait3A_263 = tpu.memref_squeeze %dma_wait3A_262 : memref<1x40x128xf32, #tpu.memory_space<hbm>> -> memref<40x128xf32, #tpu.memory_space<hbm>>
        tpu.wait_dma2 semaphore(%run_scoped3A : memref<!tpu.dma_semaphore, #tpu.memory_space<semaphore_mem>>) src(%arg11 : memref<40x128xf32, #tpu.memory_space<vmem>>) dst(%dma_wait3A_263 : memref<40x128xf32, #tpu.memory_space<hbm>>)
        tpu.yield
      }) : () -> ()
    } else {
    }
    %add3A_188 = arith.constant 112 : i32
    %add3A_189 = arith.addi %arg1, %add3A_188 : i32
    %lt3A_190 = arith.constant 250 : i32
    %lt3A_191 = arith.cmpi slt, %add3A_189, %lt3A_190 : i32
    %convert_element_type3A_192 = arith.extui %lt3A_191 : i1 to i32
    %cond3A_193 = arith.constant 0 : i32
    %cond3A_194 = arith.cmpi ne, %convert_element_type3A_192, %cond3A_193 : i32
    scf.if %cond3A_194 {
      %mul3A_251 = arith.constant 40 : i32
      %mul3A_252 = arith.muli %add3A_189, %mul3A_251 : i32
      %multiple_of3A = tpu.assume_multiple %mul3A_252, 8 : i32
      "tpu.region"() ({
        %run_scoped3A = tpu.sem_alloc : memref<!tpu.dma_semaphore, #tpu.memory_space<semaphore_mem>>
        %dma_start3A = arith.constant 0 : i32
        %dma_start3A_253 = tpu.memref_slice %arg13[%multiple_of3A, %dma_start3A] : memref<10000x128xf32, #tpu.memory_space<vmem_shared>> -> memref<40x128xf32, #tpu.memory_space<vmem_shared>>
        %dma_start3A_254 = arith.constant 0 : i32
        %dma_start3A_255 = tpu.memref_slice %arg13[%multiple_of3A, %dma_start3A_254] : memref<10000x128xf32, #tpu.memory_space<vmem_shared>> -> memref<40x128xf32, #tpu.memory_space<vmem_shared>>
        tpu.enqueue_dma source(%dma_start3A_255 : memref<40x128xf32, #tpu.memory_space<vmem_shared>>) target(%arg11 : memref<40x128xf32, #tpu.memory_space<vmem>>) target_semaphore(%run_scoped3A : memref<!tpu.dma_semaphore, #tpu.memory_space<semaphore_mem>>)
        %dma_wait3A_256 = arith.constant 0 : i32
        %dma_wait3A_257 = tpu.memref_slice %arg13[%multiple_of3A, %dma_wait3A_256] : memref<10000x128xf32, #tpu.memory_space<vmem_shared>> -> memref<40x128xf32, #tpu.memory_space<vmem_shared>>
        %dma_wait3A_258 = arith.constant 0 : i32
        %dma_wait3A_259 = tpu.memref_slice %arg13[%multiple_of3A, %dma_wait3A_258] : memref<10000x128xf32, #tpu.memory_space<vmem_shared>> -> memref<40x128xf32, #tpu.memory_space<vmem_shared>>
        tpu.wait_dma2 semaphore(%run_scoped3A : memref<!tpu.dma_semaphore, #tpu.memory_space<semaphore_mem>>) src(%dma_wait3A_259 : memref<40x128xf32, #tpu.memory_space<vmem_shared>>) dst(%arg11 : memref<40x128xf32, #tpu.memory_space<vmem>>)
        tpu.yield
      }) : () -> ()
      "tpu.region"() ({
        %run_scoped3A = tpu.sem_alloc : memref<!tpu.dma_semaphore, #tpu.memory_space<semaphore_mem>>
        %dma_start3A = arith.constant 0 : i32
        %dma_start3A_253 = tpu.memref_slice %arg6[%arg0, %multiple_of3A, %dma_start3A] : memref<2x10000x128xf32, #tpu.memory_space<hbm>> -> memref<1x40x128xf32, #tpu.memory_space<hbm>>
        %dma_start3A_254 = tpu.memref_squeeze %dma_start3A_253 : memref<1x40x128xf32, #tpu.memory_space<hbm>> -> memref<40x128xf32, #tpu.memory_space<hbm>>
        %dma_start3A_255 = arith.constant 0 : i32
        %dma_start3A_256 = tpu.memref_slice %arg6[%arg0, %multiple_of3A, %dma_start3A_255] : memref<2x10000x128xf32, #tpu.memory_space<hbm>> -> memref<1x40x128xf32, #tpu.memory_space<hbm>>
        %dma_start3A_257 = tpu.memref_squeeze %dma_start3A_256 : memref<1x40x128xf32, #tpu.memory_space<hbm>> -> memref<40x128xf32, #tpu.memory_space<hbm>>
        tpu.enqueue_dma source(%arg11 : memref<40x128xf32, #tpu.memory_space<vmem>>) target(%dma_start3A_257 : memref<40x128xf32, #tpu.memory_space<hbm>>) target_semaphore(%run_scoped3A : memref<!tpu.dma_semaphore, #tpu.memory_space<semaphore_mem>>)
        %dma_wait3A_258 = arith.constant 0 : i32
        %dma_wait3A_259 = tpu.memref_slice %arg6[%arg0, %multiple_of3A, %dma_wait3A_258] : memref<2x10000x128xf32, #tpu.memory_space<hbm>> -> memref<1x40x128xf32, #tpu.memory_space<hbm>>
        %dma_wait3A_260 = tpu.memref_squeeze %dma_wait3A_259 : memref<1x40x128xf32, #tpu.memory_space<hbm>> -> memref<40x128xf32, #tpu.memory_space<hbm>>
        %dma_wait3A_261 = arith.constant 0 : i32
        %dma_wait3A_262 = tpu.memref_slice %arg6[%arg0, %multiple_of3A, %dma_wait3A_261] : memref<2x10000x128xf32, #tpu.memory_space<hbm>> -> memref<1x40x128xf32, #tpu.memory_space<hbm>>
        %dma_wait3A_263 = tpu.memref_squeeze %dma_wait3A_262 : memref<1x40x128xf32, #tpu.memory_space<hbm>> -> memref<40x128xf32, #tpu.memory_space<hbm>>
        tpu.wait_dma2 semaphore(%run_scoped3A : memref<!tpu.dma_semaphore, #tpu.memory_space<semaphore_mem>>) src(%arg11 : memref<40x128xf32, #tpu.memory_space<vmem>>) dst(%dma_wait3A_263 : memref<40x128xf32, #tpu.memory_space<hbm>>)
        tpu.yield
      }) : () -> ()
    } else {
    }
    %add3A_195 = arith.constant 128 : i32
    %add3A_196 = arith.addi %arg1, %add3A_195 : i32
    %lt3A_197 = arith.constant 250 : i32
    %lt3A_198 = arith.cmpi slt, %add3A_196, %lt3A_197 : i32
    %convert_element_type3A_199 = arith.extui %lt3A_198 : i1 to i32
    %cond3A_200 = arith.constant 0 : i32
    %cond3A_201 = arith.cmpi ne, %convert_element_type3A_199, %cond3A_200 : i32
    scf.if %cond3A_201 {
      %mul3A_251 = arith.constant 40 : i32
      %mul3A_252 = arith.muli %add3A_196, %mul3A_251 : i32
      %multiple_of3A = tpu.assume_multiple %mul3A_252, 8 : i32
      "tpu.region"() ({
        %run_scoped3A = tpu.sem_alloc : memref<!tpu.dma_semaphore, #tpu.memory_space<semaphore_mem>>
        %dma_start3A = arith.constant 0 : i32
        %dma_start3A_253 = tpu.memref_slice %arg13[%multiple_of3A, %dma_start3A] : memref<10000x128xf32, #tpu.memory_space<vmem_shared>> -> memref<40x128xf32, #tpu.memory_space<vmem_shared>>
        %dma_start3A_254 = arith.constant 0 : i32
        %dma_start3A_255 = tpu.memref_slice %arg13[%multiple_of3A, %dma_start3A_254] : memref<10000x128xf32, #tpu.memory_space<vmem_shared>> -> memref<40x128xf32, #tpu.memory_space<vmem_shared>>
        tpu.enqueue_dma source(%dma_start3A_255 : memref<40x128xf32, #tpu.memory_space<vmem_shared>>) target(%arg11 : memref<40x128xf32, #tpu.memory_space<vmem>>) target_semaphore(%run_scoped3A : memref<!tpu.dma_semaphore, #tpu.memory_space<semaphore_mem>>)
        %dma_wait3A_256 = arith.constant 0 : i32
        %dma_wait3A_257 = tpu.memref_slice %arg13[%multiple_of3A, %dma_wait3A_256] : memref<10000x128xf32, #tpu.memory_space<vmem_shared>> -> memref<40x128xf32, #tpu.memory_space<vmem_shared>>
        %dma_wait3A_258 = arith.constant 0 : i32
        %dma_wait3A_259 = tpu.memref_slice %arg13[%multiple_of3A, %dma_wait3A_258] : memref<10000x128xf32, #tpu.memory_space<vmem_shared>> -> memref<40x128xf32, #tpu.memory_space<vmem_shared>>
        tpu.wait_dma2 semaphore(%run_scoped3A : memref<!tpu.dma_semaphore, #tpu.memory_space<semaphore_mem>>) src(%dma_wait3A_259 : memref<40x128xf32, #tpu.memory_space<vmem_shared>>) dst(%arg11 : memref<40x128xf32, #tpu.memory_space<vmem>>)
        tpu.yield
      }) : () -> ()
      "tpu.region"() ({
        %run_scoped3A = tpu.sem_alloc : memref<!tpu.dma_semaphore, #tpu.memory_space<semaphore_mem>>
        %dma_start3A = arith.constant 0 : i32
        %dma_start3A_253 = tpu.memref_slice %arg6[%arg0, %multiple_of3A, %dma_start3A] : memref<2x10000x128xf32, #tpu.memory_space<hbm>> -> memref<1x40x128xf32, #tpu.memory_space<hbm>>
        %dma_start3A_254 = tpu.memref_squeeze %dma_start3A_253 : memref<1x40x128xf32, #tpu.memory_space<hbm>> -> memref<40x128xf32, #tpu.memory_space<hbm>>
        %dma_start3A_255 = arith.constant 0 : i32
        %dma_start3A_256 = tpu.memref_slice %arg6[%arg0, %multiple_of3A, %dma_start3A_255] : memref<2x10000x128xf32, #tpu.memory_space<hbm>> -> memref<1x40x128xf32, #tpu.memory_space<hbm>>
        %dma_start3A_257 = tpu.memref_squeeze %dma_start3A_256 : memref<1x40x128xf32, #tpu.memory_space<hbm>> -> memref<40x128xf32, #tpu.memory_space<hbm>>
        tpu.enqueue_dma source(%arg11 : memref<40x128xf32, #tpu.memory_space<vmem>>) target(%dma_start3A_257 : memref<40x128xf32, #tpu.memory_space<hbm>>) target_semaphore(%run_scoped3A : memref<!tpu.dma_semaphore, #tpu.memory_space<semaphore_mem>>)
        %dma_wait3A_258 = arith.constant 0 : i32
        %dma_wait3A_259 = tpu.memref_slice %arg6[%arg0, %multiple_of3A, %dma_wait3A_258] : memref<2x10000x128xf32, #tpu.memory_space<hbm>> -> memref<1x40x128xf32, #tpu.memory_space<hbm>>
        %dma_wait3A_260 = tpu.memref_squeeze %dma_wait3A_259 : memref<1x40x128xf32, #tpu.memory_space<hbm>> -> memref<40x128xf32, #tpu.memory_space<hbm>>
        %dma_wait3A_261 = arith.constant 0 : i32
        %dma_wait3A_262 = tpu.memref_slice %arg6[%arg0, %multiple_of3A, %dma_wait3A_261] : memref<2x10000x128xf32, #tpu.memory_space<hbm>> -> memref<1x40x128xf32, #tpu.memory_space<hbm>>
        %dma_wait3A_263 = tpu.memref_squeeze %dma_wait3A_262 : memref<1x40x128xf32, #tpu.memory_space<hbm>> -> memref<40x128xf32, #tpu.memory_space<hbm>>
        tpu.wait_dma2 semaphore(%run_scoped3A : memref<!tpu.dma_semaphore, #tpu.memory_space<semaphore_mem>>) src(%arg11 : memref<40x128xf32, #tpu.memory_space<vmem>>) dst(%dma_wait3A_263 : memref<40x128xf32, #tpu.memory_space<hbm>>)
        tpu.yield
      }) : () -> ()
    } else {
    }
    %add3A_202 = arith.constant 144 : i32
    %add3A_203 = arith.addi %arg1, %add3A_202 : i32
    %lt3A_204 = arith.constant 250 : i32
    %lt3A_205 = arith.cmpi slt, %add3A_203, %lt3A_204 : i32
    %convert_element_type3A_206 = arith.extui %lt3A_205 : i1 to i32
    %cond3A_207 = arith.constant 0 : i32
    %cond3A_208 = arith.cmpi ne, %convert_element_type3A_206, %cond3A_207 : i32
    scf.if %cond3A_208 {
      %mul3A_251 = arith.constant 40 : i32
      %mul3A_252 = arith.muli %add3A_203, %mul3A_251 : i32
      %multiple_of3A = tpu.assume_multiple %mul3A_252, 8 : i32
      "tpu.region"() ({
        %run_scoped3A = tpu.sem_alloc : memref<!tpu.dma_semaphore, #tpu.memory_space<semaphore_mem>>
        %dma_start3A = arith.constant 0 : i32
        %dma_start3A_253 = tpu.memref_slice %arg13[%multiple_of3A, %dma_start3A] : memref<10000x128xf32, #tpu.memory_space<vmem_shared>> -> memref<40x128xf32, #tpu.memory_space<vmem_shared>>
        %dma_start3A_254 = arith.constant 0 : i32
        %dma_start3A_255 = tpu.memref_slice %arg13[%multiple_of3A, %dma_start3A_254] : memref<10000x128xf32, #tpu.memory_space<vmem_shared>> -> memref<40x128xf32, #tpu.memory_space<vmem_shared>>
        tpu.enqueue_dma source(%dma_start3A_255 : memref<40x128xf32, #tpu.memory_space<vmem_shared>>) target(%arg11 : memref<40x128xf32, #tpu.memory_space<vmem>>) target_semaphore(%run_scoped3A : memref<!tpu.dma_semaphore, #tpu.memory_space<semaphore_mem>>)
        %dma_wait3A_256 = arith.constant 0 : i32
        %dma_wait3A_257 = tpu.memref_slice %arg13[%multiple_of3A, %dma_wait3A_256] : memref<10000x128xf32, #tpu.memory_space<vmem_shared>> -> memref<40x128xf32, #tpu.memory_space<vmem_shared>>
        %dma_wait3A_258 = arith.constant 0 : i32
        %dma_wait3A_259 = tpu.memref_slice %arg13[%multiple_of3A, %dma_wait3A_258] : memref<10000x128xf32, #tpu.memory_space<vmem_shared>> -> memref<40x128xf32, #tpu.memory_space<vmem_shared>>
        tpu.wait_dma2 semaphore(%run_scoped3A : memref<!tpu.dma_semaphore, #tpu.memory_space<semaphore_mem>>) src(%dma_wait3A_259 : memref<40x128xf32, #tpu.memory_space<vmem_shared>>) dst(%arg11 : memref<40x128xf32, #tpu.memory_space<vmem>>)
        tpu.yield
      }) : () -> ()
      "tpu.region"() ({
        %run_scoped3A = tpu.sem_alloc : memref<!tpu.dma_semaphore, #tpu.memory_space<semaphore_mem>>
        %dma_start3A = arith.constant 0 : i32
        %dma_start3A_253 = tpu.memref_slice %arg6[%arg0, %multiple_of3A, %dma_start3A] : memref<2x10000x128xf32, #tpu.memory_space<hbm>> -> memref<1x40x128xf32, #tpu.memory_space<hbm>>
        %dma_start3A_254 = tpu.memref_squeeze %dma_start3A_253 : memref<1x40x128xf32, #tpu.memory_space<hbm>> -> memref<40x128xf32, #tpu.memory_space<hbm>>
        %dma_start3A_255 = arith.constant 0 : i32
        %dma_start3A_256 = tpu.memref_slice %arg6[%arg0, %multiple_of3A, %dma_start3A_255] : memref<2x10000x128xf32, #tpu.memory_space<hbm>> -> memref<1x40x128xf32, #tpu.memory_space<hbm>>
        %dma_start3A_257 = tpu.memref_squeeze %dma_start3A_256 : memref<1x40x128xf32, #tpu.memory_space<hbm>> -> memref<40x128xf32, #tpu.memory_space<hbm>>
        tpu.enqueue_dma source(%arg11 : memref<40x128xf32, #tpu.memory_space<vmem>>) target(%dma_start3A_257 : memref<40x128xf32, #tpu.memory_space<hbm>>) target_semaphore(%run_scoped3A : memref<!tpu.dma_semaphore, #tpu.memory_space<semaphore_mem>>)
        %dma_wait3A_258 = arith.constant 0 : i32
        %dma_wait3A_259 = tpu.memref_slice %arg6[%arg0, %multiple_of3A, %dma_wait3A_258] : memref<2x10000x128xf32, #tpu.memory_space<hbm>> -> memref<1x40x128xf32, #tpu.memory_space<hbm>>
        %dma_wait3A_260 = tpu.memref_squeeze %dma_wait3A_259 : memref<1x40x128xf32, #tpu.memory_space<hbm>> -> memref<40x128xf32, #tpu.memory_space<hbm>>
        %dma_wait3A_261 = arith.constant 0 : i32
        %dma_wait3A_262 = tpu.memref_slice %arg6[%arg0, %multiple_of3A, %dma_wait3A_261] : memref<2x10000x128xf32, #tpu.memory_space<hbm>> -> memref<1x40x128xf32, #tpu.memory_space<hbm>>
        %dma_wait3A_263 = tpu.memref_squeeze %dma_wait3A_262 : memref<1x40x128xf32, #tpu.memory_space<hbm>> -> memref<40x128xf32, #tpu.memory_space<hbm>>
        tpu.wait_dma2 semaphore(%run_scoped3A : memref<!tpu.dma_semaphore, #tpu.memory_space<semaphore_mem>>) src(%arg11 : memref<40x128xf32, #tpu.memory_space<vmem>>) dst(%dma_wait3A_263 : memref<40x128xf32, #tpu.memory_space<hbm>>)
        tpu.yield
      }) : () -> ()
    } else {
    }
    %add3A_209 = arith.constant 160 : i32
    %add3A_210 = arith.addi %arg1, %add3A_209 : i32
    %lt3A_211 = arith.constant 250 : i32
    %lt3A_212 = arith.cmpi slt, %add3A_210, %lt3A_211 : i32
    %convert_element_type3A_213 = arith.extui %lt3A_212 : i1 to i32
    %cond3A_214 = arith.constant 0 : i32
    %cond3A_215 = arith.cmpi ne, %convert_element_type3A_213, %cond3A_214 : i32
    scf.if %cond3A_215 {
      %mul3A_251 = arith.constant 40 : i32
      %mul3A_252 = arith.muli %add3A_210, %mul3A_251 : i32
      %multiple_of3A = tpu.assume_multiple %mul3A_252, 8 : i32
      "tpu.region"() ({
        %run_scoped3A = tpu.sem_alloc : memref<!tpu.dma_semaphore, #tpu.memory_space<semaphore_mem>>
        %dma_start3A = arith.constant 0 : i32
        %dma_start3A_253 = tpu.memref_slice %arg13[%multiple_of3A, %dma_start3A] : memref<10000x128xf32, #tpu.memory_space<vmem_shared>> -> memref<40x128xf32, #tpu.memory_space<vmem_shared>>
        %dma_start3A_254 = arith.constant 0 : i32
        %dma_start3A_255 = tpu.memref_slice %arg13[%multiple_of3A, %dma_start3A_254] : memref<10000x128xf32, #tpu.memory_space<vmem_shared>> -> memref<40x128xf32, #tpu.memory_space<vmem_shared>>
        tpu.enqueue_dma source(%dma_start3A_255 : memref<40x128xf32, #tpu.memory_space<vmem_shared>>) target(%arg11 : memref<40x128xf32, #tpu.memory_space<vmem>>) target_semaphore(%run_scoped3A : memref<!tpu.dma_semaphore, #tpu.memory_space<semaphore_mem>>)
        %dma_wait3A_256 = arith.constant 0 : i32
        %dma_wait3A_257 = tpu.memref_slice %arg13[%multiple_of3A, %dma_wait3A_256] : memref<10000x128xf32, #tpu.memory_space<vmem_shared>> -> memref<40x128xf32, #tpu.memory_space<vmem_shared>>
        %dma_wait3A_258 = arith.constant 0 : i32
        %dma_wait3A_259 = tpu.memref_slice %arg13[%multiple_of3A, %dma_wait3A_258] : memref<10000x128xf32, #tpu.memory_space<vmem_shared>> -> memref<40x128xf32, #tpu.memory_space<vmem_shared>>
        tpu.wait_dma2 semaphore(%run_scoped3A : memref<!tpu.dma_semaphore, #tpu.memory_space<semaphore_mem>>) src(%dma_wait3A_259 : memref<40x128xf32, #tpu.memory_space<vmem_shared>>) dst(%arg11 : memref<40x128xf32, #tpu.memory_space<vmem>>)
        tpu.yield
      }) : () -> ()
      "tpu.region"() ({
        %run_scoped3A = tpu.sem_alloc : memref<!tpu.dma_semaphore, #tpu.memory_space<semaphore_mem>>
        %dma_start3A = arith.constant 0 : i32
        %dma_start3A_253 = tpu.memref_slice %arg6[%arg0, %multiple_of3A, %dma_start3A] : memref<2x10000x128xf32, #tpu.memory_space<hbm>> -> memref<1x40x128xf32, #tpu.memory_space<hbm>>
        %dma_start3A_254 = tpu.memref_squeeze %dma_start3A_253 : memref<1x40x128xf32, #tpu.memory_space<hbm>> -> memref<40x128xf32, #tpu.memory_space<hbm>>
        %dma_start3A_255 = arith.constant 0 : i32
        %dma_start3A_256 = tpu.memref_slice %arg6[%arg0, %multiple_of3A, %dma_start3A_255] : memref<2x10000x128xf32, #tpu.memory_space<hbm>> -> memref<1x40x128xf32, #tpu.memory_space<hbm>>
        %dma_start3A_257 = tpu.memref_squeeze %dma_start3A_256 : memref<1x40x128xf32, #tpu.memory_space<hbm>> -> memref<40x128xf32, #tpu.memory_space<hbm>>
        tpu.enqueue_dma source(%arg11 : memref<40x128xf32, #tpu.memory_space<vmem>>) target(%dma_start3A_257 : memref<40x128xf32, #tpu.memory_space<hbm>>) target_semaphore(%run_scoped3A : memref<!tpu.dma_semaphore, #tpu.memory_space<semaphore_mem>>)
        %dma_wait3A_258 = arith.constant 0 : i32
        %dma_wait3A_259 = tpu.memref_slice %arg6[%arg0, %multiple_of3A, %dma_wait3A_258] : memref<2x10000x128xf32, #tpu.memory_space<hbm>> -> memref<1x40x128xf32, #tpu.memory_space<hbm>>
        %dma_wait3A_260 = tpu.memref_squeeze %dma_wait3A_259 : memref<1x40x128xf32, #tpu.memory_space<hbm>> -> memref<40x128xf32, #tpu.memory_space<hbm>>
        %dma_wait3A_261 = arith.constant 0 : i32
        %dma_wait3A_262 = tpu.memref_slice %arg6[%arg0, %multiple_of3A, %dma_wait3A_261] : memref<2x10000x128xf32, #tpu.memory_space<hbm>> -> memref<1x40x128xf32, #tpu.memory_space<hbm>>
        %dma_wait3A_263 = tpu.memref_squeeze %dma_wait3A_262 : memref<1x40x128xf32, #tpu.memory_space<hbm>> -> memref<40x128xf32, #tpu.memory_space<hbm>>
        tpu.wait_dma2 semaphore(%run_scoped3A : memref<!tpu.dma_semaphore, #tpu.memory_space<semaphore_mem>>) src(%arg11 : memref<40x128xf32, #tpu.memory_space<vmem>>) dst(%dma_wait3A_263 : memref<40x128xf32, #tpu.memory_space<hbm>>)
        tpu.yield
      }) : () -> ()
    } else {
    }
    %add3A_216 = arith.constant 176 : i32
    %add3A_217 = arith.addi %arg1, %add3A_216 : i32
    %lt3A_218 = arith.constant 250 : i32
    %lt3A_219 = arith.cmpi slt, %add3A_217, %lt3A_218 : i32
    %convert_element_type3A_220 = arith.extui %lt3A_219 : i1 to i32
    %cond3A_221 = arith.constant 0 : i32
    %cond3A_222 = arith.cmpi ne, %convert_element_type3A_220, %cond3A_221 : i32
    scf.if %cond3A_222 {
      %mul3A_251 = arith.constant 40 : i32
      %mul3A_252 = arith.muli %add3A_217, %mul3A_251 : i32
      %multiple_of3A = tpu.assume_multiple %mul3A_252, 8 : i32
      "tpu.region"() ({
        %run_scoped3A = tpu.sem_alloc : memref<!tpu.dma_semaphore, #tpu.memory_space<semaphore_mem>>
        %dma_start3A = arith.constant 0 : i32
        %dma_start3A_253 = tpu.memref_slice %arg13[%multiple_of3A, %dma_start3A] : memref<10000x128xf32, #tpu.memory_space<vmem_shared>> -> memref<40x128xf32, #tpu.memory_space<vmem_shared>>
        %dma_start3A_254 = arith.constant 0 : i32
        %dma_start3A_255 = tpu.memref_slice %arg13[%multiple_of3A, %dma_start3A_254] : memref<10000x128xf32, #tpu.memory_space<vmem_shared>> -> memref<40x128xf32, #tpu.memory_space<vmem_shared>>
        tpu.enqueue_dma source(%dma_start3A_255 : memref<40x128xf32, #tpu.memory_space<vmem_shared>>) target(%arg11 : memref<40x128xf32, #tpu.memory_space<vmem>>) target_semaphore(%run_scoped3A : memref<!tpu.dma_semaphore, #tpu.memory_space<semaphore_mem>>)
        %dma_wait3A_256 = arith.constant 0 : i32
        %dma_wait3A_257 = tpu.memref_slice %arg13[%multiple_of3A, %dma_wait3A_256] : memref<10000x128xf32, #tpu.memory_space<vmem_shared>> -> memref<40x128xf32, #tpu.memory_space<vmem_shared>>
        %dma_wait3A_258 = arith.constant 0 : i32
        %dma_wait3A_259 = tpu.memref_slice %arg13[%multiple_of3A, %dma_wait3A_258] : memref<10000x128xf32, #tpu.memory_space<vmem_shared>> -> memref<40x128xf32, #tpu.memory_space<vmem_shared>>
        tpu.wait_dma2 semaphore(%run_scoped3A : memref<!tpu.dma_semaphore, #tpu.memory_space<semaphore_mem>>) src(%dma_wait3A_259 : memref<40x128xf32, #tpu.memory_space<vmem_shared>>) dst(%arg11 : memref<40x128xf32, #tpu.memory_space<vmem>>)
        tpu.yield
      }) : () -> ()
      "tpu.region"() ({
        %run_scoped3A = tpu.sem_alloc : memref<!tpu.dma_semaphore, #tpu.memory_space<semaphore_mem>>
        %dma_start3A = arith.constant 0 : i32
        %dma_start3A_253 = tpu.memref_slice %arg6[%arg0, %multiple_of3A, %dma_start3A] : memref<2x10000x128xf32, #tpu.memory_space<hbm>> -> memref<1x40x128xf32, #tpu.memory_space<hbm>>
        %dma_start3A_254 = tpu.memref_squeeze %dma_start3A_253 : memref<1x40x128xf32, #tpu.memory_space<hbm>> -> memref<40x128xf32, #tpu.memory_space<hbm>>
        %dma_start3A_255 = arith.constant 0 : i32
        %dma_start3A_256 = tpu.memref_slice %arg6[%arg0, %multiple_of3A, %dma_start3A_255] : memref<2x10000x128xf32, #tpu.memory_space<hbm>> -> memref<1x40x128xf32, #tpu.memory_space<hbm>>
        %dma_start3A_257 = tpu.memref_squeeze %dma_start3A_256 : memref<1x40x128xf32, #tpu.memory_space<hbm>> -> memref<40x128xf32, #tpu.memory_space<hbm>>
        tpu.enqueue_dma source(%arg11 : memref<40x128xf32, #tpu.memory_space<vmem>>) target(%dma_start3A_257 : memref<40x128xf32, #tpu.memory_space<hbm>>) target_semaphore(%run_scoped3A : memref<!tpu.dma_semaphore, #tpu.memory_space<semaphore_mem>>)
        %dma_wait3A_258 = arith.constant 0 : i32
        %dma_wait3A_259 = tpu.memref_slice %arg6[%arg0, %multiple_of3A, %dma_wait3A_258] : memref<2x10000x128xf32, #tpu.memory_space<hbm>> -> memref<1x40x128xf32, #tpu.memory_space<hbm>>
        %dma_wait3A_260 = tpu.memref_squeeze %dma_wait3A_259 : memref<1x40x128xf32, #tpu.memory_space<hbm>> -> memref<40x128xf32, #tpu.memory_space<hbm>>
        %dma_wait3A_261 = arith.constant 0 : i32
        %dma_wait3A_262 = tpu.memref_slice %arg6[%arg0, %multiple_of3A, %dma_wait3A_261] : memref<2x10000x128xf32, #tpu.memory_space<hbm>> -> memref<1x40x128xf32, #tpu.memory_space<hbm>>
        %dma_wait3A_263 = tpu.memref_squeeze %dma_wait3A_262 : memref<1x40x128xf32, #tpu.memory_space<hbm>> -> memref<40x128xf32, #tpu.memory_space<hbm>>
        tpu.wait_dma2 semaphore(%run_scoped3A : memref<!tpu.dma_semaphore, #tpu.memory_space<semaphore_mem>>) src(%arg11 : memref<40x128xf32, #tpu.memory_space<vmem>>) dst(%dma_wait3A_263 : memref<40x128xf32, #tpu.memory_space<hbm>>)
        tpu.yield
      }) : () -> ()
    } else {
    }
    %add3A_223 = arith.constant 192 : i32
    %add3A_224 = arith.addi %arg1, %add3A_223 : i32
    %lt3A_225 = arith.constant 250 : i32
    %lt3A_226 = arith.cmpi slt, %add3A_224, %lt3A_225 : i32
    %convert_element_type3A_227 = arith.extui %lt3A_226 : i1 to i32
    %cond3A_228 = arith.constant 0 : i32
    %cond3A_229 = arith.cmpi ne, %convert_element_type3A_227, %cond3A_228 : i32
    scf.if %cond3A_229 {
      %mul3A_251 = arith.constant 40 : i32
      %mul3A_252 = arith.muli %add3A_224, %mul3A_251 : i32
      %multiple_of3A = tpu.assume_multiple %mul3A_252, 8 : i32
      "tpu.region"() ({
        %run_scoped3A = tpu.sem_alloc : memref<!tpu.dma_semaphore, #tpu.memory_space<semaphore_mem>>
        %dma_start3A = arith.constant 0 : i32
        %dma_start3A_253 = tpu.memref_slice %arg13[%multiple_of3A, %dma_start3A] : memref<10000x128xf32, #tpu.memory_space<vmem_shared>> -> memref<40x128xf32, #tpu.memory_space<vmem_shared>>
        %dma_start3A_254 = arith.constant 0 : i32
        %dma_start3A_255 = tpu.memref_slice %arg13[%multiple_of3A, %dma_start3A_254] : memref<10000x128xf32, #tpu.memory_space<vmem_shared>> -> memref<40x128xf32, #tpu.memory_space<vmem_shared>>
        tpu.enqueue_dma source(%dma_start3A_255 : memref<40x128xf32, #tpu.memory_space<vmem_shared>>) target(%arg11 : memref<40x128xf32, #tpu.memory_space<vmem>>) target_semaphore(%run_scoped3A : memref<!tpu.dma_semaphore, #tpu.memory_space<semaphore_mem>>)
        %dma_wait3A_256 = arith.constant 0 : i32
        %dma_wait3A_257 = tpu.memref_slice %arg13[%multiple_of3A, %dma_wait3A_256] : memref<10000x128xf32, #tpu.memory_space<vmem_shared>> -> memref<40x128xf32, #tpu.memory_space<vmem_shared>>
        %dma_wait3A_258 = arith.constant 0 : i32
        %dma_wait3A_259 = tpu.memref_slice %arg13[%multiple_of3A, %dma_wait3A_258] : memref<10000x128xf32, #tpu.memory_space<vmem_shared>> -> memref<40x128xf32, #tpu.memory_space<vmem_shared>>
        tpu.wait_dma2 semaphore(%run_scoped3A : memref<!tpu.dma_semaphore, #tpu.memory_space<semaphore_mem>>) src(%dma_wait3A_259 : memref<40x128xf32, #tpu.memory_space<vmem_shared>>) dst(%arg11 : memref<40x128xf32, #tpu.memory_space<vmem>>)
        tpu.yield
      }) : () -> ()
      "tpu.region"() ({
        %run_scoped3A = tpu.sem_alloc : memref<!tpu.dma_semaphore, #tpu.memory_space<semaphore_mem>>
        %dma_start3A = arith.constant 0 : i32
        %dma_start3A_253 = tpu.memref_slice %arg6[%arg0, %multiple_of3A, %dma_start3A] : memref<2x10000x128xf32, #tpu.memory_space<hbm>> -> memref<1x40x128xf32, #tpu.memory_space<hbm>>
        %dma_start3A_254 = tpu.memref_squeeze %dma_start3A_253 : memref<1x40x128xf32, #tpu.memory_space<hbm>> -> memref<40x128xf32, #tpu.memory_space<hbm>>
        %dma_start3A_255 = arith.constant 0 : i32
        %dma_start3A_256 = tpu.memref_slice %arg6[%arg0, %multiple_of3A, %dma_start3A_255] : memref<2x10000x128xf32, #tpu.memory_space<hbm>> -> memref<1x40x128xf32, #tpu.memory_space<hbm>>
        %dma_start3A_257 = tpu.memref_squeeze %dma_start3A_256 : memref<1x40x128xf32, #tpu.memory_space<hbm>> -> memref<40x128xf32, #tpu.memory_space<hbm>>
        tpu.enqueue_dma source(%arg11 : memref<40x128xf32, #tpu.memory_space<vmem>>) target(%dma_start3A_257 : memref<40x128xf32, #tpu.memory_space<hbm>>) target_semaphore(%run_scoped3A : memref<!tpu.dma_semaphore, #tpu.memory_space<semaphore_mem>>)
        %dma_wait3A_258 = arith.constant 0 : i32
        %dma_wait3A_259 = tpu.memref_slice %arg6[%arg0, %multiple_of3A, %dma_wait3A_258] : memref<2x10000x128xf32, #tpu.memory_space<hbm>> -> memref<1x40x128xf32, #tpu.memory_space<hbm>>
        %dma_wait3A_260 = tpu.memref_squeeze %dma_wait3A_259 : memref<1x40x128xf32, #tpu.memory_space<hbm>> -> memref<40x128xf32, #tpu.memory_space<hbm>>
        %dma_wait3A_261 = arith.constant 0 : i32
        %dma_wait3A_262 = tpu.memref_slice %arg6[%arg0, %multiple_of3A, %dma_wait3A_261] : memref<2x10000x128xf32, #tpu.memory_space<hbm>> -> memref<1x40x128xf32, #tpu.memory_space<hbm>>
        %dma_wait3A_263 = tpu.memref_squeeze %dma_wait3A_262 : memref<1x40x128xf32, #tpu.memory_space<hbm>> -> memref<40x128xf32, #tpu.memory_space<hbm>>
        tpu.wait_dma2 semaphore(%run_scoped3A : memref<!tpu.dma_semaphore, #tpu.memory_space<semaphore_mem>>) src(%arg11 : memref<40x128xf32, #tpu.memory_space<vmem>>) dst(%dma_wait3A_263 : memref<40x128xf32, #tpu.memory_space<hbm>>)
        tpu.yield
      }) : () -> ()
    } else {
    }
    %add3A_230 = arith.constant 208 : i32
    %add3A_231 = arith.addi %arg1, %add3A_230 : i32
    %lt3A_232 = arith.constant 250 : i32
    %lt3A_233 = arith.cmpi slt, %add3A_231, %lt3A_232 : i32
    %convert_element_type3A_234 = arith.extui %lt3A_233 : i1 to i32
    %cond3A_235 = arith.constant 0 : i32
    %cond3A_236 = arith.cmpi ne, %convert_element_type3A_234, %cond3A_235 : i32
    scf.if %cond3A_236 {
      %mul3A_251 = arith.constant 40 : i32
      %mul3A_252 = arith.muli %add3A_231, %mul3A_251 : i32
      %multiple_of3A = tpu.assume_multiple %mul3A_252, 8 : i32
      "tpu.region"() ({
        %run_scoped3A = tpu.sem_alloc : memref<!tpu.dma_semaphore, #tpu.memory_space<semaphore_mem>>
        %dma_start3A = arith.constant 0 : i32
        %dma_start3A_253 = tpu.memref_slice %arg13[%multiple_of3A, %dma_start3A] : memref<10000x128xf32, #tpu.memory_space<vmem_shared>> -> memref<40x128xf32, #tpu.memory_space<vmem_shared>>
        %dma_start3A_254 = arith.constant 0 : i32
        %dma_start3A_255 = tpu.memref_slice %arg13[%multiple_of3A, %dma_start3A_254] : memref<10000x128xf32, #tpu.memory_space<vmem_shared>> -> memref<40x128xf32, #tpu.memory_space<vmem_shared>>
        tpu.enqueue_dma source(%dma_start3A_255 : memref<40x128xf32, #tpu.memory_space<vmem_shared>>) target(%arg11 : memref<40x128xf32, #tpu.memory_space<vmem>>) target_semaphore(%run_scoped3A : memref<!tpu.dma_semaphore, #tpu.memory_space<semaphore_mem>>)
        %dma_wait3A_256 = arith.constant 0 : i32
        %dma_wait3A_257 = tpu.memref_slice %arg13[%multiple_of3A, %dma_wait3A_256] : memref<10000x128xf32, #tpu.memory_space<vmem_shared>> -> memref<40x128xf32, #tpu.memory_space<vmem_shared>>
        %dma_wait3A_258 = arith.constant 0 : i32
        %dma_wait3A_259 = tpu.memref_slice %arg13[%multiple_of3A, %dma_wait3A_258] : memref<10000x128xf32, #tpu.memory_space<vmem_shared>> -> memref<40x128xf32, #tpu.memory_space<vmem_shared>>
        tpu.wait_dma2 semaphore(%run_scoped3A : memref<!tpu.dma_semaphore, #tpu.memory_space<semaphore_mem>>) src(%dma_wait3A_259 : memref<40x128xf32, #tpu.memory_space<vmem_shared>>) dst(%arg11 : memref<40x128xf32, #tpu.memory_space<vmem>>)
        tpu.yield
      }) : () -> ()
      "tpu.region"() ({
        %run_scoped3A = tpu.sem_alloc : memref<!tpu.dma_semaphore, #tpu.memory_space<semaphore_mem>>
        %dma_start3A = arith.constant 0 : i32
        %dma_start3A_253 = tpu.memref_slice %arg6[%arg0, %multiple_of3A, %dma_start3A] : memref<2x10000x128xf32, #tpu.memory_space<hbm>> -> memref<1x40x128xf32, #tpu.memory_space<hbm>>
        %dma_start3A_254 = tpu.memref_squeeze %dma_start3A_253 : memref<1x40x128xf32, #tpu.memory_space<hbm>> -> memref<40x128xf32, #tpu.memory_space<hbm>>
        %dma_start3A_255 = arith.constant 0 : i32
        %dma_start3A_256 = tpu.memref_slice %arg6[%arg0, %multiple_of3A, %dma_start3A_255] : memref<2x10000x128xf32, #tpu.memory_space<hbm>> -> memref<1x40x128xf32, #tpu.memory_space<hbm>>
        %dma_start3A_257 = tpu.memref_squeeze %dma_start3A_256 : memref<1x40x128xf32, #tpu.memory_space<hbm>> -> memref<40x128xf32, #tpu.memory_space<hbm>>
        tpu.enqueue_dma source(%arg11 : memref<40x128xf32, #tpu.memory_space<vmem>>) target(%dma_start3A_257 : memref<40x128xf32, #tpu.memory_space<hbm>>) target_semaphore(%run_scoped3A : memref<!tpu.dma_semaphore, #tpu.memory_space<semaphore_mem>>)
        %dma_wait3A_258 = arith.constant 0 : i32
        %dma_wait3A_259 = tpu.memref_slice %arg6[%arg0, %multiple_of3A, %dma_wait3A_258] : memref<2x10000x128xf32, #tpu.memory_space<hbm>> -> memref<1x40x128xf32, #tpu.memory_space<hbm>>
        %dma_wait3A_260 = tpu.memref_squeeze %dma_wait3A_259 : memref<1x40x128xf32, #tpu.memory_space<hbm>> -> memref<40x128xf32, #tpu.memory_space<hbm>>
        %dma_wait3A_261 = arith.constant 0 : i32
        %dma_wait3A_262 = tpu.memref_slice %arg6[%arg0, %multiple_of3A, %dma_wait3A_261] : memref<2x10000x128xf32, #tpu.memory_space<hbm>> -> memref<1x40x128xf32, #tpu.memory_space<hbm>>
        %dma_wait3A_263 = tpu.memref_squeeze %dma_wait3A_262 : memref<1x40x128xf32, #tpu.memory_space<hbm>> -> memref<40x128xf32, #tpu.memory_space<hbm>>
        tpu.wait_dma2 semaphore(%run_scoped3A : memref<!tpu.dma_semaphore, #tpu.memory_space<semaphore_mem>>) src(%arg11 : memref<40x128xf32, #tpu.memory_space<vmem>>) dst(%dma_wait3A_263 : memref<40x128xf32, #tpu.memory_space<hbm>>)
        tpu.yield
      }) : () -> ()
    } else {
    }
    %add3A_237 = arith.constant 224 : i32
    %add3A_238 = arith.addi %arg1, %add3A_237 : i32
    %lt3A_239 = arith.constant 250 : i32
    %lt3A_240 = arith.cmpi slt, %add3A_238, %lt3A_239 : i32
    %convert_element_type3A_241 = arith.extui %lt3A_240 : i1 to i32
    %cond3A_242 = arith.constant 0 : i32
    %cond3A_243 = arith.cmpi ne, %convert_element_type3A_241, %cond3A_242 : i32
    scf.if %cond3A_243 {
      %mul3A_251 = arith.constant 40 : i32
      %mul3A_252 = arith.muli %add3A_238, %mul3A_251 : i32
      %multiple_of3A = tpu.assume_multiple %mul3A_252, 8 : i32
      "tpu.region"() ({
        %run_scoped3A = tpu.sem_alloc : memref<!tpu.dma_semaphore, #tpu.memory_space<semaphore_mem>>
        %dma_start3A = arith.constant 0 : i32
        %dma_start3A_253 = tpu.memref_slice %arg13[%multiple_of3A, %dma_start3A] : memref<10000x128xf32, #tpu.memory_space<vmem_shared>> -> memref<40x128xf32, #tpu.memory_space<vmem_shared>>
        %dma_start3A_254 = arith.constant 0 : i32
        %dma_start3A_255 = tpu.memref_slice %arg13[%multiple_of3A, %dma_start3A_254] : memref<10000x128xf32, #tpu.memory_space<vmem_shared>> -> memref<40x128xf32, #tpu.memory_space<vmem_shared>>
        tpu.enqueue_dma source(%dma_start3A_255 : memref<40x128xf32, #tpu.memory_space<vmem_shared>>) target(%arg11 : memref<40x128xf32, #tpu.memory_space<vmem>>) target_semaphore(%run_scoped3A : memref<!tpu.dma_semaphore, #tpu.memory_space<semaphore_mem>>)
        %dma_wait3A_256 = arith.constant 0 : i32
        %dma_wait3A_257 = tpu.memref_slice %arg13[%multiple_of3A, %dma_wait3A_256] : memref<10000x128xf32, #tpu.memory_space<vmem_shared>> -> memref<40x128xf32, #tpu.memory_space<vmem_shared>>
        %dma_wait3A_258 = arith.constant 0 : i32
        %dma_wait3A_259 = tpu.memref_slice %arg13[%multiple_of3A, %dma_wait3A_258] : memref<10000x128xf32, #tpu.memory_space<vmem_shared>> -> memref<40x128xf32, #tpu.memory_space<vmem_shared>>
        tpu.wait_dma2 semaphore(%run_scoped3A : memref<!tpu.dma_semaphore, #tpu.memory_space<semaphore_mem>>) src(%dma_wait3A_259 : memref<40x128xf32, #tpu.memory_space<vmem_shared>>) dst(%arg11 : memref<40x128xf32, #tpu.memory_space<vmem>>)
        tpu.yield
      }) : () -> ()
      "tpu.region"() ({
        %run_scoped3A = tpu.sem_alloc : memref<!tpu.dma_semaphore, #tpu.memory_space<semaphore_mem>>
        %dma_start3A = arith.constant 0 : i32
        %dma_start3A_253 = tpu.memref_slice %arg6[%arg0, %multiple_of3A, %dma_start3A] : memref<2x10000x128xf32, #tpu.memory_space<hbm>> -> memref<1x40x128xf32, #tpu.memory_space<hbm>>
        %dma_start3A_254 = tpu.memref_squeeze %dma_start3A_253 : memref<1x40x128xf32, #tpu.memory_space<hbm>> -> memref<40x128xf32, #tpu.memory_space<hbm>>
        %dma_start3A_255 = arith.constant 0 : i32
        %dma_start3A_256 = tpu.memref_slice %arg6[%arg0, %multiple_of3A, %dma_start3A_255] : memref<2x10000x128xf32, #tpu.memory_space<hbm>> -> memref<1x40x128xf32, #tpu.memory_space<hbm>>
        %dma_start3A_257 = tpu.memref_squeeze %dma_start3A_256 : memref<1x40x128xf32, #tpu.memory_space<hbm>> -> memref<40x128xf32, #tpu.memory_space<hbm>>
        tpu.enqueue_dma source(%arg11 : memref<40x128xf32, #tpu.memory_space<vmem>>) target(%dma_start3A_257 : memref<40x128xf32, #tpu.memory_space<hbm>>) target_semaphore(%run_scoped3A : memref<!tpu.dma_semaphore, #tpu.memory_space<semaphore_mem>>)
        %dma_wait3A_258 = arith.constant 0 : i32
        %dma_wait3A_259 = tpu.memref_slice %arg6[%arg0, %multiple_of3A, %dma_wait3A_258] : memref<2x10000x128xf32, #tpu.memory_space<hbm>> -> memref<1x40x128xf32, #tpu.memory_space<hbm>>
        %dma_wait3A_260 = tpu.memref_squeeze %dma_wait3A_259 : memref<1x40x128xf32, #tpu.memory_space<hbm>> -> memref<40x128xf32, #tpu.memory_space<hbm>>
        %dma_wait3A_261 = arith.constant 0 : i32
        %dma_wait3A_262 = tpu.memref_slice %arg6[%arg0, %multiple_of3A, %dma_wait3A_261] : memref<2x10000x128xf32, #tpu.memory_space<hbm>> -> memref<1x40x128xf32, #tpu.memory_space<hbm>>
        %dma_wait3A_263 = tpu.memref_squeeze %dma_wait3A_262 : memref<1x40x128xf32, #tpu.memory_space<hbm>> -> memref<40x128xf32, #tpu.memory_space<hbm>>
        tpu.wait_dma2 semaphore(%run_scoped3A : memref<!tpu.dma_semaphore, #tpu.memory_space<semaphore_mem>>) src(%arg11 : memref<40x128xf32, #tpu.memory_space<vmem>>) dst(%dma_wait3A_263 : memref<40x128xf32, #tpu.memory_space<hbm>>)
        tpu.yield
      }) : () -> ()
    } else {
    }
    %add3A_244 = arith.constant 240 : i32
    %add3A_245 = arith.addi %arg1, %add3A_244 : i32
    %lt3A_246 = arith.constant 250 : i32
    %lt3A_247 = arith.cmpi slt, %add3A_245, %lt3A_246 : i32
    %convert_element_type3A_248 = arith.extui %lt3A_247 : i1 to i32
    %cond3A_249 = arith.constant 0 : i32
    %cond3A_250 = arith.cmpi ne, %convert_element_type3A_248, %cond3A_249 : i32
    scf.if %cond3A_250 {
      %mul3A_251 = arith.constant 40 : i32
      %mul3A_252 = arith.muli %add3A_245, %mul3A_251 : i32
      %multiple_of3A = tpu.assume_multiple %mul3A_252, 8 : i32
      "tpu.region"() ({
        %run_scoped3A = tpu.sem_alloc : memref<!tpu.dma_semaphore, #tpu.memory_space<semaphore_mem>>
        %dma_start3A = arith.constant 0 : i32
        %dma_start3A_253 = tpu.memref_slice %arg13[%multiple_of3A, %dma_start3A] : memref<10000x128xf32, #tpu.memory_space<vmem_shared>> -> memref<40x128xf32, #tpu.memory_space<vmem_shared>>
        %dma_start3A_254 = arith.constant 0 : i32
        %dma_start3A_255 = tpu.memref_slice %arg13[%multiple_of3A, %dma_start3A_254] : memref<10000x128xf32, #tpu.memory_space<vmem_shared>> -> memref<40x128xf32, #tpu.memory_space<vmem_shared>>
        tpu.enqueue_dma source(%dma_start3A_255 : memref<40x128xf32, #tpu.memory_space<vmem_shared>>) target(%arg11 : memref<40x128xf32, #tpu.memory_space<vmem>>) target_semaphore(%run_scoped3A : memref<!tpu.dma_semaphore, #tpu.memory_space<semaphore_mem>>)
        %dma_wait3A_256 = arith.constant 0 : i32
        %dma_wait3A_257 = tpu.memref_slice %arg13[%multiple_of3A, %dma_wait3A_256] : memref<10000x128xf32, #tpu.memory_space<vmem_shared>> -> memref<40x128xf32, #tpu.memory_space<vmem_shared>>
        %dma_wait3A_258 = arith.constant 0 : i32
        %dma_wait3A_259 = tpu.memref_slice %arg13[%multiple_of3A, %dma_wait3A_258] : memref<10000x128xf32, #tpu.memory_space<vmem_shared>> -> memref<40x128xf32, #tpu.memory_space<vmem_shared>>
        tpu.wait_dma2 semaphore(%run_scoped3A : memref<!tpu.dma_semaphore, #tpu.memory_space<semaphore_mem>>) src(%dma_wait3A_259 : memref<40x128xf32, #tpu.memory_space<vmem_shared>>) dst(%arg11 : memref<40x128xf32, #tpu.memory_space<vmem>>)
        tpu.yield
      }) : () -> ()
      "tpu.region"() ({
        %run_scoped3A = tpu.sem_alloc : memref<!tpu.dma_semaphore, #tpu.memory_space<semaphore_mem>>
        %dma_start3A = arith.constant 0 : i32
        %dma_start3A_253 = tpu.memref_slice %arg6[%arg0, %multiple_of3A, %dma_start3A] : memref<2x10000x128xf32, #tpu.memory_space<hbm>> -> memref<1x40x128xf32, #tpu.memory_space<hbm>>
        %dma_start3A_254 = tpu.memref_squeeze %dma_start3A_253 : memref<1x40x128xf32, #tpu.memory_space<hbm>> -> memref<40x128xf32, #tpu.memory_space<hbm>>
        %dma_start3A_255 = arith.constant 0 : i32
        %dma_start3A_256 = tpu.memref_slice %arg6[%arg0, %multiple_of3A, %dma_start3A_255] : memref<2x10000x128xf32, #tpu.memory_space<hbm>> -> memref<1x40x128xf32, #tpu.memory_space<hbm>>
        %dma_start3A_257 = tpu.memref_squeeze %dma_start3A_256 : memref<1x40x128xf32, #tpu.memory_space<hbm>> -> memref<40x128xf32, #tpu.memory_space<hbm>>
        tpu.enqueue_dma source(%arg11 : memref<40x128xf32, #tpu.memory_space<vmem>>) target(%dma_start3A_257 : memref<40x128xf32, #tpu.memory_space<hbm>>) target_semaphore(%run_scoped3A : memref<!tpu.dma_semaphore, #tpu.memory_space<semaphore_mem>>)
        %dma_wait3A_258 = arith.constant 0 : i32
        %dma_wait3A_259 = tpu.memref_slice %arg6[%arg0, %multiple_of3A, %dma_wait3A_258] : memref<2x10000x128xf32, #tpu.memory_space<hbm>> -> memref<1x40x128xf32, #tpu.memory_space<hbm>>
        %dma_wait3A_260 = tpu.memref_squeeze %dma_wait3A_259 : memref<1x40x128xf32, #tpu.memory_space<hbm>> -> memref<40x128xf32, #tpu.memory_space<hbm>>
        %dma_wait3A_261 = arith.constant 0 : i32
        %dma_wait3A_262 = tpu.memref_slice %arg6[%arg0, %multiple_of3A, %dma_wait3A_261] : memref<2x10000x128xf32, #tpu.memory_space<hbm>> -> memref<1x40x128xf32, #tpu.memory_space<hbm>>
        %dma_wait3A_263 = tpu.memref_squeeze %dma_wait3A_262 : memref<1x40x128xf32, #tpu.memory_space<hbm>> -> memref<40x128xf32, #tpu.memory_space<hbm>>
        tpu.wait_dma2 semaphore(%run_scoped3A : memref<!tpu.dma_semaphore, #tpu.memory_space<semaphore_mem>>) src(%arg11 : memref<40x128xf32, #tpu.memory_space<vmem>>) dst(%dma_wait3A_263 : memref<40x128xf32, #tpu.memory_space<hbm>>)
        tpu.yield
      }) : () -> ()
    } else {
    }
    return
  }
}

module attributes {stable_mosaic.version = 14 : i64} {
  func.func @_node_proj_body(%arg0: i32, %arg1: memref<1000x128xf32, #tpu.memory_space<vmem>>, %arg2: memref<128x512xf32, #tpu.memory_space<vmem>>, %arg3: memref<1x512xf32, #tpu.memory_space<vmem>>, %arg4: memref<1000x128xf32, #tpu.memory_space<vmem>>, %arg5: memref<3x1000x128xf32, #tpu.memory_space<vmem>>) attributes {dimension_semantics = [#tpu.dimension_semantics<arbitrary>], iteration_bounds = array<i64: 10>, scalar_prefetch = 0 : i64, scratch_operands = 0 : i64, tpu.core_type = #tpu.core_type<tc>, window_params = [{transform_indices = @transform_0, window_bounds = array<i64: 1000, 128>}, {pipeline_mode = #tpu.pipeline_mode<synchronous>, transform_indices = @transform_1, window_bounds = array<i64: 128, 512>}, {pipeline_mode = #tpu.pipeline_mode<synchronous>, transform_indices = @transform_2, window_bounds = array<i64: 1, 512>}, {transform_indices = @transform_3, window_bounds = array<i64: 1000, 128>}, {transform_indices = @transform_4, window_bounds = array<i64: 3, 1000, 128>}]} {
    %get3A = arith.constant 0 : index
    %get3A_0 = arith.constant 0 : index
    %get3A_1 = vector.load %arg1[%get3A, %get3A_0] : memref<1000x128xf32, #tpu.memory_space<vmem>>, vector<1000x128xf32>
    %get3A_2 = arith.constant 0 : index
    %get3A_3 = arith.constant 0 : index
    %get3A_4 = vector.load %arg2[%get3A_2, %get3A_3] : memref<128x512xf32, #tpu.memory_space<vmem>>, vector<128x512xf32>
    %dot_general3A = arith.constant dense<0.000000e+00> : vector<1000x512xf32>
    %dot_general3A_5 = tpu.matmul %get3A_1, %get3A_4, %dot_general3A {dimension_numbers = #tpu.dot_dimension_numbers<[1], [0], [0], [1], [0, 0, 1, 1], [], []>, transpose_lhs_hint = false} : vector<1000x128xf32>, vector<128x512xf32>, vector<1000x512xf32> -> vector<1000x512xf32>
    %get3A_6 = arith.constant 0 : index
    %get3A_7 = arith.constant 0 : index
    %get3A_8 = vector.load %arg3[%get3A_6, %get3A_7] : memref<1x512xf32, #tpu.memory_space<vmem>>, vector<1x512xf32>
    %add3A = vector.broadcast %get3A_8 : vector<1x512xf32> to vector<1000x512xf32>
    %add3A_9 = arith.addf %dot_general3A_5, %add3A : vector<1000x512xf32>
    %slice3A = vector.extract_strided_slice %add3A_9 {offsets = [0, 0], sizes = [1000, 128], strides = [1, 1]} : vector<1000x512xf32> to vector<1000x128xf32>
    %swap3A = arith.constant 0 : index
    %swap3A_10 = arith.constant 0 : index
    %swap3A_11 = vector.load %arg4[%swap3A, %swap3A_10] : memref<1000x128xf32, #tpu.memory_space<vmem>>, vector<1000x128xf32>
    tpu.vector_store %arg4[%swap3A, %swap3A_10], %slice3A {strides = array<i32>} : memref<1000x128xf32, #tpu.memory_space<vmem>>, vector<1000x128xf32>,
    %slice3A_12 = vector.extract_strided_slice %add3A_9 {offsets = [0, 128], sizes = [1000, 128], strides = [1, 1]} : vector<1000x512xf32> to vector<1000x128xf32>
    %swap3A_13 = arith.constant 0 : index
    %swap3A_14 = arith.constant 0 : index
    %swap3A_15 = arith.constant 0 : index
    %swap3A_16 = vector.load %arg5[%swap3A_13, %swap3A_14, %swap3A_15] : memref<3x1000x128xf32, #tpu.memory_space<vmem>>, vector<1x1000x128xf32>
    %swap3A_17 = vector.shape_cast %swap3A_16 : vector<1x1000x128xf32> to vector<1000x128xf32>
    %swap3A_18 = vector.shape_cast %slice3A_12 : vector<1000x128xf32> to vector<1x1000x128xf32>
    tpu.vector_store %arg5[%swap3A_13, %swap3A_14, %swap3A_15], %swap3A_18 {strides = array<i32>} : memref<3x1000x128xf32, #tpu.memory_space<vmem>>, vector<1x1000x128xf32>,
    %slice3A_19 = vector.extract_strided_slice %add3A_9 {offsets = [0, 256], sizes = [1000, 128], strides = [1, 1]} : vector<1000x512xf32> to vector<1000x128xf32>
    %swap3A_20 = arith.constant 1 : index
    %swap3A_21 = arith.constant 0 : index
    %swap3A_22 = arith.constant 0 : index
    %swap3A_23 = vector.load %arg5[%swap3A_20, %swap3A_21, %swap3A_22] : memref<3x1000x128xf32, #tpu.memory_space<vmem>>, vector<1x1000x128xf32>
    %swap3A_24 = vector.shape_cast %swap3A_23 : vector<1x1000x128xf32> to vector<1000x128xf32>
    %swap3A_25 = vector.shape_cast %slice3A_19 : vector<1000x128xf32> to vector<1x1000x128xf32>
    tpu.vector_store %arg5[%swap3A_20, %swap3A_21, %swap3A_22], %swap3A_25 {strides = array<i32>} : memref<3x1000x128xf32, #tpu.memory_space<vmem>>, vector<1x1000x128xf32>,
    %slice3A_26 = vector.extract_strided_slice %add3A_9 {offsets = [0, 384], sizes = [1000, 128], strides = [1, 1]} : vector<1000x512xf32> to vector<1000x128xf32>
    %swap3A_27 = arith.constant 2 : index
    %swap3A_28 = arith.constant 0 : index
    %swap3A_29 = arith.constant 0 : index
    %swap3A_30 = vector.load %arg5[%swap3A_27, %swap3A_28, %swap3A_29] : memref<3x1000x128xf32, #tpu.memory_space<vmem>>, vector<1x1000x128xf32>
    %swap3A_31 = vector.shape_cast %swap3A_30 : vector<1x1000x128xf32> to vector<1000x128xf32>
    %swap3A_32 = vector.shape_cast %slice3A_26 : vector<1000x128xf32> to vector<1x1000x128xf32>
    tpu.vector_store %arg5[%swap3A_27, %swap3A_28, %swap3A_29], %swap3A_32 {strides = array<i32>} : memref<3x1000x128xf32, #tpu.memory_space<vmem>>, vector<1x1000x128xf32>,
    return
  }
  func.func @transform_0(%arg0: i32) -> (i32, i32) {
    %c0_i32 = arith.constant 0 : i32
    %c0_i32_0 = arith.constant 0 : i32
    return %arg0, %c0_i32 : i32, i32
  }
  func.func @transform_1(%arg0: i32) -> (i32, i32) {
    %c0_i32 = arith.constant 0 : i32
    %c0_i32_0 = arith.constant 0 : i32
    %c0_i32_1 = arith.constant 0 : i32
    return %c0_i32, %c0_i32_0 : i32, i32
  }
  func.func @transform_2(%arg0: i32) -> (i32, i32) {
    %c0_i32 = arith.constant 0 : i32
    %c0_i32_0 = arith.constant 0 : i32
    %c0_i32_1 = arith.constant 0 : i32
    return %c0_i32, %c0_i32_0 : i32, i32
  }
  func.func @transform_3(%arg0: i32) -> (i32, i32) {
    %c0_i32 = arith.constant 0 : i32
    %c0_i32_0 = arith.constant 0 : i32
    return %arg0, %c0_i32 : i32, i32
  }
  func.func @transform_4(%arg0: i32) -> (i32, i32, i32) {
    %c0_i32 = arith.constant 0 : i32
    %c0_i32_0 = arith.constant 0 : i32
    %c0_i32_1 = arith.constant 0 : i32
    return %c0_i32, %arg0, %c0_i32_0 : i32, i32, i32
  }
}

module attributes {stable_mosaic.version = 14 : i64} {
  func.func @_edge_proj_body(%arg0: i32, %arg1: memref<8000x16xf32, #tpu.memory_space<vmem>>, %arg2: memref<16x128xf32, #tpu.memory_space<vmem>>, %arg3: memref<1x128xf32, #tpu.memory_space<vmem>>, %arg4: memref<8000x128xf32, #tpu.memory_space<vmem>>) attributes {dimension_semantics = [#tpu.dimension_semantics<arbitrary>], iteration_bounds = array<i64: 40>, scalar_prefetch = 0 : i64, scratch_operands = 0 : i64, tpu.core_type = #tpu.core_type<tc>, window_params = [{transform_indices = @transform_0, window_bounds = array<i64: 8000, 16>}, {pipeline_mode = #tpu.pipeline_mode<synchronous>, transform_indices = @transform_1, window_bounds = array<i64: 16, 128>}, {pipeline_mode = #tpu.pipeline_mode<synchronous>, transform_indices = @transform_2, window_bounds = array<i64: 1, 128>}, {transform_indices = @transform_3, window_bounds = array<i64: 8000, 128>}]} {
    %get3A = arith.constant 0 : index
    %get3A_0 = arith.constant 0 : index
    %get3A_1 = vector.load %arg1[%get3A, %get3A_0] : memref<8000x16xf32, #tpu.memory_space<vmem>>, vector<8000x16xf32>
    %get3A_2 = arith.constant 0 : index
    %get3A_3 = arith.constant 0 : index
    %get3A_4 = vector.load %arg2[%get3A_2, %get3A_3] : memref<16x128xf32, #tpu.memory_space<vmem>>, vector<16x128xf32>
    %dot_general3A = arith.constant dense<0.000000e+00> : vector<8000x128xf32>
    %dot_general3A_5 = tpu.matmul %get3A_1, %get3A_4, %dot_general3A {dimension_numbers = #tpu.dot_dimension_numbers<[1], [0], [0], [1], [0, 0, 1, 1], [], []>, transpose_lhs_hint = false} : vector<8000x16xf32>, vector<16x128xf32>, vector<8000x128xf32> -> vector<8000x128xf32>
    %get3A_6 = arith.constant 0 : index
    %get3A_7 = arith.constant 0 : index
    %get3A_8 = vector.load %arg3[%get3A_6, %get3A_7] : memref<1x128xf32, #tpu.memory_space<vmem>>, vector<1x128xf32>
    %add3A = vector.broadcast %get3A_8 : vector<1x128xf32> to vector<8000x128xf32>
    %add3A_9 = arith.addf %dot_general3A_5, %add3A : vector<8000x128xf32>
    %swap3A = arith.constant 0 : index
    %swap3A_10 = arith.constant 0 : index
    %swap3A_11 = vector.load %arg4[%swap3A, %swap3A_10] : memref<8000x128xf32, #tpu.memory_space<vmem>>, vector<8000x128xf32>
    tpu.vector_store %arg4[%swap3A, %swap3A_10], %add3A_9 {strides = array<i32>} : memref<8000x128xf32, #tpu.memory_space<vmem>>, vector<8000x128xf32>,
    return
  }
  func.func @transform_0(%arg0: i32) -> (i32, i32) {
    %c0_i32 = arith.constant 0 : i32
    %c0_i32_0 = arith.constant 0 : i32
    return %arg0, %c0_i32 : i32, i32
  }
  func.func @transform_1(%arg0: i32) -> (i32, i32) {
    %c0_i32 = arith.constant 0 : i32
    %c0_i32_0 = arith.constant 0 : i32
    %c0_i32_1 = arith.constant 0 : i32
    return %c0_i32, %c0_i32_0 : i32, i32
  }
  func.func @transform_2(%arg0: i32) -> (i32, i32) {
    %c0_i32 = arith.constant 0 : i32
    %c0_i32_0 = arith.constant 0 : i32
    %c0_i32_1 = arith.constant 0 : i32
    return %c0_i32, %c0_i32_0 : i32, i32
  }
  func.func @transform_3(%arg0: i32) -> (i32, i32) {
    %c0_i32 = arith.constant 0 : i32
    %c0_i32_0 = arith.constant 0 : i32
    return %arg0, %c0_i32 : i32, i32
  }
}

module attributes {stable_mosaic.version = 14 : i64} {
  func.func @_combine_body(%arg0: i32, %arg1: memref<1000x128xf32, #tpu.memory_space<vmem>>, %arg2: memref<2x1000x128xf32, #tpu.memory_space<vmem>>, %arg3: memref<1000x128xf32, #tpu.memory_space<vmem>>) attributes {dimension_semantics = [#tpu.dimension_semantics<arbitrary>], iteration_bounds = array<i64: 10>, scalar_prefetch = 0 : i64, scratch_operands = 0 : i64, tpu.core_type = #tpu.core_type<tc>, window_params = [{transform_indices = @transform_0, window_bounds = array<i64: 1000, 128>}, {transform_indices = @transform_1, window_bounds = array<i64: 2, 1000, 128>}, {transform_indices = @transform_2, window_bounds = array<i64: 1000, 128>}]} {
    %get3A = arith.constant 0 : index
    %get3A_0 = arith.constant 0 : index
    %get3A_1 = vector.load %arg1[%get3A, %get3A_0] : memref<1000x128xf32, #tpu.memory_space<vmem>>, vector<1000x128xf32>
    %get3A_2 = arith.constant 0 : index
    %get3A_3 = arith.constant 0 : index
    %get3A_4 = arith.constant 0 : index
    %get3A_5 = vector.load %arg2[%get3A_2, %get3A_3, %get3A_4] : memref<2x1000x128xf32, #tpu.memory_space<vmem>>, vector<1x1000x128xf32>
    %get3A_6 = vector.shape_cast %get3A_5 : vector<1x1000x128xf32> to vector<1000x128xf32>
    %add3A = arith.addf %get3A_1, %get3A_6 : vector<1000x128xf32>
    %get3A_7 = arith.constant 1 : index
    %get3A_8 = arith.constant 0 : index
    %get3A_9 = arith.constant 0 : index
    %get3A_10 = vector.load %arg2[%get3A_7, %get3A_8, %get3A_9] : memref<2x1000x128xf32, #tpu.memory_space<vmem>>, vector<1x1000x128xf32>
    %get3A_11 = vector.shape_cast %get3A_10 : vector<1x1000x128xf32> to vector<1000x128xf32>
    %add3A_12 = arith.addf %add3A, %get3A_11 : vector<1000x128xf32>
    %swap3A = arith.constant 0 : index
    %swap3A_13 = arith.constant 0 : index
    %swap3A_14 = vector.load %arg3[%swap3A, %swap3A_13] : memref<1000x128xf32, #tpu.memory_space<vmem>>, vector<1000x128xf32>
    tpu.vector_store %arg3[%swap3A, %swap3A_13], %add3A_12 {strides = array<i32>} : memref<1000x128xf32, #tpu.memory_space<vmem>>, vector<1000x128xf32>,
    return
  }
  func.func @transform_0(%arg0: i32) -> (i32, i32) {
    %c0_i32 = arith.constant 0 : i32
    %c0_i32_0 = arith.constant 0 : i32
    return %arg0, %c0_i32 : i32, i32
  }
  func.func @transform_1(%arg0: i32) -> (i32, i32, i32) {
    %c0_i32 = arith.constant 0 : i32
    %c0_i32_0 = arith.constant 0 : i32
    %c0_i32_1 = arith.constant 0 : i32
    return %c0_i32, %arg0, %c0_i32_0 : i32, i32, i32
  }
  func.func @transform_2(%arg0: i32) -> (i32, i32) {
    %c0_i32 = arith.constant 0 : i32
    %c0_i32_0 = arith.constant 0 : i32
    return %arg0, %c0_i32 : i32, i32
  }
}

</mosaic_0001>

<sc_bundles>
// kernel: kernel.6.cloned.1.call-start
scs
__scs_entry_jumppad:
0x0: {  	(pc) =	sbr.rel $0x88, $3  }
0x1: {  	(tag) =	ssettag $0x0;
	lr =	simm.s32 $0x1  }
0x2: {  	[smem:$0x3F99] =	sst lr;
	_ =	strace $0xD0000000  }
0x3: {  	_ = 	snop  }
0x4: {  	_ = 	snop  }
0x5: {  	_ = 	snop  }
0x6: {  	_ = 	snop  }
0x7: {  	_ = 	snop  }
__scs_overlays_trampoline_lowered:
0x8: {  	[smem:$0x3FA8] =	sst s0  }
0x9: {  	[smem:$0x3FA9] =	sst s1  }
0xa: {  	[smem:$0x3FAA] =	sst s2  }
0xb: {  	[smem:$0x3FAB] =	sst s3  }
0xc: {  	[smem:$0x3FAC] =	sst s4  }
0xd: {  	[smem:$0x3FAD] =	sst s5  }
0xe: {  	[smem:$0x3FAE] =	sst s6  }
0xf: {  	[smem:$0x3FAF] =	sst s7  }
0x10: {  	[smem:$0x3FB0] =	sst s8  }
0x11: {  	[smem:$0x3FB1] =	sst s9;
	s0 =	simm.s32 @!p0 $0x0  }
0x12: {  	s1 =	sld [smem:$0x3F97];
	s0 =	simm.s32 @p0 $0x1  }
0x13: {  	[smem:$0x3FB2] =	sst s0;
	s0 =	simm.s32 @!p1 $0x0  }
0x14: {  	s2 =	sld [smem:$0x3F96];
	s0 =	simm.s32 @p1 $0x1  }
0x15: {  	[smem:$0x3FB3] =	sst s0;
	s0 =	simm.s32 @!p2 $0x0  }
0x16: {  	s3 =	sld [smem:$0x3FDB];
	s0 =	simm.s32 @p2 $0x1  }
0x17: {  	s4 =	simm.s32 $0x1BF5;
	[smem:$0x3FB5] =	sst s0  }
0x18: {  	s0 =	sld [smem:$0x3F98];
	_ =	swait.ge [sflag:s4], $0x0  }
0x19: {  	s7 =	sld [smem:$0x3F99]  }
0x1a: {  	s8 =	sadd.s32 $0xFFFFE003, lr  }
0x1b: {  	s9 =	sadd.s32 $0xFFFFFEF7, lr;
	s5 =	simm.s32 $0xFFFFFFFF;
	p2 =	slt.u32 s8, $0xFFFFF086  }
0x1c: {  	p1 =	slt.u32 s9, $0xF7A;
	s5 =	simm.s32 @!p2 $0x0  }
0x1d: {  	s5 =	simm.s32 @p1 $0x1;
	p0 =	seq.s32 s7, s2  }
0x1e: {  	s7 =	smul.u32 @!p0 $0xF7A, s2;
	p2 =	seq.s32 @!p0 s5, $0x0  }
0x1f: {  	s9 =	smul.u32 $0xF7A, s1;
	s8 =	simm.s32 @!p0 $0x1BF5;
	p2 =	por !p2, p0  }
0x20: {  	[sflag:s8] =	ssyncset.s32 @!p0 $0xFFFFF086;
	s6 =	sadd.s32 @!p0 s3, s7;
	s7 =	simm.s32 @!p0 $0x108  }
0x21: {  	s3 =	sadd.s32 s3, s9;
	s6 =	sadd.s32 @!p0 $0x88, s6;
	s7 =	simm.s32 @p2 $0x1082  }
0x22: {  	[simem:s7], [sflag:s8] =	dma.local @!p0 [hbm:s6], $0xF7A  }
0x23: {  	s9 =	sor.u32 $0xD0000000, s2;
	s6 =	simm.s32 $0x108;
	_ =	swait.ge @!p0 [sflag:s8], $0x0  }
0x24: {  	s3 =	sadd.s32 $0x88, s3;
	s6 =	simm.s32 @!p1 $0x1082;
	[sflag:s4] =	ssyncset.s32 $0xFFFFF086  }
0x25: {  	[simem:s6], [sflag:s4] =	dma.local [hbm:s3], $0xF7A  }
0x26: {  	[smem:$0x3F99] =	sst s1;
	(tag) =	ssettag s2;
	_ =	strace s9  }
0x27: {  	s1 =	sld [smem:$0x3FA9]  }
0x28: {  	s2 =	sld [smem:$0x3FAA]  }
0x29: {  	s4 =	sld [smem:$0x3FAC]  }
0x2a: {  	p0 =	seq.s32 s5, $0x0;
	s5 =	sld [smem:$0x3FAD]  }
0x2b: {  	s6 =	sld [smem:$0x3FAE]  }
0x2c: {  	s7 =	sld [smem:$0x3FAF]  }
0x2d: {  	s3 =	simm.s32 $0x108;
	s8 =	sld [smem:$0x3FB0]  }
0x2e: {  	s3 =	simm.s32 @!p0 $0x1082;
	s9 =	sld [smem:$0x3FB1]  }
0x2f: {  	lr =	sadd.s32 s0, s3;
	s0 =	sld [smem:$0x3FA8]  }
0x30: {  	s3 =	sld [smem:$0x3FAB]  }
0x31: {  	[smem:$0x3FB4] =	sst s10  }
0x32: {  	s10 =	sld [smem:$0x3FB2];
	_ =	sdelay $0x3  }
0x33: {  	p0 =	seq.s32 s10, $0x1;
	s10 =	sld [smem:$0x3FB4];
	_ =	sdelay $0x3  }
0x34: {  	[smem:$0x3FB4] =	sst s10  }
0x35: {  	s10 =	sld [smem:$0x3FB3];
	_ =	sdelay $0x3  }
0x36: {  	p1 =	seq.s32 s10, $0x1;
	s10 =	sld [smem:$0x3FB4];
	_ =	sdelay $0x3  }
0x37: {  	[smem:$0x3FB4] =	sst s10  }
0x38: {  	s10 =	sld [smem:$0x3FB5]  }
0x39: {  	_ = 	snop;
	(pc) =	sbr.ind lr, $3  }
0x3a: {  	_ = 	snop  }
0x3b: {  	_ = 	snop  }
0x3c: {  	p2 =	seq.s32 s10, $0x1;
	s10 =	sld [smem:$0x3FB4]  }
0x3d: {  	_ =	shalt  }
0x3e: {  	_ =	shalt  }
0x3f: {  	_ =	shalt  }
0x40: {  	_ =	shalt  }
0x41: {  	_ =	shalt  }
0x42: {  	_ =	shalt  }
0x43: {  	_ =	shalt  }
0x44: {  	_ =	shalt  }
0x45: {  	_ =	shalt  }
0x46: {  	_ =	shalt  }
0x47: {  	_ =	shalt  }
0x48: {  	_ =	shalt  }
0x49: {  	_ =	shalt  }
0x4a: {  	_ =	shalt  }
0x4b: {  	_ =	shalt  }
0x4c: {  	_ =	shalt  }
0x4d: {  	_ =	shalt  }
0x4e: {  	_ =	shalt  }
0x4f: {  	_ =	shalt  }
0x50: {  	_ =	shalt  }
0x51: {  	_ =	shalt  }
0x52: {  	_ =	shalt  }
0x53: {  	_ =	shalt  }
0x54: {  	_ =	shalt  }
0x55: {  	_ =	shalt  }
0x56: {  	_ =	shalt  }
0x57: {  	_ =	shalt  }
0x58: {  	_ =	shalt  }
0x59: {  	_ =	shalt  }
0x5a: {  	_ =	shalt  }
0x5b: {  	_ =	shalt  }
0x5c: {  	_ =	shalt  }
0x5d: {  	_ =	shalt  }
0x5e: {  	_ =	shalt  }
0x5f: {  	_ =	shalt  }
0x60: {  	_ =	shalt  }
0x61: {  	_ =	shalt  }
0x62: {  	_ =	shalt  }
0x63: {  	_ =	shalt  }
0x64: {  	_ =	shalt  }
0x65: {  	_ =	shalt  }
0x66: {  	_ =	shalt  }
0x67: {  	_ =	shalt  }
0x68: {  	_ =	shalt  }
0x69: {  	_ =	shalt  }
0x6a: {  	_ =	shalt  }
0x6b: {  	_ =	shalt  }
0x6c: {  	_ =	shalt  }
0x6d: {  	_ =	shalt  }
0x6e: {  	_ =	shalt  }
0x6f: {  	_ =	shalt  }
0x70: {  	_ =	shalt  }
0x71: {  	_ =	shalt  }
0x72: {  	_ =	shalt  }
0x73: {  	_ =	shalt  }
0x74: {  	_ =	shalt  }
0x75: {  	_ =	shalt  }
0x76: {  	_ =	shalt  }
0x77: {  	_ =	shalt  }
0x78: {  	_ =	shalt  }
0x79: {  	_ =	shalt  }
0x7a: {  	_ =	shalt  }
0x7b: {  	_ =	shalt  }
0x7c: {  	_ =	shalt  }
0x7d: {  	_ =	shalt  }
0x7e: {  	_ =	shalt  }
0x7f: {  	_ =	shalt  }
0x80: {  	_ =	shalt  }
0x81: {  	_ =	shalt  }
0x82: {  	_ =	shalt  }
0x83: {  	_ =	shalt  }
0x84: {  	_ =	shalt  }
0x85: {  	_ =	shalt  }
0x86: {  	_ =	shalt  }
0x87: {  	_ =	shalt  }
.Lfunc_end0:
.L_simem_size_0:
called_computation_lowered:
.L_overlay_start_0:
0x88: {  	s2 =	sld [smem:$0x3FD9]  }
0x89: {  	s3 =	sld [smem:$0x3FFE];
	_ =	sdelay $0x1  }
0x8a: {  	s1 =	srdreg.scid  }
0x8b: {  	s0 =	sand.u32 $0x1, s1  }
0x8c: {  	s16 =	sshll.u32 s0, $0xA;
	s2 =	sadd.s32 s3, s2  }
0x8d: {  	s2 =	sadd.s32 s2, s16  }
0x8e: {  	[smem:$0x3FC0] =	sst s2  }
0x8f: {  	_ = 	snop  }
0x90: {  	(tm) =	ssettm $0x1  }
0x91: {  	s17 =	sld [smem:$0x3FFB];
	_ =	sdelay $0x3  }
0x92: {  	_ =	strace s17  }
0x93: {  	s2 =	sld [smem:$0x3FFC];
	_ =	sdelay $0x3  }
0x94: {  	_ =	strace s2  }
0x95: {  	s2 =	sld [smem:$0x3FFD];
	_ =	sdelay $0x3  }
0x96: {  	_ =	strace s2  }
0x97: {  	_ =	strace $0x8FFFFFFF  }
0x98: {  	s18 =	sld [smem:$0x3FDB];
	_ =	sdelay $0x1  }
0x99: {  	s19 =	simm.s32 $_scs_section_size  }
0x9a: {  	s4 =	simm.s32 $_size__tile_overlayer_lowered;
	s5 =	simm.s32 $_tile_overlayer_lowered  }
0x9b: {  	s22 =	simm.s32 $0x1BFF;
	s21 =	sshll.u32 s5, $0x1;
	s2 =	sadd.s32 s19, s18  }
0x9c: {  	s6 =	simm.s32 $0x0;
	s20 =	sshll.u32 s4, $0x1;
	s4 =	sadd.s32 s21, s2  }
0x9d: {  	[timem:s6], [sflag:s22] =	dma.local [hbm:s4], s20  }
0x9e: {  	_ =	swait.ge [sflag:s22], s20  }
0x9f: {  	s3 =	ssub.s32 $0x0, s20;
	[sflag:s22] =	ssyncset.done $0x0  }
0xa0: {  	[sflag:s22] =	ssyncadd.s32 s3;
	_ =	sdelay $0x1  }
0xa1: {  	s23 =	simm.s32 $0x1B8B  }
0xa2: {  	_ =	swait.ge [sflag:s23], $0x1  }
0xa3: {  	[sflag:s23] =	ssyncset.done $0x0  }
0xa4: {  	s25 =	simm.s32 $0x1B8E;
	s24 =	sld [smem:$0x3FFE];
	[sflag:s23] =	ssyncadd.s32 $0xFFFFFFFF  }
0xa5: {  	s26 =	simm.s32 $execute0_lowered;
	[smem:$0x3FD2] =	sst s25  }
0xa6: {  	s4 =	sshll.u32 s26, $0x1;
	_ =	strace $0x80000046;
	[dreg:$0x1] =	wrdreg $0xFFFFFFFF  }
0xa7: {  	s28 =	simm.s32 $_size_execute0_lowered;
	s2 =	sadd.s32 s2, s4;
	[dreg:$0x0] =	wrdreg $0x0  }
0xa8: {  	s4 =	sshll.u32 s28, $0x1;
	[dreg:$0x2] =	wrdreg s2  }
0xa9: {  	[dreg:$0x3] =	wrdreg s4  }
0xaa: {  	[dreg:$0x4] =	wrdreg $0xC0  }
0xab: {  	_ =	task [dreg:s6], $0x5FFFF  }
0xac: {  	[dreg:$0x1] =	wrdreg $0xFFFFFFFF  }
0xad: {  	[dreg:$0x0] =	wrdreg $0x60  }
0xae: {  	[dreg:$0x2] =	wrdreg s24  }
0xaf: {  	[dreg:$0x3] =	wrdreg $0xB0000  }
0xb0: {  	[dreg:$0x4] =	wrdreg $0x9  }
0xb1: {  	_ =	task.clear_ibuf [dreg:s6], $0x5FFFF;
	_ =	strace $0x90000046  }
0xb2: {  	s29 =	simm.s32 $0x9;
	_ =	strace $0x80000048  }
0xb3: {  	_ =	swait.ge [sflag:s29], $0x1  }
0xb4: {  	[sflag:s29] =	ssyncadd.s32 $0xFFFFFFFF  }
0xb5: {  	_ =	strace $0x90000048  }
0xb6: {  	_ =	sfence  }
0xb7: {  	s30 =	sld [smem:$0x0];
	_ =	sdelay $0x2  }
0xb8: {  	s31 =	sshll.u32 s1, $0xD;
	s1 =	sshrl.u32 s1, $0x2  }
0xb9: {  	s3 =	sand.u32 $0x4000, s31;
	s1 =	sadd.s32 s1, s30  }
0xba: {  	s0 =	sor.u32 s3, s0;
	s1 =	sshll.u32 s1, $0x11  }
0xbb: {  	s0 =	sor.u32 s1, s0  }
0xbc: {  	s0 =	sadd.s32 $0x8F2B, s0  }
0xbd: {  	[sflag:s0] =	ssyncadd.remote.s32 $0x1  }
0xbe: {  	_ =	sfence.sel $0xFFFF  }
0xbf: {  	[dreg:$0x0] =	wrdreg $0xFFFFFFFF;
	(pc) =	sbr.abs _section_cstart, $3  }
0xc0: {  	[dreg:$0x1] =	wrdreg $0xFFFFFFFF  }
0xc1: {  	_ =	task.clear_ibuf [dreg:s6], $0x2FFFF;
	_ =	strace $0x9FFFFFFF  }
0xc2: {  	(tm) =	ssettm $0x7FFFFFFF  }
0xc3: {  	_ =	shalt  }
tec
execute0_lowered:
.L_overlay_start_1:
0x0: {  	(tag) =	ssettag $0x1  }
0x1: {  	s1 =	simm.s32 $0x0;
	s0 =	srdreg.scid  }
0x2: {  	s9 =	stileid.u32;
	[smem:$0x7FF] =	sst s1  }
0x3: {  	s7 =	sand.u32 $0x1, s0;
	s19 =	sor.u32 $0x10, s9;
	s3 =	smul.u32 $0x1400, s9  }
0x4: {  	s13 =	sor.u32 $0x20, s9;
	s12 =	sor.u32 $0x30, s9;
	s18 =	smul.u32 $0x138800, s7  }
0x5: {  	s11 =	sor.u32 $0x40, s9;
	s10 =	sor.u32 $0x50, s9;
	s14 =	smul.u32 $0x1400, s19  }
0x6: {  	s8 =	sor.u32 $0x60, s9;
	s6 =	sor.u32 $0x70, s9;
	s15 =	smul.u32 $0x1400, s13  }
0x7: {  	s5 =	sor.u32 $0x80, s9;
	s4 =	sor.u32 $0x90, s9;
	s16 =	smul.u32 $0x1400, s12  }
0x8: {  	p0 =	sgt.u32 s9, $0x9;
	[smem:$0x7F4] =	sst s8;
	s17 =	smul.u32 $0x1400, s11  }
0x9: {  	s0 =	ssub.s32 $0x2, s7;
	[smem:$0x7F5] =	sst s6;
	s20 =	smul.u32 $0x1400, s10  }
0xa: {  	[smem:$0x7F6] =	sst s5;
	s8 =	smul.u32 $0x1400, s8;
	s2 =	sshrl.u32 s0, $0x1  }
0xb: {  	[smem:$0x7F7] =	sst s4;
	s11 =	smul.u32 $0x5000, s11;
	s0 =	ssub.s32 s0, s2  }
0xc: {  	s2 =	sor.u32 $0xA0, s9;
	s21 =	sadd.s32 s3, s18;
	s22 =	sadd.s32 s18, s14  }
0xd: {  	s23 =	sadd.s32 s18, s15;
	s15 =	smul.u32 $0x1400, s6;
	s24 =	sadd.s32 s18, s16  }
0xe: {  	s25 =	sadd.s32 s18, s17;
	s6 =	smul.u32 $0x1400, s5;
	s3 =	rddreg [dreg:$0x1]  }
0xf: {  	s20 =	sadd.s32 s18, s20;
	s26 =	sadd.s32 s18, s8;
	[smem:$0x7FB] =	sst s0  }
0x10: {  	s8 =	smul.u32 $0x1400, s4;
	s14 =	sor.u32 $0xC0, s9;
	[smem:$0x7F8] =	sst s2  }
0x11: {  	s0 =	sor.u32 $0xB0, s9;
	s16 =	smul.u32 $0x1400, s2;
	s23 =	sshrl.u32 s23, $0x3  }
0x12: {  	[smem:$0x7F9] =	sst s0;
	s28 =	sadd.s32 s18, s15;
	s17 =	smul.u32 $0x1400, s0  }
0x13: {  	s30 =	sadd.s32 s18, s8;
	s15 =	sor.u32 $0xD0, s9;
	s0 =	smul.u32 $0x1400, s14  }
0x14: {  	s31 =	sadd.s32 s18, s16;
	s16 =	sor.u32 $0xE0, s9;
	s5 =	smul.u32 $0x1400, s15  }
0x15: {  	s8 =	sadd.s32 s18, s17;
	s17 =	sor.u32 $0xF0, s9;
	s2 =	smul.u32 $0x1400, s16  }
0x16: {  	s24 =	sshrl.u32 s24, $0x3;
	s4 =	sadd.s32 s18, s0;
	s0 =	smul.u32 $0x1400, s17  }
0x17: {  	s29 =	sadd.s32 s18, s6;
	s6 =	rddreg [dreg:$0x0];
	s5 =	sadd.s32 s18, s5  }
0x18: {  	s2 =	sadd.s32 s18, s2;
	s0 =	sadd.s32 s18, s0;
	s18 =	smul.u32 $0x5000, s19  }
0x19: {  	s19 =	sshrl.u32 s21, $0x3;
	s21 =	sshrl.u32 s22, $0x3;
	s22 =	sadd.s32 $0x34200, s6  }
0x1a: {  	s25 =	sshrl.u32 s25, $0x3;
	_ =	strace $0x80000047;
	s19 =	sadd.s32 s22, s19  }
0x1b: {  	s8 =	sshrl.u32 s8, $0x3;
	s21 =	sadd.s32 s22, s21;
	[dreg:$0x3] =	wrdreg s19  }
0x1c: {  	s4 =	sshrl.u32 s4, $0x3;
	s8 =	sadd.s32 s22, s8;
	[dreg:$0x4] =	wrdreg s21  }
0x1d: {  	s2 =	sshrl.u32 s2, $0x3;
	s4 =	sadd.s32 s22, s4;
	[dreg:$0xe] =	wrdreg s8  }
0x1e: {  	s17 =	smul.u32 $0x5000, s17;
	s2 =	sadd.s32 s22, s2;
	[dreg:$0xf] =	wrdreg s4  }
0x1f: {  	s5 =	sshrl.u32 s5, $0x3;
	s19 =	sadd.s32 s22, s23;
	[dreg:$0x11] =	wrdreg s2  }
0x20: {  	s0 =	sshrl.u32 s0, $0x3;
	s23 =	sadd.s32 s22, s25;
	[dreg:$0x5] =	wrdreg s19  }
0x21: {  	s25 =	sshrl.u32 s26, $0x3;
	s0 =	sadd.s32 s22, s0;
	[dreg:$0x7] =	wrdreg s23  }
0x22: {  	s26 =	sshrl.u32 s28, $0x3;
	s19 =	sadd.s32 s22, s24;
	[dreg:$0x12] =	wrdreg s0  }
0x23: {  	s24 =	sshrl.u32 s20, $0x3;
	s20 =	sadd.s32 s22, s26;
	[dreg:$0x6] =	wrdreg s19  }
0x24: {  	s21 =	sshrl.u32 s29, $0x3;
	s26 =	sadd.s32 s22, s5;
	[dreg:$0xa] =	wrdreg s20  }
0x25: {  	s4 =	smul.u32 $0x5000, s9;
	s28 =	simm.s32 $0x3;
	[dreg:$0x10] =	wrdreg s26  }
0x26: {  	s29 =	simm.s32 $0x0;
	s23 =	sshrl.u32 s30, $0x3;
	s20 =	sld [smem:$0x7F5]  }
0x27: {  	s5 =	smul.u32 $0x5000, s13;
	s19 =	sadd.s32 s22, s24;
	s26 =	sld [smem:$0x7F7]  }
0x28: {  	s24 =	sshrl.u32 s31, $0x3;
	s0 =	sshrl.u32 s4, $0x2;
	[dreg:$0x8] =	wrdreg s19  }
0x29: {  	s19 =	sadd.s32 s22, s25;
	s25 =	sadd.s32 s22, s24;
	s24 =	sld [smem:$0x7F6]  }
0x2a: {  	s8 =	sadd.s32 s0, s3;
	s0 =	sshrl.u32 s11, $0x2;
	s11 =	sld [smem:$0x7F9]  }
0x2b: {  	s13 =	smul.u32 $0x5000, s10;
	s2 =	sshrl.u32 s5, $0x2;
	[dreg:$0x9] =	wrdreg s19  }
0x2c: {  	s19 =	sadd.s32 s22, s21;
	[dreg:$0xd] =	wrdreg s25;
	s21 =	sadd.s32 $0x5BD600, s6  }
0x2d: {  	s0 =	sadd.s32 s0, s3;
	[dreg:$0xb] =	wrdreg s19;
	s19 =	sadd.s32 s22, s23  }
0x2e: {  	s22 =	sadd.s32 $0x516200, s6;
	s23 =	sadd.s32 $0x2200, s6;
	[dreg:$0xc] =	wrdreg s19  }
0x2f: {  	s19 =	sadd.s32 $0x548200, s6;
	s6 =	sshll.u32 s7, $0x4;
	s7 =	smul.u32 $0x5000, s12  }
0x30: {  	s31 =	sadd.s32 s2, s3;
	[dreg:$0x16] =	wrdreg s0;
	s0 =	smul.u32 $0x5000, s24  }
0x31: {  	s12 =	sshrl.u32 s18, $0x2;
	s4 =	sor.u32 s9, s6;
	s6 =	smul.u32 $0x5000, s20  }
0x32: {  	[dreg:$0x14] =	wrdreg s31;
	s30 =	sadd.s32 s12, s3;
	s12 =	smul.u32 $0x5000, s14  }
0x33: {  	s25 =	sshrl.u32 s13, $0x2;
	s18 =	sld [smem:$0x7F4];
	s14 =	smul.u32 $0x5000, s15  }
0x34: {  	s24 =	sshrl.u32 s17, $0x2;
	s17 =	simm.s32 $0x78;
	s15 =	smul.u32 $0x5000, s16  }
0x35: {  	s5 =	sshrl.u32 s7, $0x2;
	s7 =	smul.u32 $0x5000, s26;
	s26 =	sld [smem:$0x7FB]  }
0x36: {  	s0 =	sshrl.u32 s0, $0x2;
	[dreg:$0x13] =	wrdreg s30;
	s2 =	smul.u32 $0x5000, s18  }
0x37: {  	s5 =	sadd.s32 s5, s3;
	s10 =	sshrl.u32 s6, $0x2;
	s6 =	smul.u32 $0x5000, s11  }
0x38: {  	s0 =	sadd.s32 s0, s3;
	s18 =	sshrl.u32 s14, $0x2;
	s20 =	sshrl.u32 s15, $0x2  }
0x39: {  	s11 =	smul.u32 $0x19, s4;
	s14 =	simm.s32 $0x8800;
	[dreg:$0x15] =	wrdreg s5  }
0x3a: {  	s15 =	simm.s32 $0x4;
	s5 =	sadd.s32 s25, s3;
	[dreg:$0x1a] =	wrdreg s0  }
0x3b: {  	s13 =	sshrl.u32 s7, $0x2;
	s0 =	sshrl.u32 s12, $0x2;
	[dreg:$0x17] =	wrdreg s5  }
0x3c: {  	s7 =	sadd.s32 s18, s3;
	s25 =	sadd.s32 s24, s3;
	s5 =	sld [smem:$0x7F8]  }
0x3d: {  	s12 =	smul.u32 $0x2710, s4;
	s18 =	simm.s32 $0x1000;
	[smem:$0x7FA] =	sst s25  }
0x3e: {  	s2 =	sshrl.u32 s2, $0x2;
	s0 =	sadd.s32 s0, s3;
	[dreg:$0x1f] =	wrdreg s7  }
0x3f: {  	s16 =	sshrl.u32 s6, $0x2;
	s6 =	sadd.s32 s20, s3;
	[dreg:$0x1e] =	wrdreg s0  }
0x40: {  	s24 =	simm.s32 $0x1;
	s2 =	sadd.s32 s2, s3;
	[smem:$0x7FD] =	sst s6  }
0x41: {  	s20 =	simm.s32 $0x4C00;
	s0 =	smax.u32 s26, $0x1;
	[dreg:$0x18] =	wrdreg s2  }
0x42: {  	[smem:$0x7FC] =	sst s0;
	s2 =	smul.u32 $0x5000, s5;
	s5 =	sadd.s32 s10, s3  }
0x43: {  	s25 =	simm.s32 $0x28;
	[dreg:$0x19] =	wrdreg s5;
	s5 =	sadd.s32 s13, s3  }
0x44: {  	s2 =	sshrl.u32 s2, $0x2;
	[dreg:$0x1b] =	wrdreg s5;
	s5 =	sadd.s32 s16, s3  }
0x45: {  	s26 =	simm.s32 $0x2;
	s2 =	sadd.s32 s2, s3;
	[dreg:$0x1d] =	wrdreg s5  }
0x46: {  	v0 =	vimm.f32 $0.0e+00;
	s13 =	simm.s32 $0x9C00;
	s16 =	simm.s32 $0x800;
	[dreg:$0x1c] =	wrdreg s2  }
.LBB2_1:
0x47: {  	s0 =	simm.s32 $0x0;
	s2 =	simm.s32 $0x200  }
.LBB2_2:
0x48: {  	p1 =	sne.s32 s2, $0x4E00;
	[tilespmem:s0+$0x8870] =	vst v0  }
0x49: {  	[tilespmem:s0+$0x8800] =	vst v0  }
0x4a: {  	[tilespmem:s0+$0x8810] =	vst v0  }
.Ltmp0:
0x4b: {  	[tilespmem:s0+$0x8820] =	vst v0;
	(pc) =	sbr.rel @p1 .LBB2_2-.Ltmp0, $4  }
0x4c: {  	[tilespmem:s0+$0x8830] =	vst v0  }
0x4d: {  	[tilespmem:s0+$0x8840] =	vst v0  }
0x4e: {  	[tilespmem:s0+$0x8850] =	vst v0  }
0x4f: {  	[tilespmem:s0+$0x8860] =	vst v0;
	s0 =	sshra.s32 s2, $0x2;
	s2 =	sadd.s32 $0x200, s2  }
0x50: {  	[tilespmem:s0+$0x8870] =	vst v0  }
0x51: {  	[tilespmem:s0+$0x8800] =	vst v0  }
0x52: {  	[tilespmem:s0+$0x8810] =	vst v0  }
0x53: {  	[tilespmem:s0+$0x8820] =	vst v0  }
0x54: {  	[tilespmem:s0+$0x8830] =	vst v0  }
0x55: {  	[tilespmem:s0+$0x8840] =	vst v0  }
0x56: {  	[tilespmem:s0+$0x8850] =	vst v0  }
0x57: {  	[tilespmem:s0+$0x8860] =	vst v0  }
0x58: {  	[spmem:s8] =	stream.linear.scatter [tilespmem:s14], [sflag:$0x4], $0x1400, $0x38;
	[tilespmem:$0x1E880] =	vst v63  }
0x59: {  	_ =	swait.ge [sflag:s15], $0x1400  }
0x5a: {  	[sflag:s15] =	ssyncset.done $0x0  }
0x5b: {  	[sflag:s15] =	ssyncadd.s32 $0xFFFFEC00  }
0x5c: {  	[spmem:s30] =	stream.linear.scatter [tilespmem:s14], [sflag:$0x4], $0x1400, $0x38;
	[tilespmem:$0x1E880] =	vst v63  }
0x5d: {  	_ =	swait.ge [sflag:s15], $0x1400  }
0x5e: {  	[sflag:s15] =	ssyncset.done $0x0  }
0x5f: {  	[sflag:s15] =	ssyncadd.s32 $0xFFFFEC00  }
0x60: {  	[spmem:s31] =	stream.linear.scatter [tilespmem:s14], [sflag:$0x4], $0x1400, $0x38;
	[tilespmem:$0x1E880] =	vst v63  }
0x61: {  	_ =	swait.ge [sflag:s15], $0x1400  }
0x62: {  	[sflag:s15] =	ssyncset.done $0x0  }
0x63: {  	s2 =	rddreg [dreg:$0x15];
	[sflag:s15] =	ssyncadd.s32 $0xFFFFEC00  }
0x64: {  	[spmem:s2] =	stream.linear.scatter [tilespmem:s14], [sflag:$0x4], $0x1400, $0x38;
	[tilespmem:$0x1E880] =	vst v63  }
0x65: {  	_ =	swait.ge [sflag:s15], $0x1400  }
0x66: {  	[sflag:s15] =	ssyncset.done $0x0  }
0x67: {  	s4 =	rddreg [dreg:$0x16];
	[sflag:s15] =	ssyncadd.s32 $0xFFFFEC00  }
0x68: {  	[spmem:s4] =	stream.linear.scatter [tilespmem:s14], [sflag:$0x4], $0x1400, $0x38;
	[tilespmem:$0x1E880] =	vst v63  }
0x69: {  	_ =	swait.ge [sflag:s15], $0x1400  }
0x6a: {  	[sflag:s15] =	ssyncset.done $0x0  }
0x6b: {  	s5 =	rddreg [dreg:$0x17];
	[sflag:s15] =	ssyncadd.s32 $0xFFFFEC00  }
0x6c: {  	[spmem:s5] =	stream.linear.scatter [tilespmem:s14], [sflag:$0x4], $0x1400, $0x38;
	[tilespmem:$0x1E880] =	vst v63  }
0x6d: {  	_ =	swait.ge [sflag:s15], $0x1400  }
0x6e: {  	[sflag:s15] =	ssyncset.done $0x0  }
0x6f: {  	s10 =	smov.u32 s8;
	s8 =	rddreg [dreg:$0x18];
	[sflag:s15] =	ssyncadd.s32 $0xFFFFEC00  }
0x70: {  	[spmem:s8] =	stream.linear.scatter [tilespmem:s14], [sflag:$0x4], $0x1400, $0x38;
	[tilespmem:$0x1E880] =	vst v63  }
0x71: {  	_ =	swait.ge [sflag:s15], $0x1400  }
0x72: {  	[sflag:s15] =	ssyncset.done $0x0  }
0x73: {  	s9 =	rddreg [dreg:$0x19];
	[sflag:s15] =	ssyncadd.s32 $0xFFFFEC00  }
0x74: {  	[spmem:s9] =	stream.linear.scatter [tilespmem:s14], [sflag:$0x4], $0x1400, $0x38;
	[tilespmem:$0x1E880] =	vst v63  }
0x75: {  	_ =	swait.ge [sflag:s15], $0x1400  }
0x76: {  	[sflag:s15] =	ssyncset.done $0x0  }
0x77: {  	s2 =	rddreg [dreg:$0x1a];
	[sflag:s15] =	ssyncadd.s32 $0xFFFFEC00  }
0x78: {  	[spmem:s2] =	stream.linear.scatter [tilespmem:s14], [sflag:$0x4], $0x1400, $0x38;
	[tilespmem:$0x1E880] =	vst v63  }
0x79: {  	_ =	swait.ge [sflag:s15], $0x1400  }
0x7a: {  	[sflag:s15] =	ssyncset.done $0x0  }
0x7b: {  	s4 =	rddreg [dreg:$0x1b];
	[sflag:s15] =	ssyncadd.s32 $0xFFFFEC00  }
0x7c: {  	[spmem:s4] =	stream.linear.scatter [tilespmem:s14], [sflag:$0x4], $0x1400, $0x38;
	[tilespmem:$0x1E880] =	vst v63  }
0x7d: {  	_ =	swait.ge [sflag:s15], $0x1400  }
0x7e: {  	[sflag:s15] =	ssyncset.done $0x0  }
0x7f: {  	s5 =	rddreg [dreg:$0x1c];
	[sflag:s15] =	ssyncadd.s32 $0xFFFFEC00  }
0x80: {  	[spmem:s5] =	stream.linear.scatter [tilespmem:s14], [sflag:$0x4], $0x1400, $0x38;
	[tilespmem:$0x1E880] =	vst v63  }
0x81: {  	_ =	swait.ge [sflag:s15], $0x1400  }
0x82: {  	[sflag:s15] =	ssyncset.done $0x0  }
0x83: {  	s8 =	rddreg [dreg:$0x1d];
	[sflag:s15] =	ssyncadd.s32 $0xFFFFEC00  }
0x84: {  	[spmem:s8] =	stream.linear.scatter [tilespmem:s14], [sflag:$0x4], $0x1400, $0x38;
	[tilespmem:$0x1E880] =	vst v63  }
0x85: {  	_ =	swait.ge [sflag:s15], $0x1400  }
0x86: {  	[sflag:s15] =	ssyncset.done $0x0  }
0x87: {  	s9 =	rddreg [dreg:$0x1e];
	[sflag:s15] =	ssyncadd.s32 $0xFFFFEC00  }
0x88: {  	[spmem:s9] =	stream.linear.scatter [tilespmem:s14], [sflag:$0x4], $0x1400, $0x38;
	[tilespmem:$0x1E880] =	vst v63  }
0x89: {  	_ =	swait.ge [sflag:s15], $0x1400  }
0x8a: {  	[sflag:s15] =	ssyncset.done $0x0  }
0x8b: {  	[sflag:s15] =	ssyncadd.s32 $0xFFFFEC00  }
0x8c: {  	[spmem:s7] =	stream.linear.scatter [tilespmem:s14], [sflag:$0x4], $0x1400, $0x38;
	[tilespmem:$0x1E880] =	vst v63  }
0x8d: {  	_ =	swait.ge [sflag:s15], $0x1400  }
0x8e: {  	[sflag:s15] =	ssyncset.done $0x0  }
0x8f: {  	[sflag:s15] =	ssyncadd.s32 $0xFFFFEC00  }
0x90: {  	[spmem:s6] =	stream.linear.scatter [tilespmem:s14], [sflag:$0x4], $0x1400, $0x38;
	[tilespmem:$0x1E880] =	vst v63  }
0x91: {  	_ =	swait.ge [sflag:s15], $0x1400  }
0x92: {  	s2 =	sld [smem:$0x7FA]  }
0x93: {  	[sflag:s15] =	ssyncset.done $0x0  }
0x94: {  	s0 =	simm.s32 @!p0 $0x8800;
	[sflag:s15] =	ssyncadd.s32 $0xFFFFEC00  }
0x95: {  	[spmem:s2] =	stream.linear.scatter @!p0 [tilespmem:s0], [sflag:$0x4], $0x1400, $0x38;
	[tilespmem:$0x1E880] =	vst v63  }
0x96: {  	s0 =	simm.s32 @!p0 $0x4  }
0x97: {  	_ =	swait.ge @!p0 [sflag:s0], $0x1400  }
0x98: {  	[sflag:s0] =	ssyncset.done @!p0 $0x0  }
0x99: {  	[sflag:s0] =	ssyncadd.s32 @!p0 $0xFFFFEC00  }
0x9a: {  	s30 =	simm.s32 $0x0;
	s31 =	simm.s32 $0x0;
	[bflag:$0x0] =	sbarrier.arrive $0xFFFF  }
.LBB2_4:
0x9b: {  	s0 =	sadd.s32 s11, s31  }
0x9c: {  	s0 =	sshll.u32 s0, $0x8  }
0x9d: {  	s2 =	sadd.s32 s22, s0  }
0x9e: {  	[tilespmem:s1], [sflag:$0x4] =	stream.linear.gather [hbm4b:s2+s1], $0x500, $0x38;
	[tilespmem:$0x1E880] =	vst v63  }
0x9f: {  	_ =	swait.ge [sflag:s15], $0x500  }
0xa0: {  	[sflag:s15] =	ssyncset.done $0x0  }
0xa1: {  	s0 =	sadd.s32 s23, s0;
	[sflag:s15] =	ssyncadd.s32 $0xFFFFFB00  }
0xa2: {  	[tilespmem:s16], [sflag:$0x4] =	stream.linear.gather [hbm4b:s0+s1], $0x500, $0x38;
	[tilespmem:$0x1E880] =	vst v63  }
0xa3: {  	_ =	swait.ge [sflag:s15], $0x500  }
0xa4: {  	p1 =	seq.s32 s31, $0x0;
	[sflag:s15] =	ssyncset.done $0x0  }
0xa5: {  	s0 =	simm.s32 @!p1 $0x3;
	[sflag:s15] =	ssyncadd.s32 $0xFFFFFB00  }
0xa6: {  	s9 =	smul.u32 $0x190, s31;
	_ =	swait.ge @!p1 [sflag:s0], $0x1400  }
0xa7: {  	[sflag:s0] =	ssyncset.done @!p1 $0x0  }
0xa8: {  	[sflag:s0] =	ssyncadd.s32 @!p1 $0xFFFFEC00;
	s0 =	sadd.s32 s12, s9  }
0xa9: {  	[tilespmem:s18], [sflag:$0x1] =	stream.indirect.gather [hbm4b:s19+s17], $0x80, s30, s17, $0xb8;
	[tilespmem:$0x1E880] =	vst v63  }
0xaa: {  	s0 =	sshll.u32 s0, $0x4  }
0xab: {  	s0 =	sadd.s32 s21, s0  }
0xac: {  	[tilespmem:s14], [sflag:$0x1] =	stream.linear.gather [hbm4b:s0+s30], $0x1400, $0x38;
	[tilespmem:$0x1E880] =	vst v63  }
0xad: {  	s2 =	smul.u32 $0xA, s31;
	s0 =	simm.s32 $0x0  }
.LBB2_5:
0xae: {  	s4 =	sor.u32 s31, s0;
	s5 =	sshllo.u32 s0, $0x1  }
0xaf: {  	p1 =	seq.s32 s4, $0x0;
	s6 =	sshll.u32 s5, $0x9;
	s5 =	sadd.s32 s2, s5  }
0xb0: {  	s4 =	simm.s32 @!p1 $0x3;
	s5 =	smul.u32 $0x28, s5  }
0xb1: {  	_ =	swait.ge @!p1 [sflag:s4], $0x1400  }
0xb2: {  	[sflag:s4] =	ssyncset.done @!p1 $0x0;
	s5 =	sadd.s32 s12, s5  }
0xb3: {  	[sflag:s4] =	ssyncadd.s32 @!p1 $0xFFFFEC00;
	s4 =	sshrl.u32 s6, $0x2;
	s5 =	sshll.u32 s5, $0x4  }
0xb4: {  	[tilespmem:s20], [sflag:$0x2] =	stream.indirect.gather [hbm4b:s19+s17], $0x80, s4, s17, $0xb8;
	[tilespmem:$0x1E880] =	vst v63  }
0xb5: {  	s9 =	simm.s32 $0x0;
	s5 =	sadd.s32 s21, s5  }
0xb6: {  	[tilespmem:s13], [sflag:$0x2] =	stream.linear.gather [hbm4b:s5+s9], $0x1400, $0x38;
	[tilespmem:$0x1E880] =	vst v63  }
0xb7: {  	_ =	swait.ge [sflag:s24], $0x3C00  }
0xb8: {  	[sflag:s24] =	ssyncset.done $0x0  }
0xb9: {  	[sflag:s24] =	ssyncadd.s32 $0xFFFFC400  }
0xba: {  	_ =	swait.ge [sflag:s24], $0x1400  }
0xbb: {  	[sflag:s24] =	ssyncset.done $0x0  }
0xbc: {  	s6 =	simm.s32 $0x0;
	[sflag:s24] =	ssyncadd.s32 $0xFFFFEC00  }
0xbd: {  	v1 =	vld [tilespmem:s6+$0x8810]  }
0xbe: {  	v2 =	vld [tilespmem:s6+$0x8850]  }
0xbf: {  	v3 =	vld [tilespmem:s6+$0x2450]  }
0xc0: {  	v4 =	vld [tilespmem:s6+$0x2440]  }
0xc1: {  	v5 =	vld [tilespmem:s6+$0x2410]  }
0xc2: {  	v6 =	vld [tilespmem:s6+$0x2460]  }
0xc3: {  	v7 =	vld [tilespmem:s6+$0x2400]  }
0xc4: {  	v8 =	vld [tilespmem:s6+$0x1060]  }
0xc5: {  	v9 =	vld [tilespmem:s6+$0x8860]  }
0xc6: {  	v10 =	vld [tilespmem:s6+$0x2420]  }
0xc7: {  	v11 =	vld [tilespmem:s6+$0x1050]  }
0xc8: {  	v12 =	vld [tilespmem:s6+$0x1020]  }
0xc9: {  	v13 =	vld [tilespmem:s6+$0x8820]  }
0xca: {  	v14 =	vld [tilespmem:s6+$0x2430];
	v6 =	vadd.f32 v6, v8  }
0xcb: {  	v61 =	vld [tilespmem:s6+$0x1010]  }
0xcc: {  	v62 =	vld [tilespmem:s6+$0x2470];
	v6 =	vadd.f32 v9, v6  }
0xcd: {  	v63 =	vld [tilespmem:s6+$0x1070];
	v3 =	vadd.f32 v3, v11  }
0xce: {  	v9 =	vld [tilespmem:s6+$0x1030];
	v6 =	vsub.f32 $0.0e+00, v6  }
0xcf: {  	v10 =	vadd.f32 v10, v12;
	v2 =	vadd.f32 v2, v3;
	v3 =	vld [tilespmem:s6+$0x1000]  }
0xd0: {  	v8 =	vld [tilespmem:s6+$0x8800];
	v6 =	vmul.f32 $1.442695020e+00, v6  }
0xd1: {  	v11 =	vld [tilespmem:s6+$0x8830];
	v10 =	vadd.f32 v13, v10  }
0xd2: {  	v2 =	vsub.f32 $0.0e+00, v2;
	(erf) = vpow2.f32 v6;
	v6 =	vld [tilespmem:s6+$0x1040]  }
0xd3: {  	v5 =	vadd.f32 v5, v61;
	v10 =	vsub.f32 $0.0e+00, v10  }
0xd4: {  	v2 =	vmul.f32 $1.442695020e+00, v2;
	v9 =	vadd.f32 v14, v9;
	v3 =	vadd.f32 v7, v3;
	v7 =	vld [tilespmem:s6+$0x8840]  }
0xd5: {  	v15 =	vld [tilespmem:s6+$0x8870];
	v1 =	vadd.f32 v1, v5;
	v10 =	vmul.f32 $1.442695020e+00, v10  }
0xd6: {  	v5 =	vadd.f32 v62, v63;
	v9 =	vadd.f32 v11, v9;
	(erf) = vpow2.f32 v2  }
0xd7: {  	v3 =	vadd.f32 v8, v3;
	(erf) = vpow2.f32 v10;
	v4 =	vadd.f32 v4, v6  }
0xd8: {  	v8 =	vsub.f32 $0.0e+00, v1;
	v2 =	vsub.f32 $0.0e+00, v9  }
0xd9: {  	v4 =	vadd.f32 v7, v4  }
0xda: {  	v5 =	vadd.f32 v15, v5;
	v3 =	vsub.f32 $0.0e+00, v3;
	v2 =	vmul.f32 $1.442695020e+00, v2  }
0xdb: {  	v1 =	vld [tilespmem:s6+$0x3860];
	v6 =	vmul.f32 $1.442695020e+00, v8;
	v9 =	vsub.f32 $0.0e+00, v4  }
0xdc: {  	v5 =	vsub.f32 $0.0e+00, v5;
	(erf) = vpow2.f32 v2;
	v7 =	vmul.f32 $1.442695020e+00, v3;
	v3 =	vld [tilespmem:s6+$0x3870];
	v8 =	vpop (erf)  }
0xdd: {  	v2 =	vld [tilespmem:s6+$0x3840];
	(erf) = vpow2.f32 v6;
	v8 =	vadd.f32 $1.000000000e+00, v8  }
0xde: {  	v5 =	vmul.f32 $1.442695020e+00, v5;
	v4 =	vld [tilespmem:s6+$0x3810];
	(erf) = vpow2.f32 v7  }
0xdf: {  	v6 =	vld [tilespmem:s6+$0x3830];
	v10 =	vmul.f32 $1.442695020e+00, v9;
	(erf) = vrcp.f32 v8;
	v9 =	vpop (erf)  }
0xe0: {  	v7 =	vld [tilespmem:s6+$0x3850];
	(erf) = vpow2.f32 v5;
	v11 =	vpop (erf)  }
0xe1: {  	s8 =	simm.s32 $0x200;
	s7 =	simm.s32 $0x400;
	s5 =	sshll.u32 s0, $0x1;
	v5 =	vld [tilespmem:s6+$0x3800];
	v8 =	vadd.f32 $1.000000000e+00, v9;
	(erf) = vpow2.f32 v10;
	v9 =	vadd.f32 $1.000000000e+00, v11  }
.LBB2_6:
0xe2: {  	p1 =	sne.s32 s7, $0x4E00  }
0xe3: {  	s9 =	sshra.s32 s8, $0x2;
	v10 =	vld [tilespmem:s6+$0x3820];
	(erf) = vrcp.f32 v8;
	s8 =	smov.u32 s7;
	s7 =	sadd.s32 $0x200, s7  }
0xe4: {  	v8 =	vld [tilespmem:s9+$0x8810];
	(erf) = vrcp.f32 v9  }
0xe5: {  	v9 =	vld [tilespmem:s9+$0x8850];
	v11 =	vpop (erf)  }
0xe6: {  	v12 =	vld [tilespmem:s9+$0x2450];
	v11 =	vadd.f32 $1.000000000e+00, v11  }
0xe7: {  	v13 =	vld [tilespmem:s9+$0x2440];
	v14 =	vpop (erf)  }
0xe8: {  	v15 =	vld [tilespmem:s9+$0x2410];
	v19 =	vadd.f32 $1.000000000e+00, v14;
	v16 =	vpop (erf);
	(erf) = vrcp.f32 v11  }
0xe9: {  	v11 =	vld [tilespmem:s9+$0x2460];
	v20 =	vadd.f32 $1.000000000e+00, v16;
	v17 =	vpop (erf)  }
0xea: {  	v18 =	vld [tilespmem:s9+$0x2400];
	v21 =	vmul.f32 v17, v1;
	(erf) = vrcp.f32 v19;
	v14 =	vpop (erf)  }
0xeb: {  	v1 =	vld [tilespmem:s9+$0x3860];
	v14 =	vadd.f32 $1.000000000e+00, v14;
	(erf) = vrcp.f32 v20;
	v16 =	vpop (erf)  }
0xec: {  	v19 =	vld [tilespmem:s9+$0x8870];
	v16 =	vadd.f32 $1.000000000e+00, v16;
	[tilespmem:s6+$0x1060] =	vst v21;
	v17 =	vpop (erf)  }
0xed: {  	v20 =	vld [tilespmem:s9+$0x1060];
	v7 =	vmul.f32 v17, v7;
	v17 =	vpop (erf);
	(erf) = vrcp.f32 v14  }
0xee: {  	v14 =	vld [tilespmem:s9+$0x8860];
	v10 =	vmul.f32 v17, v10;
	(erf) = vrcp.f32 v16  }
0xef: {  	v16 =	vld [tilespmem:s9+$0x2420];
	[tilespmem:s6+$0x1050] =	vst v7  }
0xf0: {  	v7 =	vld [tilespmem:s9+$0x1050];
	[tilespmem:s6+$0x1020] =	vst v10  }
0xf1: {  	v10 =	vld [tilespmem:s9+$0x1020];
	v17 =	vpop (erf)  }
0xf2: {  	v21 =	vld [tilespmem:s9+$0x8820];
	v11 =	vadd.f32 v11, v20;
	v23 =	vmul.f32 v17, v6  }
0xf3: {  	v17 =	vld [tilespmem:s9+$0x8800];
	v20 =	vpop (erf)  }
0xf4: {  	v22 =	vld [tilespmem:s9+$0x2430];
	v11 =	vadd.f32 v14, v11;
	v20 =	vmul.f32 v20, v4;
	[tilespmem:s6+$0x1030] =	vst v23;
	v6 =	vpop (erf)  }
0xf5: {  	v14 =	vld [tilespmem:s9+$0x1030];
	v7 =	vadd.f32 v12, v7;
	v5 =	vmul.f32 v6, v5  }
0xf6: {  	v6 =	vadd.f32 v16, v10;
	v10 =	vld [tilespmem:s9+$0x8830];
	v11 =	vsub.f32 $0.0e+00, v11;
	[tilespmem:s6+$0x1010] =	vst v20;
	v4 =	vpop (erf)  }
0xf7: {  	v12 =	vld [tilespmem:s9+$0x1010];
	v7 =	vadd.f32 v9, v7;
	[tilespmem:s6+$0x1000] =	vst v5;
	v3 =	vmul.f32 v4, v3;
	v4 =	vpop (erf)  }
0xf8: {  	v5 =	vld [tilespmem:s9+$0x1000];
	v6 =	vadd.f32 v21, v6;
	v9 =	vmul.f32 $1.442695020e+00, v11;
	v2 =	vmul.f32 v4, v2  }
0xf9: {  	v4 =	vsub.f32 $0.0e+00, v7;
	v7 =	vld [tilespmem:s9+$0x2470];
	[tilespmem:s6+$0x1070] =	vst v3  }
0xfa: {  	v3 =	vsub.f32 $0.0e+00, v6;
	v6 =	vadd.f32 v22, v14;
	v11 =	vld [tilespmem:s9+$0x1070];
	(erf) = vpow2.f32 v9;
	[tilespmem:s6+$0x1040] =	vst v2;
	s6 =	smov.u32 s9  }
0xfb: {  	v2 =	vld [tilespmem:s6+$0x1040];
	v4 =	vmul.f32 $1.442695020e+00, v4  }
0xfc: {  	v9 =	vadd.f32 v15, v12;
	v3 =	vmul.f32 $1.442695020e+00, v3;
	v6 =	vadd.f32 v10, v6  }
0xfd: {  	v5 =	vadd.f32 v18, v5;
	v10 =	vld [tilespmem:s6+$0x8840];
	(erf) = vpow2.f32 v4  }
0xfe: {  	v4 =	vadd.f32 v8, v9;
	v6 =	vsub.f32 $0.0e+00, v6;
	(erf) = vpow2.f32 v3  }
0xff: {  	v3 =	vadd.f32 v17, v5;
	v5 =	vadd.f32 v7, v11  }
0x100: {  	v4 =	vsub.f32 $0.0e+00, v4;
	v6 =	vmul.f32 $1.442695020e+00, v6;
	v2 =	vadd.f32 v13, v2  }
0x101: {  	v3 =	vsub.f32 $0.0e+00, v3;
	v5 =	vadd.f32 v19, v5  }
0x102: {  	v4 =	vmul.f32 $1.442695020e+00, v4;
	v2 =	vadd.f32 v10, v2;
	(erf) = vpow2.f32 v6  }
0x103: {  	v6 =	vmul.f32 $1.442695020e+00, v3;
	v5 =	vsub.f32 $0.0e+00, v5;
	v3 =	vld [tilespmem:s6+$0x3870];
	v7 =	vpop (erf)  }
.Ltmp1:
0x104: {  	v11 =	vsub.f32 $0.0e+00, v2;
	v2 =	vld [tilespmem:s6+$0x3840];
	v7 =	vadd.f32 $1.000000000e+00, v7;
	(erf) = vpow2.f32 v4;
	(pc) =	sbr.rel @p1 .LBB2_6-.Ltmp1, $4  }
0x105: {  	v4 =	vld [tilespmem:s6+$0x3810];
	v5 =	vmul.f32 $1.442695020e+00, v5;
	(erf) = vpow2.f32 v6  }
0x106: {  	v6 =	vld [tilespmem:s6+$0x3830];
	v10 =	vmul.f32 $1.442695020e+00, v11;
	v8 =	vpop (erf);
	(erf) = vrcp.f32 v7  }
0x107: {  	v8 =	vadd.f32 $1.000000000e+00, v8;
	v7 =	vld [tilespmem:s6+$0x3850];
	v9 =	vpop (erf);
	(erf) = vpow2.f32 v5  }
0x108: {  	v5 =	vld [tilespmem:s6+$0x3800];
	v9 =	vadd.f32 $1.000000000e+00, v9;
	(erf) = vpow2.f32 v10  }
0x109: {  	_ =	sdelay $0x1  }
0x10a: {  	s7 =	sshra.s32 s8, $0x2;
	v10 =	vld [tilespmem:s6+$0x3820];
	(erf) = vrcp.f32 v8  }
0x10b: {  	v11 =	vld [tilespmem:s7+$0x8810];
	(erf) = vrcp.f32 v9;
	v9 =	vpop (erf)  }
0x10c: {  	v8 =	vld [tilespmem:s7+$0x8850];
	v14 =	vpop (erf)  }
0x10d: {  	v12 =	vld [tilespmem:s7+$0x2450];
	v9 =	vadd.f32 $1.000000000e+00, v9;
	v16 =	vpop (erf)  }
0x10e: {  	v13 =	vld [tilespmem:s7+$0x2440];
	v18 =	vpop (erf)  }
0x10f: {  	v15 =	vld [tilespmem:s7+$0x2410];
	v1 =	vmul.f32 v18, v1  }
0x110: {  	v17 =	vld [tilespmem:s7+$0x2460]  }
0x111: {  	v19 =	vld [tilespmem:s7+$0x2400];
	(erf) = vrcp.f32 v9;
	v14 =	vadd.f32 $1.000000000e+00, v14;
	v9 =	vpop (erf)  }
0x112: {  	v46 =	vld [tilespmem:s7+$0x3860];
	v16 =	vadd.f32 $1.000000000e+00, v16;
	v21 =	vpop (erf)  }
0x113: {  	v20 =	vld [tilespmem:s7+$0x8870];
	(erf) = vrcp.f32 v14;
	[tilespmem:s6+$0x1060] =	vst v1;
	v1 =	vpop (erf)  }
0x114: {  	(erf) = vrcp.f32 v16;
	v22 =	vld [tilespmem:s7+$0x1060];
	v1 =	vmul.f32 v1, v7;
	v47 =	vpop (erf)  }
0x115: {  	v23 =	vld [tilespmem:s7+$0x2420];
	v10 =	vmul.f32 v47, v10  }
0x116: {  	v7 =	vld [tilespmem:s7+$0x8860];
	[tilespmem:s6+$0x1050] =	vst v1;
	v1 =	vadd.f32 $1.000000000e+00, v9  }
0x117: {  	v9 =	vld [tilespmem:s7+$0x1050];
	[tilespmem:s6+$0x1020] =	vst v10;
	v10 =	vadd.f32 $1.000000000e+00, v21  }
0x118: {  	(erf) = vrcp.f32 v1  }
0x119: {  	(erf) = vrcp.f32 v10  }
0x11a: {  	v48 =	vpop (erf);
	v1 =	vld [tilespmem:s7+$0x1020]  }
0x11b: {  	v6 =	vmul.f32 v48, v6;
	v49 =	vld [tilespmem:s7+$0x8820]  }
0x11c: {  	v50 =	vld [tilespmem:s7+$0x2430];
	v51 =	vpop (erf)  }
0x11d: {  	v17 =	vadd.f32 v17, v22;
	v10 =	vld [tilespmem:s7+$0x8800];
	[tilespmem:s6+$0x1030] =	vst v6;
	v4 =	vmul.f32 v51, v4;
	v52 =	vpop (erf)  }
0x11e: {  	v6 =	vld [tilespmem:s7+$0x1030];
	v5 =	vmul.f32 v52, v5  }
0x11f: {  	v53 =	vld [tilespmem:s7+$0x8830];
	[tilespmem:s6+$0x1010] =	vst v4;
	v4 =	vadd.f32 v7, v17  }
0x120: {  	v7 =	vld [tilespmem:s7+$0x1010];
	[tilespmem:s6+$0x1000] =	vst v5  }
0x121: {  	v4 =	vsub.f32 $0.0e+00, v4;
	v5 =	vld [tilespmem:s7+$0x1000];
	v54 =	vpop (erf)  }
0x122: {  	v9 =	vadd.f32 v12, v9;
	v3 =	vmul.f32 v54, v3;
	v55 =	vpop (erf)  }
0x123: {  	v1 =	vadd.f32 v23, v1;
	v4 =	vmul.f32 $1.442695020e+00, v4;
	v2 =	vmul.f32 v55, v2  }
0x124: {  	v56 =	vld [tilespmem:s7+$0x2470];
	[tilespmem:s6+$0x1070] =	vst v3;
	v3 =	vadd.f32 v8, v9  }
0x125: {  	v6 =	vadd.f32 v50, v6;
	v1 =	vadd.f32 v49, v1;
	(erf) = vpow2.f32 v4;
	v8 =	vld [tilespmem:s7+$0x1070];
	[tilespmem:s6+$0x1040] =	vst v2  }
0x126: {  	v5 =	vadd.f32 v19, v5;
	v2 =	vsub.f32 $0.0e+00, v3;
	v3 =	vld [tilespmem:s7+$0x1040]  }
0x127: {  	v4 =	vadd.f32 v15, v7;
	v6 =	vadd.f32 v53, v6  }
0x128: {  	v1 =	vsub.f32 $0.0e+00, v1;
	v5 =	vadd.f32 v10, v5;
	v7 =	vld [tilespmem:s7+$0x8840]  }
0x129: {  	v4 =	vadd.f32 v11, v4;
	v6 =	vsub.f32 $0.0e+00, v6;
	v2 =	vmul.f32 $1.442695020e+00, v2  }
0x12a: {  	v1 =	vmul.f32 $1.442695020e+00, v1;
	v5 =	vsub.f32 $0.0e+00, v5;
	v8 =	vadd.f32 v56, v8  }
0x12b: {  	(erf) = vpow2.f32 v2;
	v2 =	vsub.f32 $0.0e+00, v4;
	v3 =	vadd.f32 v13, v3  }
0x12c: {  	v4 =	vmul.f32 $1.442695020e+00, v6;
	v6 =	vadd.f32 v20, v8  }
0x12d: {  	(erf) = vpow2.f32 v1;
	v1 =	vmul.f32 $1.442695020e+00, v2;
	v2 =	vadd.f32 v7, v3  }
0x12e: {  	(erf) = vpow2.f32 v4;
	v3 =	vmul.f32 $1.442695020e+00, v5;
	v5 =	vpop (erf);
	v4 =	vsub.f32 $0.0e+00, v6  }
0x12f: {  	v5 =	vadd.f32 $1.000000000e+00, v5;
	(erf) = vpow2.f32 v1;
	v2 =	vsub.f32 $0.0e+00, v2  }
0x130: {  	(erf) = vpow2.f32 v3;
	v1 =	vmul.f32 $1.442695020e+00, v4  }
0x131: {  	(erf) = vrcp.f32 v5;
	v2 =	vmul.f32 $1.442695020e+00, v2  }
0x132: {  	(erf) = vpow2.f32 v1  }
0x133: {  	(erf) = vpow2.f32 v2;
	_ =	sdelay $0x1  }
0x134: {  	v1 =	vpop (erf)  }
0x135: {  	v2 =	vpop (erf);
	v1 =	vadd.f32 $1.000000000e+00, v1  }
0x136: {  	v3 =	vpop (erf)  }
0x137: {  	v2 =	vadd.f32 $1.000000000e+00, v2;
	v4 =	vpop (erf);
	(erf) = vrcp.f32 v1  }
0x138: {  	v1 =	vadd.f32 $1.000000000e+00, v3;
	v3 =	vpop (erf)  }
0x139: {  	(erf) = vrcp.f32 v2;
	v2 =	vadd.f32 $1.000000000e+00, v4;
	v4 =	vpop (erf)  }
0x13a: {  	(erf) = vrcp.f32 v1;
	v1 =	vadd.f32 $1.000000000e+00, v3;
	v3 =	vpop (erf)  }
0x13b: {  	(erf) = vrcp.f32 v2;
	v2 =	vadd.f32 $1.000000000e+00, v3;
	v3 =	vpop (erf)  }
0x13c: {  	(erf) = vrcp.f32 v1;
	v1 =	vadd.f32 $1.000000000e+00, v3;
	v3 =	vld [tilespmem:s7+$0x3850];
	_ =	sdelay $0x1  }
0x13d: {  	(erf) = vrcp.f32 v2  }
0x13e: {  	v2 =	vld [tilespmem:s7+$0x3820];
	(erf) = vrcp.f32 v1  }
0x13f: {  	v4 =	vmul.f32 v4, v46;
	v1 =	vld [tilespmem:s7+$0x3830];
	v7 =	vpop (erf)  }
0x140: {  	v5 =	vld [tilespmem:s7+$0x3810];
	v3 =	vmul.f32 v7, v3  }
0x141: {  	v6 =	vld [tilespmem:s7+$0x3800]  }
0x142: {  	v8 =	vld [tilespmem:s7+$0x3870];
	v7 =	vpop (erf)  }
0x143: {  	v9 =	vld [tilespmem:s7+$0x3840];
	[tilespmem:s7+$0x1060] =	vst v4;
	v2 =	vmul.f32 v7, v2;
	v4 =	vpop (erf)  }
0x144: {  	[tilespmem:s7+$0x1050] =	vst v3;
	v1 =	vmul.f32 v4, v1;
	v3 =	vpop (erf)  }
0x145: {  	[tilespmem:s7+$0x1020] =	vst v2;
	v2 =	vmul.f32 v3, v5;
	v3 =	vpop (erf)  }
0x146: {  	[tilespmem:s7+$0x1030] =	vst v1;
	v1 =	vmul.f32 v3, v6;
	v3 =	vpop (erf)  }
0x147: {  	[tilespmem:s7+$0x1010] =	vst v2;
	v2 =	vmul.f32 v3, v8;
	v3 =	vpop (erf)  }
0x148: {  	s9 =	sshll.u32 s0, $0x8;
	[tilespmem:s7+$0x1000] =	vst v1;
	v1 =	vmul.f32 v3, v9  }
0x149: {  	p1 =	seq.s32 s0, $0x4;
	s6 =	sand.u32 $0x3FFFFF00, s9;
	[tilespmem:s7+$0x1070] =	vst v2  }
0x14a: {  	s5 =	sadd.s32 @!p1 $0x2, s5;
	s6 =	sadd.s32 $0x800, s6;
	[tilespmem:s7+$0x1040] =	vst v1  }
0x14b: {  	[spmem:s3] =	stream.indirect.scatter.add.f32 [tilespmem:s18], [sflag:$0x3], $0x80, s6, s25, $0xb8;
	[tilespmem:$0x1E880] =	vst v63  }
0x14c: {  	s7 =	sshll.u32 @!p1 s5, $0x7;
	s5 =	sadd.s32 @!p1 s2, s5;
	s6 =	simm.s32 @!p1 $0x3  }
0x14d: {  	s5 =	smul.u32 @!p1 $0x28, s5;
	_ =	swait.ge @!p1 [sflag:s6], $0x1400  }
0x14e: {  	[sflag:s6] =	ssyncset.done @!p1 $0x0  }
0x14f: {  	s8 =	simm.s32 @!p1 $0x1000;
	s5 =	sadd.s32 @!p1 s12, s5;
	[sflag:s6] =	ssyncadd.s32 @!p1 $0xFFFFEC00  }
0x150: {  	s6 =	sand.u32 @!p1 $0x3FFFFF80, s7;
	s7 =	simm.s32 @!p1 $0x78;
	s5 =	sshll.u32 @!p1 s5, $0x4  }
0x151: {  	[tilespmem:s8], [sflag:$0x1] =	stream.indirect.gather @!p1 [hbm4b:s19+s7], $0x80, s6, s7, $0xb8;
	[tilespmem:$0x1E880] =	vst v63  }
0x152: {  	s5 =	sadd.s32 @!p1 s21, s5;
	s6 =	simm.s32 @!p1 $0x0;
	s7 =	simm.s32 @!p1 $0x8800  }
0x153: {  	[tilespmem:s7], [sflag:$0x1] =	stream.linear.gather @!p1 [hbm4b:s5+s6], $0x1400, $0x38;
	[tilespmem:$0x1E880] =	vst v63  }
0x154: {  	_ =	swait.ge [sflag:s26], $0x3C00  }
0x155: {  	[sflag:s26] =	ssyncset.done $0x0  }
0x156: {  	[sflag:s26] =	ssyncadd.s32 $0xFFFFC400  }
0x157: {  	_ =	swait.ge [sflag:s26], $0x1400  }
0x158: {  	[sflag:s26] =	ssyncset.done $0x0  }
0x159: {  	s5 =	simm.s32 $0x0;
	[sflag:s26] =	ssyncadd.s32 $0xFFFFEC00  }
0x15a: {  	v1 =	vld [tilespmem:s5+$0x9C10]  }
0x15b: {  	v2 =	vld [tilespmem:s5+$0x9C50]  }
0x15c: {  	v3 =	vld [tilespmem:s5+$0x6050]  }
0x15d: {  	v4 =	vld [tilespmem:s5+$0x6040]  }
0x15e: {  	v5 =	vld [tilespmem:s5+$0x6010]  }
0x15f: {  	v6 =	vld [tilespmem:s5+$0x6060]  }
0x160: {  	v7 =	vld [tilespmem:s5+$0x6000]  }
0x161: {  	v8 =	vld [tilespmem:s5+$0x4C60]  }
0x162: {  	v9 =	vld [tilespmem:s5+$0x9C60]  }
0x163: {  	v10 =	vld [tilespmem:s5+$0x6020]  }
0x164: {  	v11 =	vld [tilespmem:s5+$0x4C50]  }
0x165: {  	v57 =	vld [tilespmem:s5+$0x4C20]  }
0x166: {  	v58 =	vld [tilespmem:s5+$0x9C20]  }
0x167: {  	v59 =	vld [tilespmem:s5+$0x6030];
	v6 =	vadd.f32 v6, v8  }
0x168: {  	v60 =	vld [tilespmem:s5+$0x4C10]  }
0x169: {  	v61 =	vld [tilespmem:s5+$0x6070];
	v6 =	vadd.f32 v9, v6  }
0x16a: {  	v62 =	vld [tilespmem:s5+$0x4C70];
	v3 =	vadd.f32 v3, v11  }
0x16b: {  	v9 =	vld [tilespmem:s5+$0x4C30];
	v6 =	vsub.f32 $0.0e+00, v6  }
0x16c: {  	v10 =	vadd.f32 v10, v57;
	v2 =	vadd.f32 v2, v3;
	v3 =	vld [tilespmem:s5+$0x4C00]  }
0x16d: {  	v8 =	vld [tilespmem:s5+$0x9C00];
	v6 =	vmul.f32 $1.442695020e+00, v6  }
0x16e: {  	v11 =	vld [tilespmem:s5+$0x9C30];
	v10 =	vadd.f32 v58, v10  }
0x16f: {  	v2 =	vsub.f32 $0.0e+00, v2;
	(erf) = vpow2.f32 v6;
	v6 =	vld [tilespmem:s5+$0x4C40]  }
0x170: {  	v5 =	vadd.f32 v5, v60;
	v10 =	vsub.f32 $0.0e+00, v10  }
0x171: {  	v2 =	vmul.f32 $1.442695020e+00, v2;
	v9 =	vadd.f32 v59, v9;
	v3 =	vadd.f32 v7, v3;
	v7 =	vld [tilespmem:s5+$0x9C40]  }
0x172: {  	v63 =	vld [tilespmem:s5+$0x9C70];
	v1 =	vadd.f32 v1, v5;
	v10 =	vmul.f32 $1.442695020e+00, v10  }
0x173: {  	v5 =	vadd.f32 v61, v62;
	v9 =	vadd.f32 v11, v9;
	(erf) = vpow2.f32 v2  }
0x174: {  	v3 =	vadd.f32 v8, v3;
	(erf) = vpow2.f32 v10;
	v4 =	vadd.f32 v4, v6  }
0x175: {  	v8 =	vsub.f32 $0.0e+00, v1;
	v2 =	vsub.f32 $0.0e+00, v9  }
0x176: {  	v4 =	vadd.f32 v7, v4  }
0x177: {  	v5 =	vadd.f32 v63, v5;
	v3 =	vsub.f32 $0.0e+00, v3;
	v2 =	vmul.f32 $1.442695020e+00, v2  }
0x178: {  	v1 =	vld [tilespmem:s5+$0x7460];
	v6 =	vmul.f32 $1.442695020e+00, v8;
	v9 =	vsub.f32 $0.0e+00, v4  }
0x179: {  	v5 =	vsub.f32 $0.0e+00, v5;
	(erf) = vpow2.f32 v2;
	v7 =	vmul.f32 $1.442695020e+00, v3;
	v3 =	vld [tilespmem:s5+$0x7470];
	v8 =	vpop (erf)  }
0x17a: {  	v2 =	vld [tilespmem:s5+$0x7440];
	(erf) = vpow2.f32 v6;
	v8 =	vadd.f32 $1.000000000e+00, v8  }
0x17b: {  	v5 =	vmul.f32 $1.442695020e+00, v5;
	v6 =	vld [tilespmem:s5+$0x7430];
	(erf) = vpow2.f32 v7  }
0x17c: {  	v4 =	vld [tilespmem:s5+$0x7410];
	v10 =	vmul.f32 $1.442695020e+00, v9;
	v9 =	vpop (erf);
	(erf) = vrcp.f32 v8  }
0x17d: {  	v7 =	vld [tilespmem:s5+$0x7450];
	v11 =	vpop (erf);
	(erf) = vpow2.f32 v5  }
0x17e: {  	s7 =	simm.s32 $0x200;
	s6 =	simm.s32 $0x400;
	v8 =	vadd.f32 $1.000000000e+00, v9;
	v5 =	vld [tilespmem:s5+$0x7400];
	v9 =	vadd.f32 $1.000000000e+00, v11;
	(erf) = vpow2.f32 v10  }
.LBB2_8:
0x17f: {  	p1 =	sne.s32 s6, $0x4E00  }
0x180: {  	s8 =	sshra.s32 s7, $0x2;
	v10 =	vld [tilespmem:s5+$0x7420];
	(erf) = vrcp.f32 v8;
	s7 =	smov.u32 s6;
	s6 =	sadd.s32 $0x200, s6  }
0x181: {  	v8 =	vld [tilespmem:s8+$0x9C10];
	(erf) = vrcp.f32 v9  }
0x182: {  	v9 =	vld [tilespmem:s8+$0x9C50];
	v11 =	vpop (erf)  }
0x183: {  	v12 =	vld [tilespmem:s8+$0x6050];
	v11 =	vadd.f32 $1.000000000e+00, v11  }
0x184: {  	v13 =	vld [tilespmem:s8+$0x6040];
	v14 =	vpop (erf)  }
0x185: {  	v15 =	vld [tilespmem:s8+$0x6010];
	v19 =	vadd.f32 $1.000000000e+00, v14;
	v16 =	vpop (erf);
	(erf) = vrcp.f32 v11  }
0x186: {  	v11 =	vld [tilespmem:s8+$0x6060];
	v20 =	vadd.f32 $1.000000000e+00, v16;
	v17 =	vpop (erf)  }
0x187: {  	v18 =	vld [tilespmem:s8+$0x6000];
	v21 =	vmul.f32 v17, v1;
	(erf) = vrcp.f32 v19;
	v14 =	vpop (erf)  }
0x188: {  	v1 =	vld [tilespmem:s8+$0x7460];
	v14 =	vadd.f32 $1.000000000e+00, v14;
	(erf) = vrcp.f32 v20;
	v16 =	vpop (erf)  }
0x189: {  	v19 =	vld [tilespmem:s8+$0x9C70];
	v16 =	vadd.f32 $1.000000000e+00, v16;
	[tilespmem:s5+$0x4C60] =	vst v21;
	v17 =	vpop (erf)  }
0x18a: {  	v20 =	vld [tilespmem:s8+$0x4C60];
	v7 =	vmul.f32 v17, v7;
	v17 =	vpop (erf);
	(erf) = vrcp.f32 v14  }
0x18b: {  	v14 =	vld [tilespmem:s8+$0x9C60];
	v10 =	vmul.f32 v17, v10;
	(erf) = vrcp.f32 v16  }
0x18c: {  	v16 =	vld [tilespmem:s8+$0x6020];
	[tilespmem:s5+$0x4C50] =	vst v7  }
0x18d: {  	v7 =	vld [tilespmem:s8+$0x4C50];
	[tilespmem:s5+$0x4C20] =	vst v10  }
0x18e: {  	v10 =	vld [tilespmem:s8+$0x4C20];
	v17 =	vpop (erf)  }
0x18f: {  	v21 =	vld [tilespmem:s8+$0x9C20];
	v11 =	vadd.f32 v11, v20;
	v23 =	vmul.f32 v17, v6  }
0x190: {  	v17 =	vld [tilespmem:s8+$0x9C00];
	v20 =	vpop (erf)  }
0x191: {  	v22 =	vld [tilespmem:s8+$0x6030];
	v11 =	vadd.f32 v14, v11;
	v20 =	vmul.f32 v20, v4;
	[tilespmem:s5+$0x4C30] =	vst v23;
	v6 =	vpop (erf)  }
0x192: {  	v14 =	vld [tilespmem:s8+$0x4C30];
	v7 =	vadd.f32 v12, v7;
	v5 =	vmul.f32 v6, v5  }
0x193: {  	v6 =	vadd.f32 v16, v10;
	v10 =	vld [tilespmem:s8+$0x9C30];
	v11 =	vsub.f32 $0.0e+00, v11;
	[tilespmem:s5+$0x4C10] =	vst v20;
	v4 =	vpop (erf)  }
0x194: {  	v12 =	vld [tilespmem:s8+$0x4C10];
	v7 =	vadd.f32 v9, v7;
	[tilespmem:s5+$0x4C00] =	vst v5;
	v3 =	vmul.f32 v4, v3;
	v4 =	vpop (erf)  }
0x195: {  	v5 =	vld [tilespmem:s8+$0x4C00];
	v6 =	vadd.f32 v21, v6;
	v9 =	vmul.f32 $1.442695020e+00, v11;
	v2 =	vmul.f32 v4, v2  }
0x196: {  	v4 =	vsub.f32 $0.0e+00, v7;
	v7 =	vld [tilespmem:s8+$0x6070];
	[tilespmem:s5+$0x4C70] =	vst v3  }
0x197: {  	v3 =	vsub.f32 $0.0e+00, v6;
	v6 =	vadd.f32 v22, v14;
	v11 =	vld [tilespmem:s8+$0x4C70];
	(erf) = vpow2.f32 v9;
	[tilespmem:s5+$0x4C40] =	vst v2;
	s5 =	smov.u32 s8  }
0x198: {  	v2 =	vld [tilespmem:s5+$0x4C40];
	v4 =	vmul.f32 $1.442695020e+00, v4  }
0x199: {  	v9 =	vadd.f32 v15, v12;
	v3 =	vmul.f32 $1.442695020e+00, v3;
	v6 =	vadd.f32 v10, v6  }
0x19a: {  	v5 =	vadd.f32 v18, v5;
	v10 =	vld [tilespmem:s5+$0x9C40];
	(erf) = vpow2.f32 v4  }
0x19b: {  	v4 =	vadd.f32 v8, v9;
	v6 =	vsub.f32 $0.0e+00, v6;
	(erf) = vpow2.f32 v3  }
0x19c: {  	v3 =	vadd.f32 v17, v5;
	v5 =	vadd.f32 v7, v11  }
0x19d: {  	v4 =	vsub.f32 $0.0e+00, v4;
	v6 =	vmul.f32 $1.442695020e+00, v6;
	v2 =	vadd.f32 v13, v2  }
0x19e: {  	v3 =	vsub.f32 $0.0e+00, v3;
	v5 =	vadd.f32 v19, v5  }
0x19f: {  	v4 =	vmul.f32 $1.442695020e+00, v4;
	v2 =	vadd.f32 v10, v2;
	(erf) = vpow2.f32 v6  }
0x1a0: {  	v6 =	vmul.f32 $1.442695020e+00, v3;
	v5 =	vsub.f32 $0.0e+00, v5;
	v3 =	vld [tilespmem:s5+$0x7470];
	v7 =	vpop (erf)  }
.Ltmp2:
0x1a1: {  	v11 =	vsub.f32 $0.0e+00, v2;
	v2 =	vld [tilespmem:s5+$0x7440];
	v7 =	vadd.f32 $1.000000000e+00, v7;
	(erf) = vpow2.f32 v4;
	(pc) =	sbr.rel @p1 .LBB2_8-.Ltmp2, $4  }
0x1a2: {  	v4 =	vld [tilespmem:s5+$0x7410];
	v5 =	vmul.f32 $1.442695020e+00, v5;
	(erf) = vpow2.f32 v6  }
0x1a3: {  	v6 =	vld [tilespmem:s5+$0x7430];
	v10 =	vmul.f32 $1.442695020e+00, v11;
	v8 =	vpop (erf);
	(erf) = vrcp.f32 v7  }
0x1a4: {  	v8 =	vadd.f32 $1.000000000e+00, v8;
	v7 =	vld [tilespmem:s5+$0x7450];
	v9 =	vpop (erf);
	(erf) = vpow2.f32 v5  }
0x1a5: {  	v5 =	vld [tilespmem:s5+$0x7400];
	v9 =	vadd.f32 $1.000000000e+00, v9;
	(erf) = vpow2.f32 v10  }
0x1a6: {  	_ =	sdelay $0x1  }
0x1a7: {  	s6 =	sshra.s32 s7, $0x2;
	v10 =	vld [tilespmem:s5+$0x7420];
	(erf) = vrcp.f32 v8  }
0x1a8: {  	v11 =	vld [tilespmem:s6+$0x9C10];
	v29 =	vpop (erf)  }
0x1a9: {  	v28 =	vld [tilespmem:s6+$0x9C50];
	v14 =	vpop (erf)  }
0x1aa: {  	v12 =	vld [tilespmem:s6+$0x6050];
	v16 =	vpop (erf)  }
0x1ab: {  	v13 =	vld [tilespmem:s6+$0x6040];
	v18 =	vpop (erf)  }
0x1ac: {  	(erf) = vrcp.f32 v9;
	v15 =	vld [tilespmem:s6+$0x6010];
	v1 =	vmul.f32 v18, v1  }
0x1ad: {  	v17 =	vld [tilespmem:s6+$0x6060]  }
0x1ae: {  	v19 =	vld [tilespmem:s6+$0x6000];
	v9 =	vadd.f32 $1.000000000e+00, v29;
	v31 =	vpop (erf)  }
0x1af: {  	v30 =	vld [tilespmem:s6+$0x7460];
	v21 =	vpop (erf)  }
0x1b0: {  	v20 =	vld [tilespmem:s6+$0x9C70];
	(erf) = vrcp.f32 v9;
	v14 =	vadd.f32 $1.000000000e+00, v14;
	[tilespmem:s5+$0x4C60] =	vst v1;
	v1 =	vpop (erf)  }
0x1b1: {  	v16 =	vadd.f32 $1.000000000e+00, v16;
	v22 =	vld [tilespmem:s6+$0x4C60];
	v1 =	vmul.f32 v1, v7  }
0x1b2: {  	(erf) = vrcp.f32 v14;
	v32 =	vld [tilespmem:s6+$0x9C60]  }
0x1b3: {  	(erf) = vrcp.f32 v16;
	v23 =	vld [tilespmem:s6+$0x6020];
	[tilespmem:s5+$0x4C50] =	vst v1;
	v1 =	vadd.f32 $1.000000000e+00, v31  }
0x1b4: {  	v35 =	vadd.f32 $1.000000000e+00, v21  }
0x1b5: {  	v33 =	vpop (erf);
	(erf) = vrcp.f32 v1  }
0x1b6: {  	v10 =	vmul.f32 v33, v10;
	(erf) = vrcp.f32 v35;
	_ =	sdelay $0x1  }
0x1b7: {  	v34 =	vld [tilespmem:s6+$0x4C50];
	[tilespmem:s5+$0x4C20] =	vst v10  }
0x1b8: {  	v36 =	vpop (erf);
	v1 =	vld [tilespmem:s6+$0x4C20]  }
0x1b9: {  	v6 =	vmul.f32 v36, v6;
	v17 =	vadd.f32 v17, v22;
	v37 =	vld [tilespmem:s6+$0x9C20]  }
0x1ba: {  	v38 =	vld [tilespmem:s6+$0x9C00];
	v40 =	vpop (erf)  }
0x1bb: {  	v39 =	vld [tilespmem:s6+$0x6030];
	[tilespmem:s5+$0x4C30] =	vst v6;
	v4 =	vmul.f32 v40, v4;
	v41 =	vpop (erf);
	v43 =	vadd.f32 v32, v17  }
0x1bc: {  	v6 =	vld [tilespmem:s6+$0x4C30];
	v5 =	vmul.f32 v41, v5  }
0x1bd: {  	v42 =	vld [tilespmem:s6+$0x9C30];
	[tilespmem:s5+$0x4C10] =	vst v4;
	v4 =	vsub.f32 $0.0e+00, v43;
	v45 =	vpop (erf)  }
0x1be: {  	v44 =	vld [tilespmem:s6+$0x4C10];
	[tilespmem:s5+$0x4C00] =	vst v5;
	v9 =	vadd.f32 v12, v34;
	v3 =	vmul.f32 v45, v3;
	v46 =	vpop (erf)  }
0x1bf: {  	v5 =	vld [tilespmem:s6+$0x4C00];
	v4 =	vmul.f32 $1.442695020e+00, v4;
	v2 =	vmul.f32 v46, v2  }
0x1c0: {  	v47 =	vld [tilespmem:s6+$0x6070];
	v1 =	vadd.f32 v23, v1;
	[tilespmem:s5+$0x4C70] =	vst v3;
	v3 =	vadd.f32 v28, v9  }
0x1c1: {  	v6 =	vadd.f32 v39, v6;
	(erf) = vpow2.f32 v4;
	v48 =	vld [tilespmem:s6+$0x4C70];
	[tilespmem:s5+$0x4C40] =	vst v2  }
0x1c2: {  	v1 =	vadd.f32 v37, v1;
	v2 =	vsub.f32 $0.0e+00, v3;
	v3 =	vld [tilespmem:s6+$0x4C40]  }
0x1c3: {  	v49 =	vadd.f32 v15, v44;
	v6 =	vadd.f32 v42, v6  }
0x1c4: {  	v1 =	vsub.f32 $0.0e+00, v1;
	v5 =	vadd.f32 v19, v5;
	v50 =	vld [tilespmem:s6+$0x9C40]  }
0x1c5: {  	v4 =	vadd.f32 v11, v49;
	v6 =	vsub.f32 $0.0e+00, v6;
	v2 =	vmul.f32 $1.442695020e+00, v2  }
0x1c6: {  	v1 =	vmul.f32 $1.442695020e+00, v1;
	v5 =	vadd.f32 v38, v5;
	v8 =	vadd.f32 v47, v48  }
0x1c7: {  	(erf) = vpow2.f32 v2;
	v2 =	vsub.f32 $0.0e+00, v4;
	v3 =	vadd.f32 v13, v3  }
0x1c8: {  	v51 =	vmul.f32 $1.442695020e+00, v6;
	v5 =	vsub.f32 $0.0e+00, v5;
	v52 =	vadd.f32 v20, v8  }
0x1c9: {  	(erf) = vpow2.f32 v1;
	v1 =	vmul.f32 $1.442695020e+00, v2;
	v2 =	vadd.f32 v50, v3  }
0x1ca: {  	v54 =	vpop (erf);
	(erf) = vpow2.f32 v51;
	v3 =	vmul.f32 $1.442695020e+00, v5;
	v53 =	vsub.f32 $0.0e+00, v52  }
0x1cb: {  	v5 =	vadd.f32 $1.000000000e+00, v54;
	(erf) = vpow2.f32 v1;
	v2 =	vsub.f32 $0.0e+00, v2  }
0x1cc: {  	(erf) = vpow2.f32 v3;
	v1 =	vmul.f32 $1.442695020e+00, v53  }
0x1cd: {  	(erf) = vrcp.f32 v5;
	v2 =	vmul.f32 $1.442695020e+00, v2  }
0x1ce: {  	(erf) = vpow2.f32 v1  }
0x1cf: {  	(erf) = vpow2.f32 v2;
	_ =	sdelay $0x1  }
0x1d0: {  	v1 =	vpop (erf)  }
0x1d1: {  	v2 =	vpop (erf);
	v1 =	vadd.f32 $1.000000000e+00, v1  }
0x1d2: {  	v3 =	vpop (erf)  }
0x1d3: {  	v2 =	vadd.f32 $1.000000000e+00, v2;
	v55 =	vpop (erf);
	(erf) = vrcp.f32 v1  }
0x1d4: {  	v1 =	vadd.f32 $1.000000000e+00, v3;
	v3 =	vpop (erf)  }
0x1d5: {  	(erf) = vrcp.f32 v2;
	v2 =	vadd.f32 $1.000000000e+00, v55;
	v56 =	vpop (erf)  }
0x1d6: {  	(erf) = vrcp.f32 v1;
	v1 =	vadd.f32 $1.000000000e+00, v3;
	v3 =	vpop (erf)  }
0x1d7: {  	(erf) = vrcp.f32 v2;
	v2 =	vadd.f32 $1.000000000e+00, v3;
	v3 =	vpop (erf)  }
0x1d8: {  	(erf) = vrcp.f32 v1;
	v1 =	vadd.f32 $1.000000000e+00, v3;
	v3 =	vld [tilespmem:s6+$0x7450];
	_ =	sdelay $0x1  }
0x1d9: {  	(erf) = vrcp.f32 v2  }
0x1da: {  	v2 =	vld [tilespmem:s6+$0x7420];
	(erf) = vrcp.f32 v1  }
0x1db: {  	v1 =	vld [tilespmem:s6+$0x7430];
	v59 =	vpop (erf)  }
0x1dc: {  	v57 =	vld [tilespmem:s6+$0x7410];
	v3 =	vmul.f32 v59, v3  }
0x1dd: {  	v58 =	vld [tilespmem:s6+$0x7400];
	v4 =	vmul.f32 v56, v30  }
0x1de: {  	v60 =	vld [tilespmem:s6+$0x7470];
	v61 =	vpop (erf)  }
0x1df: {  	v62 =	vld [tilespmem:s6+$0x7440];
	[tilespmem:s6+$0x4C60] =	vst v4;
	v63 =	vpop (erf);
	v2 =	vmul.f32 v61, v2  }
0x1e0: {  	[tilespmem:s6+$0x4C50] =	vst v3;
	v1 =	vmul.f32 v63, v1;
	v3 =	vpop (erf)  }
0x1e1: {  	s0 =	sadd.s32 $0x1, s0;
	[tilespmem:s6+$0x4C20] =	vst v2;
	v2 =	vmul.f32 v3, v57;
	v3 =	vpop (erf)  }
0x1e2: {  	p1 =	sne.s32 s0, $0x5;
	[tilespmem:s6+$0x4C30] =	vst v1;
	v1 =	vmul.f32 v3, v58;
	v3 =	vpop (erf)  }
.Ltmp3:
0x1e3: {  	[tilespmem:s6+$0x4C10] =	vst v2;
	v2 =	vmul.f32 v3, v60;
	v3 =	vpop (erf);
	(pc) =	sbr.rel @p1 .LBB2_5-.Ltmp3, $4  }
0x1e4: {  	[tilespmem:s6+$0x4C00] =	vst v1;
	v1 =	vmul.f32 v3, v62  }
0x1e5: {  	[tilespmem:s6+$0x4C70] =	vst v2  }
0x1e6: {  	s4 =	sadd.s32 $0x800, s4;
	[tilespmem:s6+$0x4C40] =	vst v1  }
0x1e7: {  	[spmem:s3] =	stream.indirect.scatter.add.f32 [tilespmem:s20], [sflag:$0x3], $0x80, s4, s25, $0xb8;
	[tilespmem:$0x1E880] =	vst v63  }
0x1e8: {  	s31 =	sadd.s32 $0x1, s31  }
0x1e9: {  	p1 =	sne.s32 s31, $0x19  }
.Ltmp4:
0x1ea: {  	_ = 	snop;
	(pc) =	sbr.rel @p1 .LBB2_4-.Ltmp4, $1  }
0x1eb: {  	_ =	sdelay $0x3  }
0x1ec: {  	_ =	swait.ge [sflag:s28], $0x1400  }
0x1ed: {  	[sflag:s28] =	ssyncset.done $0x0  }
0x1ee: {  	[sflag:s28] =	ssyncadd.s32 $0xFFFFEC00  }
0x1ef: {  	_ =	swait.ge [sflag:s28], $0x1400  }
0x1f0: {  	[sflag:s28] =	ssyncset.done $0x0  }
0x1f1: {  	[sflag:s28] =	ssyncadd.s32 $0xFFFFEC00  }
0x1f2: {  	[bflag:$0x0] =	sbarrier.arrive $0xFFFF  }
0x1f3: {  	[tilespmem:s14], [sflag:$0x4] =	stream.linear.gather [spmem:s10], $0x1400, $0x38;
	[tilespmem:$0x1E880] =	vst v63  }
0x1f4: {  	_ =	swait.ge [sflag:s15], $0x1400  }
0x1f5: {  	[sflag:s15] =	ssyncset.done $0x0  }
0x1f6: {  	s0 =	rddreg [dreg:$0x3];
	[sflag:s15] =	ssyncadd.s32 $0xFFFFEC00  }
0x1f7: {  	[hbm4b:s0+s1] =	stream.linear.scatter [tilespmem:s14], [sflag:$0x4], $0x1400, $0x38;
	[tilespmem:$0x1E880] =	vst v63  }
0x1f8: {  	_ =	swait.ge [sflag:s15], $0x1400  }
0x1f9: {  	[sflag:s15] =	ssyncset.done $0x0  }
0x1fa: {  	s30 =	rddreg [dreg:$0x13];
	[sflag:s15] =	ssyncadd.s32 $0xFFFFEC00  }
0x1fb: {  	[tilespmem:s14], [sflag:$0x4] =	stream.linear.gather [spmem:s30], $0x1400, $0x38;
	[tilespmem:$0x1E880] =	vst v63  }
0x1fc: {  	_ =	swait.ge [sflag:s15], $0x1400  }
0x1fd: {  	[sflag:s15] =	ssyncset.done $0x0  }
0x1fe: {  	s5 =	rddreg [dreg:$0x4];
	[sflag:s15] =	ssyncadd.s32 $0xFFFFEC00  }
0x1ff: {  	[hbm4b:s5+s1] =	stream.linear.scatter [tilespmem:s14], [sflag:$0x4], $0x1400, $0x38;
	[tilespmem:$0x1E880] =	vst v63  }
0x200: {  	_ =	swait.ge [sflag:s15], $0x1400  }
0x201: {  	[sflag:s15] =	ssyncset.done $0x0  }
0x202: {  	s31 =	rddreg [dreg:$0x14];
	[sflag:s15] =	ssyncadd.s32 $0xFFFFEC00  }
0x203: {  	[tilespmem:s14], [sflag:$0x4] =	stream.linear.gather [spmem:s31], $0x1400, $0x38;
	[tilespmem:$0x1E880] =	vst v63  }
0x204: {  	_ =	swait.ge [sflag:s15], $0x1400  }
0x205: {  	[sflag:s15] =	ssyncset.done $0x0  }
0x206: {  	s6 =	rddreg [dreg:$0x5];
	[sflag:s15] =	ssyncadd.s32 $0xFFFFEC00  }
0x207: {  	[hbm4b:s6+s1] =	stream.linear.scatter [tilespmem:s14], [sflag:$0x4], $0x1400, $0x38;
	[tilespmem:$0x1E880] =	vst v63  }
0x208: {  	_ =	swait.ge [sflag:s15], $0x1400  }
0x209: {  	[sflag:s15] =	ssyncset.done $0x0  }
0x20a: {  	s7 =	rddreg [dreg:$0x15];
	[sflag:s15] =	ssyncadd.s32 $0xFFFFEC00  }
0x20b: {  	[tilespmem:s14], [sflag:$0x4] =	stream.linear.gather [spmem:s7], $0x1400, $0x38;
	[tilespmem:$0x1E880] =	vst v63  }
0x20c: {  	_ =	swait.ge [sflag:s15], $0x1400  }
0x20d: {  	[sflag:s15] =	ssyncset.done $0x0  }
0x20e: {  	s9 =	rddreg [dreg:$0x6];
	[sflag:s15] =	ssyncadd.s32 $0xFFFFEC00  }
0x20f: {  	[hbm4b:s9+s1] =	stream.linear.scatter [tilespmem:s14], [sflag:$0x4], $0x1400, $0x38;
	[tilespmem:$0x1E880] =	vst v63  }
0x210: {  	_ =	swait.ge [sflag:s15], $0x1400  }
0x211: {  	[sflag:s15] =	ssyncset.done $0x0  }
0x212: {  	s8 =	smov.u32 s10;
	s10 =	rddreg [dreg:$0x16];
	[sflag:s15] =	ssyncadd.s32 $0xFFFFEC00  }
0x213: {  	[tilespmem:s14], [sflag:$0x4] =	stream.linear.gather [spmem:s10], $0x1400, $0x38;
	[tilespmem:$0x1E880] =	vst v63  }
0x214: {  	_ =	swait.ge [sflag:s15], $0x1400  }
0x215: {  	[sflag:s15] =	ssyncset.done $0x0  }
0x216: {  	s2 =	rddreg [dreg:$0x7];
	[sflag:s15] =	ssyncadd.s32 $0xFFFFEC00  }
0x217: {  	[hbm4b:s2+s1] =	stream.linear.scatter [tilespmem:s14], [sflag:$0x4], $0x1400, $0x38;
	[tilespmem:$0x1E880] =	vst v63  }
0x218: {  	_ =	swait.ge [sflag:s15], $0x1400  }
0x219: {  	[sflag:s15] =	ssyncset.done $0x0  }
0x21a: {  	s4 =	rddreg [dreg:$0x17];
	[sflag:s15] =	ssyncadd.s32 $0xFFFFEC00  }
0x21b: {  	[tilespmem:s14], [sflag:$0x4] =	stream.linear.gather [spmem:s4], $0x1400, $0x38;
	[tilespmem:$0x1E880] =	vst v63  }
0x21c: {  	_ =	swait.ge [sflag:s15], $0x1400  }
0x21d: {  	[sflag:s15] =	ssyncset.done $0x0  }
0x21e: {  	s5 =	rddreg [dreg:$0x8];
	[sflag:s15] =	ssyncadd.s32 $0xFFFFEC00  }
0x21f: {  	[hbm4b:s5+s1] =	stream.linear.scatter [tilespmem:s14], [sflag:$0x4], $0x1400, $0x38;
	[tilespmem:$0x1E880] =	vst v63  }
0x220: {  	_ =	swait.ge [sflag:s15], $0x1400  }
0x221: {  	[sflag:s15] =	ssyncset.done $0x0  }
0x222: {  	s6 =	rddreg [dreg:$0x18];
	[sflag:s15] =	ssyncadd.s32 $0xFFFFEC00  }
0x223: {  	[tilespmem:s14], [sflag:$0x4] =	stream.linear.gather [spmem:s6], $0x1400, $0x38;
	[tilespmem:$0x1E880] =	vst v63  }
0x224: {  	_ =	swait.ge [sflag:s15], $0x1400  }
0x225: {  	[sflag:s15] =	ssyncset.done $0x0  }
0x226: {  	s7 =	rddreg [dreg:$0x9];
	[sflag:s15] =	ssyncadd.s32 $0xFFFFEC00  }
0x227: {  	[hbm4b:s7+s1] =	stream.linear.scatter [tilespmem:s14], [sflag:$0x4], $0x1400, $0x38;
	[tilespmem:$0x1E880] =	vst v63  }
0x228: {  	_ =	swait.ge [sflag:s15], $0x1400  }
0x229: {  	[sflag:s15] =	ssyncset.done $0x0  }
0x22a: {  	s9 =	rddreg [dreg:$0x19];
	[sflag:s15] =	ssyncadd.s32 $0xFFFFEC00  }
0x22b: {  	[tilespmem:s14], [sflag:$0x4] =	stream.linear.gather [spmem:s9], $0x1400, $0x38;
	[tilespmem:$0x1E880] =	vst v63  }
0x22c: {  	_ =	swait.ge [sflag:s15], $0x1400  }
0x22d: {  	[sflag:s15] =	ssyncset.done $0x0  }
0x22e: {  	s10 =	rddreg [dreg:$0xa];
	[sflag:s15] =	ssyncadd.s32 $0xFFFFEC00  }
0x22f: {  	[hbm4b:s10+s1] =	stream.linear.scatter [tilespmem:s14], [sflag:$0x4], $0x1400, $0x38;
	[tilespmem:$0x1E880] =	vst v63  }
0x230: {  	_ =	swait.ge [sflag:s15], $0x1400  }
0x231: {  	[sflag:s15] =	ssyncset.done $0x0  }
0x232: {  	s2 =	rddreg [dreg:$0x1a];
	[sflag:s15] =	ssyncadd.s32 $0xFFFFEC00  }
0x233: {  	[tilespmem:s14], [sflag:$0x4] =	stream.linear.gather [spmem:s2], $0x1400, $0x38;
	[tilespmem:$0x1E880] =	vst v63  }
0x234: {  	_ =	swait.ge [sflag:s15], $0x1400  }
0x235: {  	[sflag:s15] =	ssyncset.done $0x0  }
0x236: {  	s4 =	rddreg [dreg:$0xb];
	[sflag:s15] =	ssyncadd.s32 $0xFFFFEC00  }
0x237: {  	[hbm4b:s4+s1] =	stream.linear.scatter [tilespmem:s14], [sflag:$0x4], $0x1400, $0x38;
	[tilespmem:$0x1E880] =	vst v63  }
0x238: {  	_ =	swait.ge [sflag:s15], $0x1400  }
0x239: {  	[sflag:s15] =	ssyncset.done $0x0  }
0x23a: {  	s5 =	rddreg [dreg:$0x1b];
	[sflag:s15] =	ssyncadd.s32 $0xFFFFEC00  }
0x23b: {  	[tilespmem:s14], [sflag:$0x4] =	stream.linear.gather [spmem:s5], $0x1400, $0x38;
	[tilespmem:$0x1E880] =	vst v63  }
0x23c: {  	_ =	swait.ge [sflag:s15], $0x1400  }
0x23d: {  	[sflag:s15] =	ssyncset.done $0x0  }
0x23e: {  	s6 =	rddreg [dreg:$0xc];
	[sflag:s15] =	ssyncadd.s32 $0xFFFFEC00  }
0x23f: {  	[hbm4b:s6+s1] =	stream.linear.scatter [tilespmem:s14], [sflag:$0x4], $0x1400, $0x38;
	[tilespmem:$0x1E880] =	vst v63  }
0x240: {  	_ =	swait.ge [sflag:s15], $0x1400  }
0x241: {  	[sflag:s15] =	ssyncset.done $0x0  }
0x242: {  	s7 =	rddreg [dreg:$0x1c];
	[sflag:s15] =	ssyncadd.s32 $0xFFFFEC00  }
0x243: {  	[tilespmem:s14], [sflag:$0x4] =	stream.linear.gather [spmem:s7], $0x1400, $0x38;
	[tilespmem:$0x1E880] =	vst v63  }
0x244: {  	_ =	swait.ge [sflag:s15], $0x1400  }
0x245: {  	[sflag:s15] =	ssyncset.done $0x0  }
0x246: {  	s9 =	rddreg [dreg:$0xd];
	[sflag:s15] =	ssyncadd.s32 $0xFFFFEC00  }
0x247: {  	[hbm4b:s9+s1] =	stream.linear.scatter [tilespmem:s14], [sflag:$0x4], $0x1400, $0x38;
	[tilespmem:$0x1E880] =	vst v63  }
0x248: {  	_ =	swait.ge [sflag:s15], $0x1400  }
0x249: {  	[sflag:s15] =	ssyncset.done $0x0  }
0x24a: {  	s10 =	rddreg [dreg:$0x1d];
	[sflag:s15] =	ssyncadd.s32 $0xFFFFEC00  }
0x24b: {  	[tilespmem:s14], [sflag:$0x4] =	stream.linear.gather [spmem:s10], $0x1400, $0x38;
	[tilespmem:$0x1E880] =	vst v63  }
0x24c: {  	_ =	swait.ge [sflag:s15], $0x1400  }
0x24d: {  	[sflag:s15] =	ssyncset.done $0x0  }
0x24e: {  	s2 =	rddreg [dreg:$0xe];
	[sflag:s15] =	ssyncadd.s32 $0xFFFFEC00  }
0x24f: {  	[hbm4b:s2+s1] =	stream.linear.scatter [tilespmem:s14], [sflag:$0x4], $0x1400, $0x38;
	[tilespmem:$0x1E880] =	vst v63  }
0x250: {  	_ =	swait.ge [sflag:s15], $0x1400  }
0x251: {  	[sflag:s15] =	ssyncset.done $0x0  }
0x252: {  	s4 =	rddreg [dreg:$0x1e];
	[sflag:s15] =	ssyncadd.s32 $0xFFFFEC00  }
0x253: {  	[tilespmem:s14], [sflag:$0x4] =	stream.linear.gather [spmem:s4], $0x1400, $0x38;
	[tilespmem:$0x1E880] =	vst v63  }
0x254: {  	_ =	swait.ge [sflag:s15], $0x1400  }
0x255: {  	[sflag:s15] =	ssyncset.done $0x0  }
0x256: {  	s5 =	rddreg [dreg:$0xf];
	[sflag:s15] =	ssyncadd.s32 $0xFFFFEC00  }
0x257: {  	[hbm4b:s5+s1] =	stream.linear.scatter [tilespmem:s14], [sflag:$0x4], $0x1400, $0x38;
	[tilespmem:$0x1E880] =	vst v63  }
0x258: {  	_ =	swait.ge [sflag:s15], $0x1400  }
0x259: {  	[sflag:s15] =	ssyncset.done $0x0  }
0x25a: {  	s7 =	rddreg [dreg:$0x1f];
	[sflag:s15] =	ssyncadd.s32 $0xFFFFEC00  }
0x25b: {  	[tilespmem:s14], [sflag:$0x4] =	stream.linear.gather [spmem:s7], $0x1400, $0x38;
	[tilespmem:$0x1E880] =	vst v63  }
0x25c: {  	_ =	swait.ge [sflag:s15], $0x1400  }
0x25d: {  	[sflag:s15] =	ssyncset.done $0x0  }
0x25e: {  	s6 =	rddreg [dreg:$0x10];
	[sflag:s15] =	ssyncadd.s32 $0xFFFFEC00  }
0x25f: {  	[hbm4b:s6+s1] =	stream.linear.scatter [tilespmem:s14], [sflag:$0x4], $0x1400, $0x38;
	[tilespmem:$0x1E880] =	vst v63  }
0x260: {  	_ =	swait.ge [sflag:s15], $0x1400  }
0x261: {  	s6 =	sld [smem:$0x7FD]  }
0x262: {  	[sflag:s15] =	ssyncset.done $0x0  }
0x263: {  	[sflag:s15] =	ssyncadd.s32 $0xFFFFEC00  }
0x264: {  	[tilespmem:s14], [sflag:$0x4] =	stream.linear.gather [spmem:s6], $0x1400, $0x38;
	[tilespmem:$0x1E880] =	vst v63  }
0x265: {  	_ =	swait.ge [sflag:s15], $0x1400  }
0x266: {  	[sflag:s15] =	ssyncset.done $0x0  }
0x267: {  	s9 =	rddreg [dreg:$0x11];
	[sflag:s15] =	ssyncadd.s32 $0xFFFFEC00  }
0x268: {  	[hbm4b:s9+s1] =	stream.linear.scatter [tilespmem:s14], [sflag:$0x4], $0x1400, $0x38;
	[tilespmem:$0x1E880] =	vst v63  }
0x269: {  	_ =	swait.ge [sflag:s15], $0x1400  }
0x26a: {  	s2 =	sld [smem:$0x7FA]  }
0x26b: {  	[sflag:s15] =	ssyncset.done $0x0  }
0x26c: {  	s0 =	simm.s32 @!p0 $0x8800;
	[sflag:s15] =	ssyncadd.s32 $0xFFFFEC00  }
0x26d: {  	[tilespmem:s0], [sflag:$0x4] =	stream.linear.gather @!p0 [spmem:s2], $0x1400, $0x38;
	[tilespmem:$0x1E880] =	vst v63  }
0x26e: {  	s2 =	simm.s32 @!p0 $0x4  }
0x26f: {  	_ =	swait.ge @!p0 [sflag:s2], $0x1400  }
0x270: {  	[sflag:s2] =	ssyncset.done @!p0 $0x0  }
0x271: {  	s4 =	simm.s32 @!p0 $0x0;
	s5 =	rddreg [dreg:$0x12];
	[sflag:s2] =	ssyncadd.s32 @!p0 $0xFFFFEC00  }
0x272: {  	[hbm4b:s5+s4] =	stream.linear.scatter @!p0 [tilespmem:s0], [sflag:$0x4], $0x1400, $0x38;
	[tilespmem:$0x1E880] =	vst v63  }
0x273: {  	_ =	swait.ge @!p0 [sflag:s2], $0x1400  }
0x274: {  	s10 =	sld [smem:$0x7FC];
	_ =	sdelay $0x1  }
0x275: {  	s29 =	sadd.s32 $0x1, s29  }
0x276: {  	p1 =	sne.s32 s29, s10  }
.Ltmp5:
0x277: {  	_ = 	snop;
	(pc) =	sbr.rel @p1 .LBB2_1-.Ltmp5, $3  }
0x278: {  	_ =	sdelay $0x1  }
0x279: {  	[sflag:s2] =	ssyncset.done @!p0 $0x0  }
0x27a: {  	[sflag:s2] =	ssyncadd.s32 @!p0 $0xFFFFEC00  }
0x27b: {  	_ =	sfence.sel $0x180000  }
0x27c: {  	[bflag:$0x0] =	sbarrier.arrive $0xFFFF  }
0x27d: {  	_ =	strace $0x90000047  }
0x27e: {  	s0 =	stileid.u32;
	[bflag:$0x2] =	sbarrier.arrive $0xFFFF  }
0x27f: {  	p0 =	sne.s32 s0, $0x0;
	s0 =	rddreg [dreg:$0x2]  }
0x280: {  	s0 =	sadd.s32 @!p0 $0x100000, s0  }
0x281: {  	[sflag:s0] =	ssyncadd.tile.s32 @!p0 $0x1;
	_ =	shalt  }
.Lfunc_end2:
_tile_overlayer_lowered:
.L_overlay_start_2:
0x282: {  	(tag) =	ssettag $0x2  }
0x283: {  	s0 =	rddreg [dreg:$0x0];
	s2 =	stileid.u32  }
0x284: {  	s1 =	rddreg [dreg:$0x1];
	p0 =	sne.s32 s2, $0x0  }
0x285: {  	s3 =	rddreg [dreg:$0x2];
	[bflag:$0x3] =	sbarrier.arrive $0xFFFF;
	s2 =	simm.s32 @!p0 $0x1C04  }
0x286: {  	[timem:s3], [sflag:s2] =	dma.local @!p0 [hbm:s0], s1  }
0x287: {  	s0 =	simm.s32 @!p0 $0x4  }
0x288: {  	_ =	swait.ge @!p0 [sflag:s0], s1  }
0x289: {  	s1 =	ssub.s32 @!p0 $0x0, s1;
	[sflag:s0] =	ssyncset.done @!p0 $0x0  }
0x28a: {  	[sflag:s0] =	ssyncadd.s32 @!p0 s1  }
0x28b: {  	[bflag:$0x3] =	sbarrier.arrive $0xFFFF  }
0x28c: {  	_ =	shalt  }

</sc_bundles>
